<compile_context>
chip_gen: v7x
topology: tpu7x:2x2x1
jax: 0.10.2.dev20260603
libtpu: 0.0.44.dev20260713+nightly
codegen_flags: <defaults>
</compile_context>

<pallas_src>
import functools

import jax
import jax.numpy as jnp
from jax import lax
from jax.experimental import pallas as pl
from jax.experimental.pallas import tpu as pltpu
from jax.experimental.pallas import tpu_sc as plsc

N_NODES = 50000
N_EDGES = 800000
N_GRAPHS = 512
VOCAB = 100000
EMB = 64
HID = 128

NC, NS = 2, 16
NW = NC * NS
NPAD = 50176
NCHUNK = 4
CHN = NPAD // NCHUNK
EPAD = 800768
EPS = EPAD // NS
EBLK = EPS // 128
BLK = 512
NBLK = NPAD // BLK
RPT = CHN // NS

_mesh = plsc.VectorSubcoreMesh(core_axis_name="c", subcore_axis_name="s",
                               num_cores=NC, num_subcores=NS)


GC = 112
RPW = NPAD // NW


@functools.partial(
    pl.kernel,
    out_type=jax.ShapeDtypeStruct((NPAD, HID), jnp.float32),
    mesh=_mesh,
    scratch_types=[
        pltpu.VMEM((RPW,), jnp.int32),
        pltpu.VMEM((GC, HID), jnp.float32),
    ],
)
def _emb_kernel(x_hbm, table_hbm, h0_hbm, idx_v, rows0):
    cid = lax.axis_index("c")
    sid = lax.axis_index("s")
    wid = sid * NC + cid
    base = wid * RPW
    pltpu.sync_copy(x_hbm.at[pl.ds(pl.multiple_of(base, RPW), RPW)], idx_v)
    for j in range(RPW // GC):
        pltpu.sync_copy(table_hbm.at[idx_v.at[pl.ds(j * GC, GC)]], rows0)
        r0 = pl.multiple_of(base + j * GC, 8)
        pltpu.sync_copy(rows0, h0_hbm.at[pl.ds(r0, GC)])


ACCR = CHN + 8


@functools.partial(
    pl.kernel,
    out_type=jax.ShapeDtypeStruct((NPAD, HID), jnp.float32),
    mesh=_mesh,
    scratch_types=[
        pltpu.VMEM((128,), jnp.int32),
        pltpu.VMEM((128,), jnp.int32),
        pltpu.VMEM((128,), jnp.int32),
        pltpu.VMEM((128, HID), jnp.float32),
        pltpu.VMEM_SHARED((ACCR, HID), jnp.float32),
    ],
)
def _agg_kernel(src_hbm, dst_hbm, h_hbm, z_hbm, out_hbm,
                srcv, dstv, ldst, rows, acc):
    cid = lax.axis_index("c")
    sid = lax.axis_index("s")
    for ci in range(NCHUNK // NC):
        b = cid * (NCHUNK // NC) + ci
        lo = b * CHN
        pltpu.sync_copy(z_hbm.at[pl.ds(0, RPT)],
                        acc.at[pl.ds(pl.multiple_of(sid * RPT, 8), RPT)])

        @pl.when(sid == 0)
        def _():
            pltpu.sync_copy(z_hbm.at[pl.ds(0, 8)], acc.at[pl.ds(CHN, 8)])

        plsc.subcore_barrier()

        def blk(j, _):
            e0 = sid * EPS + j * 128
            pltpu.sync_copy(src_hbm.at[pl.ds(e0, 128)], srcv)
            pltpu.sync_copy(dst_hbm.at[pl.ds(e0, 128)], dstv)
            for g in range(8):
                d16 = dstv[pl.ds(g * 16, 16)]
                m = (d16 >= lo) & (d16 < lo + CHN)
                ldst[pl.ds(g * 16, 16)] = jnp.where(m, d16 - lo, CHN)
            pltpu.sync_copy(h_hbm.at[srcv], rows)
            pltpu.sync_copy(rows, acc.at[ldst], add=True)
            return 0

        lax.fori_loop(0, EBLK, blk, 0)

        plsc.subcore_barrier()
        r0 = pl.multiple_of(sid * RPT, 8)
        pltpu.sync_copy(acc.at[pl.ds(r0, RPT)],
                        out_hbm.at[pl.ds(lo + r0, RPT)])
        if ci + 1 < NCHUNK // NC:
            plsc.subcore_barrier()


def _tc1_body(h0_ref, agg_ref, wl_ref, b_ref, wr_ref, out_ref):
    deg = jnp.maximum(agg_ref[:, EMB:EMB + 1], 1.0)
    mean = agg_ref[:, :EMB] / deg
    out_ref[...] = jnp.maximum(
        jnp.dot(mean, wl_ref[...], preferred_element_type=jnp.float32)
        + b_ref[...]
        + jnp.dot(h0_ref[:, :EMB], wr_ref[...],
                  preferred_element_type=jnp.float32),
        0.0)


def _tc2_body(agg2_ref, agg1_ref, h1_ref, batch_ref, wl_ref, b_ref, wr_ref,
              wlin_ref, blin_ref, out_ref, gsum, gcnt):
    i = pl.program_id(0)

    @pl.when(i == 0)
    def _():
        gsum[...] = jnp.zeros_like(gsum)
        gcnt[...] = jnp.zeros_like(gcnt)

    deg = jnp.maximum(agg1_ref[:, EMB:EMB + 1], 1.0)
    mean = agg2_ref[...] / deg
    h2 = jnp.maximum(
        jnp.dot(mean, wl_ref[...], preferred_element_type=jnp.float32)
        + b_ref[...]
        + jnp.dot(h1_ref[...], wr_ref[...], preferred_element_type=jnp.float32),
        0.0)
    bids = batch_ref[0, 0, :]
    gid = lax.broadcasted_iota(jnp.int32, (N_GRAPHS, BLK), 0)
    onehot = (gid == bids[None, :]).astype(jnp.float32)
    gsum[...] = gsum[...] + jnp.dot(onehot, h2,
                                    preferred_element_type=jnp.float32)
    gcnt[...] = gcnt[...] + jnp.sum(onehot, axis=1, keepdims=True)

    @pl.when(i == NBLK - 1)
    def _():
        g = gsum[...] / jnp.maximum(gcnt[...], 1.0)
        out_ref[...] = (jnp.dot(g, wlin_ref[...],
                                preferred_element_type=jnp.float32)
                        + blin_ref[...])


def kernel(x, edge_index, batch, emb_table, W1l, b1, W1r, W2l, b2, W2r,
           Wlin, blin):
    x = x.astype(jnp.int32)
    xp = jnp.pad(x, (0, NPAD - N_NODES))
    src = jnp.pad(edge_index[0].astype(jnp.int32), (0, EPAD - N_EDGES))
    dst = jnp.pad(edge_index[1].astype(jnp.int32), (0, EPAD - N_EDGES),
                  constant_values=NPAD)
    batchp = jnp.pad(batch.astype(jnp.int32), (0, NPAD - N_NODES),
                     constant_values=N_GRAPHS).reshape(NBLK, 1, BLK)
    tpad = jnp.concatenate(
        [emb_table, jnp.ones((VOCAB, 1), jnp.float32),
         jnp.zeros((VOCAB, HID - EMB - 1), jnp.float32)], axis=1)
    z = jnp.zeros((RPT, HID), jnp.float32)

    h0 = _emb_kernel(xp, tpad)
    agg1 = _agg_kernel(src, dst, h0, z)

    h1 = pl.pallas_call(
        _tc1_body,
        grid=(NBLK,),
        in_specs=[
            pl.BlockSpec((BLK, HID), lambda i: (i, 0)),
            pl.BlockSpec((BLK, HID), lambda i: (i, 0)),
            pl.BlockSpec((EMB, HID), lambda i: (0, 0)),
            pl.BlockSpec((1, HID), lambda i: (0, 0)),
            pl.BlockSpec((EMB, HID), lambda i: (0, 0)),
        ],
        out_specs=pl.BlockSpec((BLK, HID), lambda i: (i, 0)),
        out_shape=jax.ShapeDtypeStruct((NPAD, HID), jnp.float32),
    )(h0, agg1, W1l, b1.reshape(1, HID), W1r)

    agg2 = _agg_kernel(src, dst, h1, z)

    out = pl.pallas_call(
        _tc2_body,
        grid=(NBLK,),
        in_specs=[
            pl.BlockSpec((BLK, HID), lambda i: (i, 0)),
            pl.BlockSpec((BLK, HID), lambda i: (i, 0)),
            pl.BlockSpec((BLK, HID), lambda i: (i, 0)),
            pl.BlockSpec((1, 1, BLK), lambda i: (i, 0, 0)),
            pl.BlockSpec((HID, HID), lambda i: (0, 0)),
            pl.BlockSpec((1, HID), lambda i: (0, 0)),
            pl.BlockSpec((HID, HID), lambda i: (0, 0)),
            pl.BlockSpec((HID, 2), lambda i: (0, 0)),
            pl.BlockSpec((1, 2), lambda i: (0, 0)),
        ],
        out_specs=pl.BlockSpec((N_GRAPHS, 2), lambda i: (0, 0)),
        out_shape=jax.ShapeDtypeStruct((N_GRAPHS, 2), jnp.float32),
        scratch_shapes=[
            pltpu.VMEM((N_GRAPHS, HID), jnp.float32),
            pltpu.VMEM((N_GRAPHS, 1), jnp.float32),
        ],
    )(agg2, agg1, h1, batchp, W2l, b2.reshape(1, HID), W2r, Wlin,
      blin.reshape(1, 2))
    return out

# --- scband reference (transcript-rebuilt; emitter-appended) ---
"""Pipeline reference for scband-gnn-88648124990605 (READ-ONLY COPY).

The authoritative reference and input builder live on the scoring server;
editing this copy changes nothing except your own understanding.
"""

import jax, jax.numpy as jnp
import numpy as np

N_NODES = 50000
N_EDGES = 800000
VOCAB = 100000
EMB = 64
HID = 128
CLASSES = 2
N_GRAPHS = 512


def setup_inputs(seed: int = 0) -> dict:
    key = jax.random.key(seed)
    ks = jax.random.split(key, 16)
    x = jax.random.randint(ks[0], (N_NODES,), 0, VOCAB)
    edge_index = jax.random.randint(ks[1], (2, N_EDGES), 0, N_NODES)
    batch = jnp.sort(jax.random.randint(ks[2], (N_NODES,), 0, N_GRAPHS))
    emb_table = jax.random.normal(ks[3], (VOCAB, EMB), jnp.float32) * 0.05
    W1l = jax.random.normal(ks[4], (EMB, HID), jnp.float32) * (1.0 / np.sqrt(EMB))
    b1 = jnp.zeros((HID,), jnp.float32)
    W1r = jax.random.normal(ks[5], (EMB, HID), jnp.float32) * (1.0 / np.sqrt(EMB))
    W2l = jax.random.normal(ks[6], (HID, HID), jnp.float32) * (1.0 / np.sqrt(HID))
    b2 = jnp.zeros((HID,), jnp.float32)
    W2r = jax.random.normal(ks[7], (HID, HID), jnp.float32) * (1.0 / np.sqrt(HID))
    Wlin = jax.random.normal(ks[8], (HID, CLASSES), jnp.float32) * (1.0 / np.sqrt(HID))
    blin = jnp.zeros((CLASSES,), jnp.float32)
    return {"x": x, "edge_index": edge_index, "batch": batch,
            "emb_table": emb_table, "W1l": W1l, "b1": b1, "W1r": W1r,
            "W2l": W2l, "b2": b2, "W2r": W2r, "Wlin": Wlin, "blin": blin}


def _sage_conv(h, src, dst, Wl, b, Wr, n_nodes):
    # PyG SAGEConv (mean aggr): out = lin_l(mean_{j in N(i)} x_j) + lin_r(x_i)
    msgs = h[src]
    agg = jax.ops.segment_sum(msgs, dst, num_segments=n_nodes)
    deg = jax.ops.segment_sum(jnp.ones((src.shape[0], 1), h.dtype), dst, num_segments=n_nodes)
    mean = agg / jnp.clip(deg, 1.0)
    return mean @ Wl + b + h @ Wr


def reference(x, edge_index, batch, emb_table, W1l, b1, W1r, W2l, b2, W2r, Wlin, blin):
    src = edge_index[0]
    dst = edge_index[1]
    h = jnp.take(emb_table, x, axis=0)
    h = jax.nn.relu(_sage_conv(h, src, dst, W1l, b1, W1r, N_NODES))
    # dropout is identity in eval/reference
    h = jax.nn.relu(_sage_conv(h, src, dst, W2l, b2, W2r, N_NODES))
    gsum = jax.ops.segment_sum(h, batch, num_segments=N_GRAPHS)
    gcnt = jax.ops.segment_sum(jnp.ones((N_NODES, 1), h.dtype), batch, num_segments=N_GRAPHS)
    g = gsum / jnp.clip(gcnt, 1.0)
    return g @ Wlin + blin

if __name__ == "__main__":
    import jax
    _d = setup_inputs()
    print(jax.jit(kernel)(*tuple(_d.values())))

</pallas_src>

<mosaic_0001>
#map = affine_map<(d0, d1) -> (0)>
#map1 = affine_map<(d0, d1) -> (0, 0)>
module attributes {stable_mosaic.version = 14 : i64} {
  func.func @_agg_kernel(%arg0: i32, %arg1: i32, %arg2: memref<800768xi32, #tpu.memory_space<hbm>>, %arg3: memref<800768xi32, #tpu.memory_space<hbm>>, %arg4: memref<50176x128xf32, #tpu.memory_space<hbm>>, %arg5: memref<784x128xf32, #tpu.memory_space<hbm>>, %arg6: memref<50176x128xf32, #tpu.memory_space<hbm>>, %arg7: memref<128xi32, #tpu.memory_space<vmem>>, %arg8: memref<128xi32, #tpu.memory_space<vmem>>, %arg9: memref<128xi32, #tpu.memory_space<vmem>>, %arg10: memref<128x128xf32, #tpu.memory_space<vmem>>, %arg11: memref<12552x128xf32, #tpu.memory_space<vmem_shared>>) attributes {dimension_semantics = [#tpu.dimension_semantics<core_parallel>, #tpu.dimension_semantics<subcore_parallel>], iteration_bounds = array<i64: 2, 16>, scalar_prefetch = 0 : i64, scratch_operands = 5 : i64, tpu.core_type = #tpu.core_type<sc_vector_subcore>, window_params = [{transform_indices = #map}, {transform_indices = #map}, {transform_indices = #map1}, {transform_indices = #map1}, {transform_indices = #map1}]} {
    %mul3A = arith.constant 2 : i32
    %mul3A_0 = arith.muli %arg0, %mul3A : i32
    %add3A = arith.constant 0 : i32
    %add3A_1 = arith.addi %mul3A_0, %add3A : i32
    %mul3A_2 = arith.constant 12544 : i32
    %mul3A_3 = arith.muli %add3A_1, %mul3A_2 : i32
    %mul3A_4 = arith.constant 784 : i32
    %mul3A_5 = arith.muli %arg1, %mul3A_4 : i32
    %multiple_of3A = tpu.assume_multiple %mul3A_5, 8 : i32
    "tpu.region"() ({
      %run_scoped3A = tpu.sem_alloc : memref<!tpu.dma_semaphore, #tpu.memory_space<semaphore_mem>>
      %dma_start3A = arith.constant 0 : i32
      %dma_start3A_47 = tpu.memref_slice %arg11[%multiple_of3A, %dma_start3A] : memref<12552x128xf32, #tpu.memory_space<vmem_shared>> -> memref<784x128xf32, #tpu.memory_space<vmem_shared>>
      %dma_start3A_48 = arith.constant 0 : i32
      %dma_start3A_49 = arith.constant 0 : i32
      %dma_start3A_50 = tpu.memref_slice %arg5[%dma_start3A_48, %dma_start3A_49] : memref<784x128xf32, #tpu.memory_space<hbm>> -> memref<784x128xf32, #tpu.memory_space<hbm>>
      tpu.enqueue_dma source(%dma_start3A_50 : memref<784x128xf32, #tpu.memory_space<hbm>>) target(%dma_start3A_47 : memref<784x128xf32, #tpu.memory_space<vmem_shared>>) target_semaphore(%run_scoped3A : memref<!tpu.dma_semaphore, #tpu.memory_space<semaphore_mem>>)
      %dma_wait3A = arith.constant 0 : i32
      %dma_wait3A_51 = tpu.memref_slice %arg11[%multiple_of3A, %dma_wait3A] : memref<12552x128xf32, #tpu.memory_space<vmem_shared>> -> memref<784x128xf32, #tpu.memory_space<vmem_shared>>
      %dma_wait3A_52 = arith.constant 0 : i32
      %dma_wait3A_53 = arith.constant 0 : i32
      %dma_wait3A_54 = tpu.memref_slice %arg5[%dma_wait3A_52, %dma_wait3A_53] : memref<784x128xf32, #tpu.memory_space<hbm>> -> memref<784x128xf32, #tpu.memory_space<hbm>>
      tpu.wait_dma2 semaphore(%run_scoped3A : memref<!tpu.dma_semaphore, #tpu.memory_space<semaphore_mem>>) src(%dma_wait3A_54 : memref<784x128xf32, #tpu.memory_space<hbm>>) dst(%dma_wait3A_51 : memref<784x128xf32, #tpu.memory_space<vmem_shared>>)
      tpu.yield
    }) : () -> ()
    %eq3A = arith.constant 0 : i32
    %eq3A_6 = arith.cmpi eq, %arg1, %eq3A : i32
    %convert_element_type3A = arith.extui %eq3A_6 : i1 to i32
    %cond3A = arith.constant 0 : i32
    %cond3A_7 = arith.cmpi ne, %convert_element_type3A, %cond3A : i32
    scf.if %cond3A_7 {
      "tpu.region"() ({
        %run_scoped3A = tpu.sem_alloc : memref<!tpu.dma_semaphore, #tpu.memory_space<semaphore_mem>>
        %dma_start3A = arith.constant 12544 : i32
        %dma_start3A_47 = arith.constant 0 : i32
        %dma_start3A_48 = tpu.memref_slice %arg11[%dma_start3A, %dma_start3A_47] : memref<12552x128xf32, #tpu.memory_space<vmem_shared>> -> memref<8x128xf32, #tpu.memory_space<vmem_shared>>
        %dma_start3A_49 = arith.constant 0 : i32
        %dma_start3A_50 = arith.constant 0 : i32
        %dma_start3A_51 = tpu.memref_slice %arg5[%dma_start3A_49, %dma_start3A_50] : memref<784x128xf32, #tpu.memory_space<hbm>> -> memref<8x128xf32, #tpu.memory_space<hbm>>
        tpu.enqueue_dma source(%dma_start3A_51 : memref<8x128xf32, #tpu.memory_space<hbm>>) target(%dma_start3A_48 : memref<8x128xf32, #tpu.memory_space<vmem_shared>>) target_semaphore(%run_scoped3A : memref<!tpu.dma_semaphore, #tpu.memory_space<semaphore_mem>>)
        %dma_wait3A = arith.constant 12544 : i32
        %dma_wait3A_52 = arith.constant 0 : i32
        %dma_wait3A_53 = tpu.memref_slice %arg11[%dma_wait3A, %dma_wait3A_52] : memref<12552x128xf32, #tpu.memory_space<vmem_shared>> -> memref<8x128xf32, #tpu.memory_space<vmem_shared>>
        %dma_wait3A_54 = arith.constant 0 : i32
        %dma_wait3A_55 = arith.constant 0 : i32
        %dma_wait3A_56 = tpu.memref_slice %arg5[%dma_wait3A_54, %dma_wait3A_55] : memref<784x128xf32, #tpu.memory_space<hbm>> -> memref<8x128xf32, #tpu.memory_space<hbm>>
        tpu.wait_dma2 semaphore(%run_scoped3A : memref<!tpu.dma_semaphore, #tpu.memory_space<semaphore_mem>>) src(%dma_wait3A_56 : memref<8x128xf32, #tpu.memory_space<hbm>>) dst(%dma_wait3A_53 : memref<8x128xf32, #tpu.memory_space<vmem_shared>>)
        tpu.yield
      }) : () -> ()
    } else {
    }
    %barrier3A = arith.constant 0 : index
    tpu.barrier barrier_id(%barrier3A)
    %scan3A = arith.constant 0 : i32
    %scan3A_8 = arith.constant 0 : i32
    %scan3A_9 = arith.constant 391 : i32
    %scan3A_10 = arith.addi %scan3A_8, %scan3A_9 : i32
    %scan3A_11 = arith.constant 1 : i32
    %scan3A_12 = scf.for %scan3A_47 = %scan3A_8 to %scan3A_10 step %scan3A_11 iter_args(%scan3A_48 = %scan3A) -> (i32)  : i32 {
      %mul3A_49 = arith.constant 50048 : i32
      %mul3A_50 = arith.muli %arg1, %mul3A_49 : i32
      %mul3A_51 = arith.constant 128 : i32
      %mul3A_52 = arith.muli %scan3A_47, %mul3A_51 : i32
      %add3A_53 = arith.addi %mul3A_50, %mul3A_52 : i32
      "tpu.region"() ({
        %run_scoped3A = tpu.sem_alloc : memref<!tpu.dma_semaphore, #tpu.memory_space<semaphore_mem>>
        %dma_start3A = tpu.memref_slice %arg2[%add3A_53] : memref<800768xi32, #tpu.memory_space<hbm>> -> memref<128xi32, #tpu.memory_space<hbm>>
        %dma_start3A_198 = tpu.memref_slice %arg2[%add3A_53] : memref<800768xi32, #tpu.memory_space<hbm>> -> memref<128xi32, #tpu.memory_space<hbm>>
        tpu.enqueue_dma source(%dma_start3A_198 : memref<128xi32, #tpu.memory_space<hbm>>) target(%arg7 : memref<128xi32, #tpu.memory_space<vmem>>) target_semaphore(%run_scoped3A : memref<!tpu.dma_semaphore, #tpu.memory_space<semaphore_mem>>)
        %dma_wait3A = tpu.memref_slice %arg2[%add3A_53] : memref<800768xi32, #tpu.memory_space<hbm>> -> memref<128xi32, #tpu.memory_space<hbm>>
        %dma_wait3A_199 = tpu.memref_slice %arg2[%add3A_53] : memref<800768xi32, #tpu.memory_space<hbm>> -> memref<128xi32, #tpu.memory_space<hbm>>
        tpu.wait_dma2 semaphore(%run_scoped3A : memref<!tpu.dma_semaphore, #tpu.memory_space<semaphore_mem>>) src(%dma_wait3A_199 : memref<128xi32, #tpu.memory_space<hbm>>) dst(%arg7 : memref<128xi32, #tpu.memory_space<vmem>>)
        tpu.yield
      }) : () -> ()
      "tpu.region"() ({
        %run_scoped3A = tpu.sem_alloc : memref<!tpu.dma_semaphore, #tpu.memory_space<semaphore_mem>>
        %dma_start3A = tpu.memref_slice %arg3[%add3A_53] : memref<800768xi32, #tpu.memory_space<hbm>> -> memref<128xi32, #tpu.memory_space<hbm>>
        %dma_start3A_198 = tpu.memref_slice %arg3[%add3A_53] : memref<800768xi32, #tpu.memory_space<hbm>> -> memref<128xi32, #tpu.memory_space<hbm>>
        tpu.enqueue_dma source(%dma_start3A_198 : memref<128xi32, #tpu.memory_space<hbm>>) target(%arg8 : memref<128xi32, #tpu.memory_space<vmem>>) target_semaphore(%run_scoped3A : memref<!tpu.dma_semaphore, #tpu.memory_space<semaphore_mem>>)
        %dma_wait3A = tpu.memref_slice %arg3[%add3A_53] : memref<800768xi32, #tpu.memory_space<hbm>> -> memref<128xi32, #tpu.memory_space<hbm>>
        %dma_wait3A_199 = tpu.memref_slice %arg3[%add3A_53] : memref<800768xi32, #tpu.memory_space<hbm>> -> memref<128xi32, #tpu.memory_space<hbm>>
        tpu.wait_dma2 semaphore(%run_scoped3A : memref<!tpu.dma_semaphore, #tpu.memory_space<semaphore_mem>>) src(%dma_wait3A_199 : memref<128xi32, #tpu.memory_space<hbm>>) dst(%arg8 : memref<128xi32, #tpu.memory_space<vmem>>)
        tpu.yield
      }) : () -> ()
      %get3A = arith.constant 0 : index
      %get3A_54 = tpu.vector_load %arg8[%get3A] {strides = array<i32>} : memref<128xi32, #tpu.memory_space<vmem>>, vector<16xi32>,
      %get3A_55 = vector.shape_cast %get3A_54 : vector<16xi32> to vector<16xi32>
      %ge3A = vector.broadcast %mul3A_3 : i32 to vector<16xi32>
      %ge3A_56 = arith.cmpi sge, %get3A_55, %ge3A : vector<16xi32>
      %add3A_57 = arith.constant 12544 : i32
      %add3A_58 = arith.addi %mul3A_3, %add3A_57 : i32
      %lt3A = vector.broadcast %add3A_58 : i32 to vector<16xi32>
      %lt3A_59 = arith.cmpi slt, %get3A_55, %lt3A : vector<16xi32>
      %and3A = arith.andi %ge3A_56, %lt3A_59 : vector<16xi1>
      %sub3A = vector.broadcast %mul3A_3 : i32 to vector<16xi32>
      %sub3A_60 = arith.subi %get3A_55, %sub3A : vector<16xi32>
      %jit3A = arith.constant 12544 : i32
      %broadcast_in_dim3A = vector.broadcast %jit3A : i32 to vector<16xi32>
      %select_n3A = arith.select %and3A, %sub3A_60, %broadcast_in_dim3A : vector<16xi1>, vector<16xi32>
      %swap3A = arith.constant 0 : index
      %swap3A_61 = tpu.vector_load %arg9[%swap3A] {strides = array<i32>} : memref<128xi32, #tpu.memory_space<vmem>>, vector<16xi32>,
      %swap3A_62 = vector.shape_cast %swap3A_61 : vector<16xi32> to vector<16xi32>
      %swap3A_63 = vector.shape_cast %select_n3A : vector<16xi32> to vector<16xi32>
      tpu.vector_store %arg9[%swap3A], %swap3A_63 {strides = array<i32>} : memref<128xi32, #tpu.memory_space<vmem>>, vector<16xi32>,
      %get3A_64 = arith.constant 16 : index
      %get3A_65 = tpu.vector_load %arg8[%get3A_64] {strides = array<i32>} : memref<128xi32, #tpu.memory_space<vmem>>, vector<16xi32>,
      %get3A_66 = vector.shape_cast %get3A_65 : vector<16xi32> to vector<16xi32>
      %ge3A_67 = vector.broadcast %mul3A_3 : i32 to vector<16xi32>
      %ge3A_68 = arith.cmpi sge, %get3A_66, %ge3A_67 : vector<16xi32>
      %add3A_69 = arith.constant 12544 : i32
      %add3A_70 = arith.addi %mul3A_3, %add3A_69 : i32
      %lt3A_71 = vector.broadcast %add3A_70 : i32 to vector<16xi32>
      %lt3A_72 = arith.cmpi slt, %get3A_66, %lt3A_71 : vector<16xi32>
      %and3A_73 = arith.andi %ge3A_68, %lt3A_72 : vector<16xi1>
      %sub3A_74 = vector.broadcast %mul3A_3 : i32 to vector<16xi32>
      %sub3A_75 = arith.subi %get3A_66, %sub3A_74 : vector<16xi32>
      %jit3A_76 = arith.constant 12544 : i32
      %broadcast_in_dim3A_77 = vector.broadcast %jit3A_76 : i32 to vector<16xi32>
      %select_n3A_78 = arith.select %and3A_73, %sub3A_75, %broadcast_in_dim3A_77 : vector<16xi1>, vector<16xi32>
      %swap3A_79 = arith.constant 16 : index
      %swap3A_80 = tpu.vector_load %arg9[%swap3A_79] {strides = array<i32>} : memref<128xi32, #tpu.memory_space<vmem>>, vector<16xi32>,
      %swap3A_81 = vector.shape_cast %swap3A_80 : vector<16xi32> to vector<16xi32>
      %swap3A_82 = vector.shape_cast %select_n3A_78 : vector<16xi32> to vector<16xi32>
      tpu.vector_store %arg9[%swap3A_79], %swap3A_82 {strides = array<i32>} : memref<128xi32, #tpu.memory_space<vmem>>, vector<16xi32>,
      %get3A_83 = arith.constant 32 : index
      %get3A_84 = tpu.vector_load %arg8[%get3A_83] {strides = array<i32>} : memref<128xi32, #tpu.memory_space<vmem>>, vector<16xi32>,
      %get3A_85 = vector.shape_cast %get3A_84 : vector<16xi32> to vector<16xi32>
      %ge3A_86 = vector.broadcast %mul3A_3 : i32 to vector<16xi32>
      %ge3A_87 = arith.cmpi sge, %get3A_85, %ge3A_86 : vector<16xi32>
      %add3A_88 = arith.constant 12544 : i32
      %add3A_89 = arith.addi %mul3A_3, %add3A_88 : i32
      %lt3A_90 = vector.broadcast %add3A_89 : i32 to vector<16xi32>
      %lt3A_91 = arith.cmpi slt, %get3A_85, %lt3A_90 : vector<16xi32>
      %and3A_92 = arith.andi %ge3A_87, %lt3A_91 : vector<16xi1>
      %sub3A_93 = vector.broadcast %mul3A_3 : i32 to vector<16xi32>
      %sub3A_94 = arith.subi %get3A_85, %sub3A_93 : vector<16xi32>
      %jit3A_95 = arith.constant 12544 : i32
      %broadcast_in_dim3A_96 = vector.broadcast %jit3A_95 : i32 to vector<16xi32>
      %select_n3A_97 = arith.select %and3A_92, %sub3A_94, %broadcast_in_dim3A_96 : vector<16xi1>, vector<16xi32>
      %swap3A_98 = arith.constant 32 : index
      %swap3A_99 = tpu.vector_load %arg9[%swap3A_98] {strides = array<i32>} : memref<128xi32, #tpu.memory_space<vmem>>, vector<16xi32>,
      %swap3A_100 = vector.shape_cast %swap3A_99 : vector<16xi32> to vector<16xi32>
      %swap3A_101 = vector.shape_cast %select_n3A_97 : vector<16xi32> to vector<16xi32>
      tpu.vector_store %arg9[%swap3A_98], %swap3A_101 {strides = array<i32>} : memref<128xi32, #tpu.memory_space<vmem>>, vector<16xi32>,
      %get3A_102 = arith.constant 48 : index
      %get3A_103 = tpu.vector_load %arg8[%get3A_102] {strides = array<i32>} : memref<128xi32, #tpu.memory_space<vmem>>, vector<16xi32>,
      %get3A_104 = vector.shape_cast %get3A_103 : vector<16xi32> to vector<16xi32>
      %ge3A_105 = vector.broadcast %mul3A_3 : i32 to vector<16xi32>
      %ge3A_106 = arith.cmpi sge, %get3A_104, %ge3A_105 : vector<16xi32>
      %add3A_107 = arith.constant 12544 : i32
      %add3A_108 = arith.addi %mul3A_3, %add3A_107 : i32
      %lt3A_109 = vector.broadcast %add3A_108 : i32 to vector<16xi32>
      %lt3A_110 = arith.cmpi slt, %get3A_104, %lt3A_109 : vector<16xi32>
      %and3A_111 = arith.andi %ge3A_106, %lt3A_110 : vector<16xi1>
      %sub3A_112 = vector.broadcast %mul3A_3 : i32 to vector<16xi32>
      %sub3A_113 = arith.subi %get3A_104, %sub3A_112 : vector<16xi32>
      %jit3A_114 = arith.constant 12544 : i32
      %broadcast_in_dim3A_115 = vector.broadcast %jit3A_114 : i32 to vector<16xi32>
      %select_n3A_116 = arith.select %and3A_111, %sub3A_113, %broadcast_in_dim3A_115 : vector<16xi1>, vector<16xi32>
      %swap3A_117 = arith.constant 48 : index
      %swap3A_118 = tpu.vector_load %arg9[%swap3A_117] {strides = array<i32>} : memref<128xi32, #tpu.memory_space<vmem>>, vector<16xi32>,
      %swap3A_119 = vector.shape_cast %swap3A_118 : vector<16xi32> to vector<16xi32>
      %swap3A_120 = vector.shape_cast %select_n3A_116 : vector<16xi32> to vector<16xi32>
      tpu.vector_store %arg9[%swap3A_117], %swap3A_120 {strides = array<i32>} : memref<128xi32, #tpu.memory_space<vmem>>, vector<16xi32>,
      %get3A_121 = arith.constant 64 : index
      %get3A_122 = tpu.vector_load %arg8[%get3A_121] {strides = array<i32>} : memref<128xi32, #tpu.memory_space<vmem>>, vector<16xi32>,
      %get3A_123 = vector.shape_cast %get3A_122 : vector<16xi32> to vector<16xi32>
      %ge3A_124 = vector.broadcast %mul3A_3 : i32 to vector<16xi32>
      %ge3A_125 = arith.cmpi sge, %get3A_123, %ge3A_124 : vector<16xi32>
      %add3A_126 = arith.constant 12544 : i32
      %add3A_127 = arith.addi %mul3A_3, %add3A_126 : i32
      %lt3A_128 = vector.broadcast %add3A_127 : i32 to vector<16xi32>
      %lt3A_129 = arith.cmpi slt, %get3A_123, %lt3A_128 : vector<16xi32>
      %and3A_130 = arith.andi %ge3A_125, %lt3A_129 : vector<16xi1>
      %sub3A_131 = vector.broadcast %mul3A_3 : i32 to vector<16xi32>
      %sub3A_132 = arith.subi %get3A_123, %sub3A_131 : vector<16xi32>
      %jit3A_133 = arith.constant 12544 : i32
      %broadcast_in_dim3A_134 = vector.broadcast %jit3A_133 : i32 to vector<16xi32>
      %select_n3A_135 = arith.select %and3A_130, %sub3A_132, %broadcast_in_dim3A_134 : vector<16xi1>, vector<16xi32>
      %swap3A_136 = arith.constant 64 : index
      %swap3A_137 = tpu.vector_load %arg9[%swap3A_136] {strides = array<i32>} : memref<128xi32, #tpu.memory_space<vmem>>, vector<16xi32>,
      %swap3A_138 = vector.shape_cast %swap3A_137 : vector<16xi32> to vector<16xi32>
      %swap3A_139 = vector.shape_cast %select_n3A_135 : vector<16xi32> to vector<16xi32>
      tpu.vector_store %arg9[%swap3A_136], %swap3A_139 {strides = array<i32>} : memref<128xi32, #tpu.memory_space<vmem>>, vector<16xi32>,
      %get3A_140 = arith.constant 80 : index
      %get3A_141 = tpu.vector_load %arg8[%get3A_140] {strides = array<i32>} : memref<128xi32, #tpu.memory_space<vmem>>, vector<16xi32>,
      %get3A_142 = vector.shape_cast %get3A_141 : vector<16xi32> to vector<16xi32>
      %ge3A_143 = vector.broadcast %mul3A_3 : i32 to vector<16xi32>
      %ge3A_144 = arith.cmpi sge, %get3A_142, %ge3A_143 : vector<16xi32>
      %add3A_145 = arith.constant 12544 : i32
      %add3A_146 = arith.addi %mul3A_3, %add3A_145 : i32
      %lt3A_147 = vector.broadcast %add3A_146 : i32 to vector<16xi32>
      %lt3A_148 = arith.cmpi slt, %get3A_142, %lt3A_147 : vector<16xi32>
      %and3A_149 = arith.andi %ge3A_144, %lt3A_148 : vector<16xi1>
      %sub3A_150 = vector.broadcast %mul3A_3 : i32 to vector<16xi32>
      %sub3A_151 = arith.subi %get3A_142, %sub3A_150 : vector<16xi32>
      %jit3A_152 = arith.constant 12544 : i32
      %broadcast_in_dim3A_153 = vector.broadcast %jit3A_152 : i32 to vector<16xi32>
      %select_n3A_154 = arith.select %and3A_149, %sub3A_151, %broadcast_in_dim3A_153 : vector<16xi1>, vector<16xi32>
      %swap3A_155 = arith.constant 80 : index
      %swap3A_156 = tpu.vector_load %arg9[%swap3A_155] {strides = array<i32>} : memref<128xi32, #tpu.memory_space<vmem>>, vector<16xi32>,
      %swap3A_157 = vector.shape_cast %swap3A_156 : vector<16xi32> to vector<16xi32>
      %swap3A_158 = vector.shape_cast %select_n3A_154 : vector<16xi32> to vector<16xi32>
      tpu.vector_store %arg9[%swap3A_155], %swap3A_158 {strides = array<i32>} : memref<128xi32, #tpu.memory_space<vmem>>, vector<16xi32>,
      %get3A_159 = arith.constant 96 : index
      %get3A_160 = tpu.vector_load %arg8[%get3A_159] {strides = array<i32>} : memref<128xi32, #tpu.memory_space<vmem>>, vector<16xi32>,
      %get3A_161 = vector.shape_cast %get3A_160 : vector<16xi32> to vector<16xi32>
      %ge3A_162 = vector.broadcast %mul3A_3 : i32 to vector<16xi32>
      %ge3A_163 = arith.cmpi sge, %get3A_161, %ge3A_162 : vector<16xi32>
      %add3A_164 = arith.constant 12544 : i32
      %add3A_165 = arith.addi %mul3A_3, %add3A_164 : i32
      %lt3A_166 = vector.broadcast %add3A_165 : i32 to vector<16xi32>
      %lt3A_167 = arith.cmpi slt, %get3A_161, %lt3A_166 : vector<16xi32>
      %and3A_168 = arith.andi %ge3A_163, %lt3A_167 : vector<16xi1>
      %sub3A_169 = vector.broadcast %mul3A_3 : i32 to vector<16xi32>
      %sub3A_170 = arith.subi %get3A_161, %sub3A_169 : vector<16xi32>
      %jit3A_171 = arith.constant 12544 : i32
      %broadcast_in_dim3A_172 = vector.broadcast %jit3A_171 : i32 to vector<16xi32>
      %select_n3A_173 = arith.select %and3A_168, %sub3A_170, %broadcast_in_dim3A_172 : vector<16xi1>, vector<16xi32>
      %swap3A_174 = arith.constant 96 : index
      %swap3A_175 = tpu.vector_load %arg9[%swap3A_174] {strides = array<i32>} : memref<128xi32, #tpu.memory_space<vmem>>, vector<16xi32>,
      %swap3A_176 = vector.shape_cast %swap3A_175 : vector<16xi32> to vector<16xi32>
      %swap3A_177 = vector.shape_cast %select_n3A_173 : vector<16xi32> to vector<16xi32>
      tpu.vector_store %arg9[%swap3A_174], %swap3A_177 {strides = array<i32>} : memref<128xi32, #tpu.memory_space<vmem>>, vector<16xi32>,
      %get3A_178 = arith.constant 112 : index
      %get3A_179 = tpu.vector_load %arg8[%get3A_178] {strides = array<i32>} : memref<128xi32, #tpu.memory_space<vmem>>, vector<16xi32>,
      %get3A_180 = vector.shape_cast %get3A_179 : vector<16xi32> to vector<16xi32>
      %ge3A_181 = vector.broadcast %mul3A_3 : i32 to vector<16xi32>
      %ge3A_182 = arith.cmpi sge, %get3A_180, %ge3A_181 : vector<16xi32>
      %add3A_183 = arith.constant 12544 : i32
      %add3A_184 = arith.addi %mul3A_3, %add3A_183 : i32
      %lt3A_185 = vector.broadcast %add3A_184 : i32 to vector<16xi32>
      %lt3A_186 = arith.cmpi slt, %get3A_180, %lt3A_185 : vector<16xi32>
      %and3A_187 = arith.andi %ge3A_182, %lt3A_186 : vector<16xi1>
      %sub3A_188 = vector.broadcast %mul3A_3 : i32 to vector<16xi32>
      %sub3A_189 = arith.subi %get3A_180, %sub3A_188 : vector<16xi32>
      %jit3A_190 = arith.constant 12544 : i32
      %broadcast_in_dim3A_191 = vector.broadcast %jit3A_190 : i32 to vector<16xi32>
      %select_n3A_192 = arith.select %and3A_187, %sub3A_189, %broadcast_in_dim3A_191 : vector<16xi1>, vector<16xi32>
      %swap3A_193 = arith.constant 112 : index
      %swap3A_194 = tpu.vector_load %arg9[%swap3A_193] {strides = array<i32>} : memref<128xi32, #tpu.memory_space<vmem>>, vector<16xi32>,
      %swap3A_195 = vector.shape_cast %swap3A_194 : vector<16xi32> to vector<16xi32>
      %swap3A_196 = vector.shape_cast %select_n3A_192 : vector<16xi32> to vector<16xi32>
      tpu.vector_store %arg9[%swap3A_193], %swap3A_196 {strides = array<i32>} : memref<128xi32, #tpu.memory_space<vmem>>, vector<16xi32>,
      "tpu.region"() ({
        %run_scoped3A = tpu.sem_alloc : memref<!tpu.dma_semaphore, #tpu.memory_space<semaphore_mem>>
        %dma_start3A = arith.constant 0 : i32
        %dma_start3A_198 = arith.constant 0 : i32
        %dma_start3A_199 = tpu.memref_slice %arg4[%dma_start3A, %dma_start3A_198] : memref<50176x128xf32, #tpu.memory_space<hbm>> -> memref<50176x128xf32, #tpu.memory_space<hbm>>
        tpu.enqueue_indirect_dma source(%dma_start3A_199 : memref<50176x128xf32, #tpu.memory_space<hbm>>) target(%arg10 : memref<128x128xf32, #tpu.memory_space<vmem>>) offsets(%arg7 : memref<128xi32, #tpu.memory_space<vmem>>) semaphore(%run_scoped3A : memref<!tpu.dma_semaphore, #tpu.memory_space<semaphore_mem>>)
        %dma_wait3A = arith.constant 0 : i32
        %dma_wait3A_200 = arith.constant 0 : i32
        %dma_wait3A_201 = tpu.memref_slice %arg4[%dma_wait3A, %dma_wait3A_200] : memref<50176x128xf32, #tpu.memory_space<hbm>> -> memref<50176x128xf32, #tpu.memory_space<hbm>>
        tpu.wait_indirect_dma semaphore(%run_scoped3A : memref<!tpu.dma_semaphore, #tpu.memory_space<semaphore_mem>>) src(%dma_wait3A_201 : memref<50176x128xf32, #tpu.memory_space<hbm>>) dst(%arg10 : memref<128x128xf32, #tpu.memory_space<vmem>>)
        tpu.yield
      }) : () -> ()
      "tpu.region"() ({
        %run_scoped3A = tpu.sem_alloc : memref<!tpu.dma_semaphore, #tpu.memory_space<semaphore_mem>>
        %dma_start3A = arith.constant 0 : i32
        %dma_start3A_198 = arith.constant 0 : i32
        %dma_start3A_199 = tpu.memref_slice %arg11[%dma_start3A, %dma_start3A_198] : memref<12552x128xf32, #tpu.memory_space<vmem_shared>> -> memref<12552x128xf32, #tpu.memory_space<vmem_shared>>
        tpu.enqueue_indirect_dma source(%arg10 : memref<128x128xf32, #tpu.memory_space<vmem>>) target(%dma_start3A_199 : memref<12552x128xf32, #tpu.memory_space<vmem_shared>>) offsets(%arg9 : memref<128xi32, #tpu.memory_space<vmem>>) semaphore(%run_scoped3A : memref<!tpu.dma_semaphore, #tpu.memory_space<semaphore_mem>>) {add = true}
        %dma_wait3A = arith.constant 0 : i32
        %dma_wait3A_200 = arith.constant 0 : i32
        %dma_wait3A_201 = tpu.memref_slice %arg11[%dma_wait3A, %dma_wait3A_200] : memref<12552x128xf32, #tpu.memory_space<vmem_shared>> -> memref<12552x128xf32, #tpu.memory_space<vmem_shared>>
        tpu.wait_indirect_dma semaphore(%run_scoped3A : memref<!tpu.dma_semaphore, #tpu.memory_space<semaphore_mem>>) src(%arg10 : memref<128x128xf32, #tpu.memory_space<vmem>>) dst(%dma_wait3A_201 : memref<12552x128xf32, #tpu.memory_space<vmem_shared>>)
        tpu.yield
      }) : () -> ()
      %scan3A_197 = arith.constant 0 : i32
      scf.yield %scan3A_197 : i32
    }
    %scan3A_13 = arith.constant 391 : i32
    %barrier3A_14 = arith.constant 0 : index
    tpu.barrier barrier_id(%barrier3A_14)
    %mul3A_15 = arith.constant 784 : i32
    %mul3A_16 = arith.muli %arg1, %mul3A_15 : i32
    %multiple_of3A_17 = tpu.assume_multiple %mul3A_16, 8 : i32
    %add3A_18 = arith.addi %mul3A_3, %multiple_of3A_17 : i32
    "tpu.region"() ({
      %run_scoped3A = tpu.sem_alloc : memref<!tpu.dma_semaphore, #tpu.memory_space<semaphore_mem>>
      %dma_start3A = arith.constant 0 : i32
      %dma_start3A_47 = tpu.memref_slice %arg6[%add3A_18, %dma_start3A] : memref<50176x128xf32, #tpu.memory_space<hbm>> -> memref<784x128xf32, #tpu.memory_space<hbm>>
      %dma_start3A_48 = arith.constant 0 : i32
      %dma_start3A_49 = tpu.memref_slice %arg11[%multiple_of3A_17, %dma_start3A_48] : memref<12552x128xf32, #tpu.memory_space<vmem_shared>> -> memref<784x128xf32, #tpu.memory_space<vmem_shared>>
      tpu.enqueue_dma source(%dma_start3A_49 : memref<784x128xf32, #tpu.memory_space<vmem_shared>>) target(%dma_start3A_47 : memref<784x128xf32, #tpu.memory_space<hbm>>) target_semaphore(%run_scoped3A : memref<!tpu.dma_semaphore, #tpu.memory_space<semaphore_mem>>)
      %dma_wait3A = arith.constant 0 : i32
      %dma_wait3A_50 = tpu.memref_slice %arg6[%add3A_18, %dma_wait3A] : memref<50176x128xf32, #tpu.memory_space<hbm>> -> memref<784x128xf32, #tpu.memory_space<hbm>>
      %dma_wait3A_51 = arith.constant 0 : i32
      %dma_wait3A_52 = tpu.memref_slice %arg11[%multiple_of3A_17, %dma_wait3A_51] : memref<12552x128xf32, #tpu.memory_space<vmem_shared>> -> memref<784x128xf32, #tpu.memory_space<vmem_shared>>
      tpu.wait_dma2 semaphore(%run_scoped3A : memref<!tpu.dma_semaphore, #tpu.memory_space<semaphore_mem>>) src(%dma_wait3A_52 : memref<784x128xf32, #tpu.memory_space<vmem_shared>>) dst(%dma_wait3A_50 : memref<784x128xf32, #tpu.memory_space<hbm>>)
      tpu.yield
    }) : () -> ()
    %barrier3A_19 = arith.constant 0 : index
    tpu.barrier barrier_id(%barrier3A_19)
    %mul3A_20 = arith.constant 2 : i32
    %mul3A_21 = arith.muli %arg0, %mul3A_20 : i32
    %add3A_22 = arith.constant 1 : i32
    %add3A_23 = arith.addi %mul3A_21, %add3A_22 : i32
    %mul3A_24 = arith.constant 12544 : i32
    %mul3A_25 = arith.muli %add3A_23, %mul3A_24 : i32
    %mul3A_26 = arith.constant 784 : i32
    %mul3A_27 = arith.muli %arg1, %mul3A_26 : i32
    %multiple_of3A_28 = tpu.assume_multiple %mul3A_27, 8 : i32
    "tpu.region"() ({
      %run_scoped3A = tpu.sem_alloc : memref<!tpu.dma_semaphore, #tpu.memory_space<semaphore_mem>>
      %dma_start3A = arith.constant 0 : i32
      %dma_start3A_47 = tpu.memref_slice %arg11[%multiple_of3A_28, %dma_start3A] : memref<12552x128xf32, #tpu.memory_space<vmem_shared>> -> memref<784x128xf32, #tpu.memory_space<vmem_shared>>
      %dma_start3A_48 = arith.constant 0 : i32
      %dma_start3A_49 = arith.constant 0 : i32
      %dma_start3A_50 = tpu.memref_slice %arg5[%dma_start3A_48, %dma_start3A_49] : memref<784x128xf32, #tpu.memory_space<hbm>> -> memref<784x128xf32, #tpu.memory_space<hbm>>
      tpu.enqueue_dma source(%dma_start3A_50 : memref<784x128xf32, #tpu.memory_space<hbm>>) target(%dma_start3A_47 : memref<784x128xf32, #tpu.memory_space<vmem_shared>>) target_semaphore(%run_scoped3A : memref<!tpu.dma_semaphore, #tpu.memory_space<semaphore_mem>>)
      %dma_wait3A = arith.constant 0 : i32
      %dma_wait3A_51 = tpu.memref_slice %arg11[%multiple_of3A_28, %dma_wait3A] : memref<12552x128xf32, #tpu.memory_space<vmem_shared>> -> memref<784x128xf32, #tpu.memory_space<vmem_shared>>
      %dma_wait3A_52 = arith.constant 0 : i32
      %dma_wait3A_53 = arith.constant 0 : i32
      %dma_wait3A_54 = tpu.memref_slice %arg5[%dma_wait3A_52, %dma_wait3A_53] : memref<784x128xf32, #tpu.memory_space<hbm>> -> memref<784x128xf32, #tpu.memory_space<hbm>>
      tpu.wait_dma2 semaphore(%run_scoped3A : memref<!tpu.dma_semaphore, #tpu.memory_space<semaphore_mem>>) src(%dma_wait3A_54 : memref<784x128xf32, #tpu.memory_space<hbm>>) dst(%dma_wait3A_51 : memref<784x128xf32, #tpu.memory_space<vmem_shared>>)
      tpu.yield
    }) : () -> ()
    %eq3A_29 = arith.constant 0 : i32
    %eq3A_30 = arith.cmpi eq, %arg1, %eq3A_29 : i32
    %convert_element_type3A_31 = arith.extui %eq3A_30 : i1 to i32
    %cond3A_32 = arith.constant 0 : i32
    %cond3A_33 = arith.cmpi ne, %convert_element_type3A_31, %cond3A_32 : i32
    scf.if %cond3A_33 {
      "tpu.region"() ({
        %run_scoped3A = tpu.sem_alloc : memref<!tpu.dma_semaphore, #tpu.memory_space<semaphore_mem>>
        %dma_start3A = arith.constant 12544 : i32
        %dma_start3A_47 = arith.constant 0 : i32
        %dma_start3A_48 = tpu.memref_slice %arg11[%dma_start3A, %dma_start3A_47] : memref<12552x128xf32, #tpu.memory_space<vmem_shared>> -> memref<8x128xf32, #tpu.memory_space<vmem_shared>>
        %dma_start3A_49 = arith.constant 0 : i32
        %dma_start3A_50 = arith.constant 0 : i32
        %dma_start3A_51 = tpu.memref_slice %arg5[%dma_start3A_49, %dma_start3A_50] : memref<784x128xf32, #tpu.memory_space<hbm>> -> memref<8x128xf32, #tpu.memory_space<hbm>>
        tpu.enqueue_dma source(%dma_start3A_51 : memref<8x128xf32, #tpu.memory_space<hbm>>) target(%dma_start3A_48 : memref<8x128xf32, #tpu.memory_space<vmem_shared>>) target_semaphore(%run_scoped3A : memref<!tpu.dma_semaphore, #tpu.memory_space<semaphore_mem>>)
        %dma_wait3A = arith.constant 12544 : i32
        %dma_wait3A_52 = arith.constant 0 : i32
        %dma_wait3A_53 = tpu.memref_slice %arg11[%dma_wait3A, %dma_wait3A_52] : memref<12552x128xf32, #tpu.memory_space<vmem_shared>> -> memref<8x128xf32, #tpu.memory_space<vmem_shared>>
        %dma_wait3A_54 = arith.constant 0 : i32
        %dma_wait3A_55 = arith.constant 0 : i32
        %dma_wait3A_56 = tpu.memref_slice %arg5[%dma_wait3A_54, %dma_wait3A_55] : memref<784x128xf32, #tpu.memory_space<hbm>> -> memref<8x128xf32, #tpu.memory_space<hbm>>
        tpu.wait_dma2 semaphore(%run_scoped3A : memref<!tpu.dma_semaphore, #tpu.memory_space<semaphore_mem>>) src(%dma_wait3A_56 : memref<8x128xf32, #tpu.memory_space<hbm>>) dst(%dma_wait3A_53 : memref<8x128xf32, #tpu.memory_space<vmem_shared>>)
        tpu.yield
      }) : () -> ()
    } else {
    }
    %barrier3A_34 = arith.constant 0 : index
    tpu.barrier barrier_id(%barrier3A_34)
    %scan3A_35 = arith.constant 0 : i32
    %scan3A_36 = arith.constant 0 : i32
    %scan3A_37 = arith.constant 391 : i32
    %scan3A_38 = arith.addi %scan3A_36, %scan3A_37 : i32
    %scan3A_39 = arith.constant 1 : i32
    %scan3A_40 = scf.for %scan3A_47 = %scan3A_36 to %scan3A_38 step %scan3A_39 iter_args(%scan3A_48 = %scan3A_35) -> (i32)  : i32 {
      %mul3A_49 = arith.constant 50048 : i32
      %mul3A_50 = arith.muli %arg1, %mul3A_49 : i32
      %mul3A_51 = arith.constant 128 : i32
      %mul3A_52 = arith.muli %scan3A_47, %mul3A_51 : i32
      %add3A_53 = arith.addi %mul3A_50, %mul3A_52 : i32
      "tpu.region"() ({
        %run_scoped3A = tpu.sem_alloc : memref<!tpu.dma_semaphore, #tpu.memory_space<semaphore_mem>>
        %dma_start3A = tpu.memref_slice %arg2[%add3A_53] : memref<800768xi32, #tpu.memory_space<hbm>> -> memref<128xi32, #tpu.memory_space<hbm>>
        %dma_start3A_198 = tpu.memref_slice %arg2[%add3A_53] : memref<800768xi32, #tpu.memory_space<hbm>> -> memref<128xi32, #tpu.memory_space<hbm>>
        tpu.enqueue_dma source(%dma_start3A_198 : memref<128xi32, #tpu.memory_space<hbm>>) target(%arg7 : memref<128xi32, #tpu.memory_space<vmem>>) target_semaphore(%run_scoped3A : memref<!tpu.dma_semaphore, #tpu.memory_space<semaphore_mem>>)
        %dma_wait3A = tpu.memref_slice %arg2[%add3A_53] : memref<800768xi32, #tpu.memory_space<hbm>> -> memref<128xi32, #tpu.memory_space<hbm>>
        %dma_wait3A_199 = tpu.memref_slice %arg2[%add3A_53] : memref<800768xi32, #tpu.memory_space<hbm>> -> memref<128xi32, #tpu.memory_space<hbm>>
        tpu.wait_dma2 semaphore(%run_scoped3A : memref<!tpu.dma_semaphore, #tpu.memory_space<semaphore_mem>>) src(%dma_wait3A_199 : memref<128xi32, #tpu.memory_space<hbm>>) dst(%arg7 : memref<128xi32, #tpu.memory_space<vmem>>)
        tpu.yield
      }) : () -> ()
      "tpu.region"() ({
        %run_scoped3A = tpu.sem_alloc : memref<!tpu.dma_semaphore, #tpu.memory_space<semaphore_mem>>
        %dma_start3A = tpu.memref_slice %arg3[%add3A_53] : memref<800768xi32, #tpu.memory_space<hbm>> -> memref<128xi32, #tpu.memory_space<hbm>>
        %dma_start3A_198 = tpu.memref_slice %arg3[%add3A_53] : memref<800768xi32, #tpu.memory_space<hbm>> -> memref<128xi32, #tpu.memory_space<hbm>>
        tpu.enqueue_dma source(%dma_start3A_198 : memref<128xi32, #tpu.memory_space<hbm>>) target(%arg8 : memref<128xi32, #tpu.memory_space<vmem>>) target_semaphore(%run_scoped3A : memref<!tpu.dma_semaphore, #tpu.memory_space<semaphore_mem>>)
        %dma_wait3A = tpu.memref_slice %arg3[%add3A_53] : memref<800768xi32, #tpu.memory_space<hbm>> -> memref<128xi32, #tpu.memory_space<hbm>>
        %dma_wait3A_199 = tpu.memref_slice %arg3[%add3A_53] : memref<800768xi32, #tpu.memory_space<hbm>> -> memref<128xi32, #tpu.memory_space<hbm>>
        tpu.wait_dma2 semaphore(%run_scoped3A : memref<!tpu.dma_semaphore, #tpu.memory_space<semaphore_mem>>) src(%dma_wait3A_199 : memref<128xi32, #tpu.memory_space<hbm>>) dst(%arg8 : memref<128xi32, #tpu.memory_space<vmem>>)
        tpu.yield
      }) : () -> ()
      %get3A = arith.constant 0 : index
      %get3A_54 = tpu.vector_load %arg8[%get3A] {strides = array<i32>} : memref<128xi32, #tpu.memory_space<vmem>>, vector<16xi32>,
      %get3A_55 = vector.shape_cast %get3A_54 : vector<16xi32> to vector<16xi32>
      %ge3A = vector.broadcast %mul3A_25 : i32 to vector<16xi32>
      %ge3A_56 = arith.cmpi sge, %get3A_55, %ge3A : vector<16xi32>
      %add3A_57 = arith.constant 12544 : i32
      %add3A_58 = arith.addi %mul3A_25, %add3A_57 : i32
      %lt3A = vector.broadcast %add3A_58 : i32 to vector<16xi32>
      %lt3A_59 = arith.cmpi slt, %get3A_55, %lt3A : vector<16xi32>
      %and3A = arith.andi %ge3A_56, %lt3A_59 : vector<16xi1>
      %sub3A = vector.broadcast %mul3A_25 : i32 to vector<16xi32>
      %sub3A_60 = arith.subi %get3A_55, %sub3A : vector<16xi32>
      %jit3A = arith.constant 12544 : i32
      %broadcast_in_dim3A = vector.broadcast %jit3A : i32 to vector<16xi32>
      %select_n3A = arith.select %and3A, %sub3A_60, %broadcast_in_dim3A : vector<16xi1>, vector<16xi32>
      %swap3A = arith.constant 0 : index
      %swap3A_61 = tpu.vector_load %arg9[%swap3A] {strides = array<i32>} : memref<128xi32, #tpu.memory_space<vmem>>, vector<16xi32>,
      %swap3A_62 = vector.shape_cast %swap3A_61 : vector<16xi32> to vector<16xi32>
      %swap3A_63 = vector.shape_cast %select_n3A : vector<16xi32> to vector<16xi32>
      tpu.vector_store %arg9[%swap3A], %swap3A_63 {strides = array<i32>} : memref<128xi32, #tpu.memory_space<vmem>>, vector<16xi32>,
      %get3A_64 = arith.constant 16 : index
      %get3A_65 = tpu.vector_load %arg8[%get3A_64] {strides = array<i32>} : memref<128xi32, #tpu.memory_space<vmem>>, vector<16xi32>,
      %get3A_66 = vector.shape_cast %get3A_65 : vector<16xi32> to vector<16xi32>
      %ge3A_67 = vector.broadcast %mul3A_25 : i32 to vector<16xi32>
      %ge3A_68 = arith.cmpi sge, %get3A_66, %ge3A_67 : vector<16xi32>
      %add3A_69 = arith.constant 12544 : i32
      %add3A_70 = arith.addi %mul3A_25, %add3A_69 : i32
      %lt3A_71 = vector.broadcast %add3A_70 : i32 to vector<16xi32>
      %lt3A_72 = arith.cmpi slt, %get3A_66, %lt3A_71 : vector<16xi32>
      %and3A_73 = arith.andi %ge3A_68, %lt3A_72 : vector<16xi1>
      %sub3A_74 = vector.broadcast %mul3A_25 : i32 to vector<16xi32>
      %sub3A_75 = arith.subi %get3A_66, %sub3A_74 : vector<16xi32>
      %jit3A_76 = arith.constant 12544 : i32
      %broadcast_in_dim3A_77 = vector.broadcast %jit3A_76 : i32 to vector<16xi32>
      %select_n3A_78 = arith.select %and3A_73, %sub3A_75, %broadcast_in_dim3A_77 : vector<16xi1>, vector<16xi32>
      %swap3A_79 = arith.constant 16 : index
      %swap3A_80 = tpu.vector_load %arg9[%swap3A_79] {strides = array<i32>} : memref<128xi32, #tpu.memory_space<vmem>>, vector<16xi32>,
      %swap3A_81 = vector.shape_cast %swap3A_80 : vector<16xi32> to vector<16xi32>
      %swap3A_82 = vector.shape_cast %select_n3A_78 : vector<16xi32> to vector<16xi32>
      tpu.vector_store %arg9[%swap3A_79], %swap3A_82 {strides = array<i32>} : memref<128xi32, #tpu.memory_space<vmem>>, vector<16xi32>,
      %get3A_83 = arith.constant 32 : index
      %get3A_84 = tpu.vector_load %arg8[%get3A_83] {strides = array<i32>} : memref<128xi32, #tpu.memory_space<vmem>>, vector<16xi32>,
      %get3A_85 = vector.shape_cast %get3A_84 : vector<16xi32> to vector<16xi32>
      %ge3A_86 = vector.broadcast %mul3A_25 : i32 to vector<16xi32>
      %ge3A_87 = arith.cmpi sge, %get3A_85, %ge3A_86 : vector<16xi32>
      %add3A_88 = arith.constant 12544 : i32
      %add3A_89 = arith.addi %mul3A_25, %add3A_88 : i32
      %lt3A_90 = vector.broadcast %add3A_89 : i32 to vector<16xi32>
      %lt3A_91 = arith.cmpi slt, %get3A_85, %lt3A_90 : vector<16xi32>
      %and3A_92 = arith.andi %ge3A_87, %lt3A_91 : vector<16xi1>
      %sub3A_93 = vector.broadcast %mul3A_25 : i32 to vector<16xi32>
      %sub3A_94 = arith.subi %get3A_85, %sub3A_93 : vector<16xi32>
      %jit3A_95 = arith.constant 12544 : i32
      %broadcast_in_dim3A_96 = vector.broadcast %jit3A_95 : i32 to vector<16xi32>
      %select_n3A_97 = arith.select %and3A_92, %sub3A_94, %broadcast_in_dim3A_96 : vector<16xi1>, vector<16xi32>
      %swap3A_98 = arith.constant 32 : index
      %swap3A_99 = tpu.vector_load %arg9[%swap3A_98] {strides = array<i32>} : memref<128xi32, #tpu.memory_space<vmem>>, vector<16xi32>,
      %swap3A_100 = vector.shape_cast %swap3A_99 : vector<16xi32> to vector<16xi32>
      %swap3A_101 = vector.shape_cast %select_n3A_97 : vector<16xi32> to vector<16xi32>
      tpu.vector_store %arg9[%swap3A_98], %swap3A_101 {strides = array<i32>} : memref<128xi32, #tpu.memory_space<vmem>>, vector<16xi32>,
      %get3A_102 = arith.constant 48 : index
      %get3A_103 = tpu.vector_load %arg8[%get3A_102] {strides = array<i32>} : memref<128xi32, #tpu.memory_space<vmem>>, vector<16xi32>,
      %get3A_104 = vector.shape_cast %get3A_103 : vector<16xi32> to vector<16xi32>
      %ge3A_105 = vector.broadcast %mul3A_25 : i32 to vector<16xi32>
      %ge3A_106 = arith.cmpi sge, %get3A_104, %ge3A_105 : vector<16xi32>
      %add3A_107 = arith.constant 12544 : i32
      %add3A_108 = arith.addi %mul3A_25, %add3A_107 : i32
      %lt3A_109 = vector.broadcast %add3A_108 : i32 to vector<16xi32>
      %lt3A_110 = arith.cmpi slt, %get3A_104, %lt3A_109 : vector<16xi32>
      %and3A_111 = arith.andi %ge3A_106, %lt3A_110 : vector<16xi1>
      %sub3A_112 = vector.broadcast %mul3A_25 : i32 to vector<16xi32>
      %sub3A_113 = arith.subi %get3A_104, %sub3A_112 : vector<16xi32>
      %jit3A_114 = arith.constant 12544 : i32
      %broadcast_in_dim3A_115 = vector.broadcast %jit3A_114 : i32 to vector<16xi32>
      %select_n3A_116 = arith.select %and3A_111, %sub3A_113, %broadcast_in_dim3A_115 : vector<16xi1>, vector<16xi32>
      %swap3A_117 = arith.constant 48 : index
      %swap3A_118 = tpu.vector_load %arg9[%swap3A_117] {strides = array<i32>} : memref<128xi32, #tpu.memory_space<vmem>>, vector<16xi32>,
      %swap3A_119 = vector.shape_cast %swap3A_118 : vector<16xi32> to vector<16xi32>
      %swap3A_120 = vector.shape_cast %select_n3A_116 : vector<16xi32> to vector<16xi32>
      tpu.vector_store %arg9[%swap3A_117], %swap3A_120 {strides = array<i32>} : memref<128xi32, #tpu.memory_space<vmem>>, vector<16xi32>,
      %get3A_121 = arith.constant 64 : index
      %get3A_122 = tpu.vector_load %arg8[%get3A_121] {strides = array<i32>} : memref<128xi32, #tpu.memory_space<vmem>>, vector<16xi32>,
      %get3A_123 = vector.shape_cast %get3A_122 : vector<16xi32> to vector<16xi32>
      %ge3A_124 = vector.broadcast %mul3A_25 : i32 to vector<16xi32>
      %ge3A_125 = arith.cmpi sge, %get3A_123, %ge3A_124 : vector<16xi32>
      %add3A_126 = arith.constant 12544 : i32
      %add3A_127 = arith.addi %mul3A_25, %add3A_126 : i32
      %lt3A_128 = vector.broadcast %add3A_127 : i32 to vector<16xi32>
      %lt3A_129 = arith.cmpi slt, %get3A_123, %lt3A_128 : vector<16xi32>
      %and3A_130 = arith.andi %ge3A_125, %lt3A_129 : vector<16xi1>
      %sub3A_131 = vector.broadcast %mul3A_25 : i32 to vector<16xi32>
      %sub3A_132 = arith.subi %get3A_123, %sub3A_131 : vector<16xi32>
      %jit3A_133 = arith.constant 12544 : i32
      %broadcast_in_dim3A_134 = vector.broadcast %jit3A_133 : i32 to vector<16xi32>
      %select_n3A_135 = arith.select %and3A_130, %sub3A_132, %broadcast_in_dim3A_134 : vector<16xi1>, vector<16xi32>
      %swap3A_136 = arith.constant 64 : index
      %swap3A_137 = tpu.vector_load %arg9[%swap3A_136] {strides = array<i32>} : memref<128xi32, #tpu.memory_space<vmem>>, vector<16xi32>,
      %swap3A_138 = vector.shape_cast %swap3A_137 : vector<16xi32> to vector<16xi32>
      %swap3A_139 = vector.shape_cast %select_n3A_135 : vector<16xi32> to vector<16xi32>
      tpu.vector_store %arg9[%swap3A_136], %swap3A_139 {strides = array<i32>} : memref<128xi32, #tpu.memory_space<vmem>>, vector<16xi32>,
      %get3A_140 = arith.constant 80 : index
      %get3A_141 = tpu.vector_load %arg8[%get3A_140] {strides = array<i32>} : memref<128xi32, #tpu.memory_space<vmem>>, vector<16xi32>,
      %get3A_142 = vector.shape_cast %get3A_141 : vector<16xi32> to vector<16xi32>
      %ge3A_143 = vector.broadcast %mul3A_25 : i32 to vector<16xi32>
      %ge3A_144 = arith.cmpi sge, %get3A_142, %ge3A_143 : vector<16xi32>
      %add3A_145 = arith.constant 12544 : i32
      %add3A_146 = arith.addi %mul3A_25, %add3A_145 : i32
      %lt3A_147 = vector.broadcast %add3A_146 : i32 to vector<16xi32>
      %lt3A_148 = arith.cmpi slt, %get3A_142, %lt3A_147 : vector<16xi32>
      %and3A_149 = arith.andi %ge3A_144, %lt3A_148 : vector<16xi1>
      %sub3A_150 = vector.broadcast %mul3A_25 : i32 to vector<16xi32>
      %sub3A_151 = arith.subi %get3A_142, %sub3A_150 : vector<16xi32>
      %jit3A_152 = arith.constant 12544 : i32
      %broadcast_in_dim3A_153 = vector.broadcast %jit3A_152 : i32 to vector<16xi32>
      %select_n3A_154 = arith.select %and3A_149, %sub3A_151, %broadcast_in_dim3A_153 : vector<16xi1>, vector<16xi32>
      %swap3A_155 = arith.constant 80 : index
      %swap3A_156 = tpu.vector_load %arg9[%swap3A_155] {strides = array<i32>} : memref<128xi32, #tpu.memory_space<vmem>>, vector<16xi32>,
      %swap3A_157 = vector.shape_cast %swap3A_156 : vector<16xi32> to vector<16xi32>
      %swap3A_158 = vector.shape_cast %select_n3A_154 : vector<16xi32> to vector<16xi32>
      tpu.vector_store %arg9[%swap3A_155], %swap3A_158 {strides = array<i32>} : memref<128xi32, #tpu.memory_space<vmem>>, vector<16xi32>,
      %get3A_159 = arith.constant 96 : index
      %get3A_160 = tpu.vector_load %arg8[%get3A_159] {strides = array<i32>} : memref<128xi32, #tpu.memory_space<vmem>>, vector<16xi32>,
      %get3A_161 = vector.shape_cast %get3A_160 : vector<16xi32> to vector<16xi32>
      %ge3A_162 = vector.broadcast %mul3A_25 : i32 to vector<16xi32>
      %ge3A_163 = arith.cmpi sge, %get3A_161, %ge3A_162 : vector<16xi32>
      %add3A_164 = arith.constant 12544 : i32
      %add3A_165 = arith.addi %mul3A_25, %add3A_164 : i32
      %lt3A_166 = vector.broadcast %add3A_165 : i32 to vector<16xi32>
      %lt3A_167 = arith.cmpi slt, %get3A_161, %lt3A_166 : vector<16xi32>
      %and3A_168 = arith.andi %ge3A_163, %lt3A_167 : vector<16xi1>
      %sub3A_169 = vector.broadcast %mul3A_25 : i32 to vector<16xi32>
      %sub3A_170 = arith.subi %get3A_161, %sub3A_169 : vector<16xi32>
      %jit3A_171 = arith.constant 12544 : i32
      %broadcast_in_dim3A_172 = vector.broadcast %jit3A_171 : i32 to vector<16xi32>
      %select_n3A_173 = arith.select %and3A_168, %sub3A_170, %broadcast_in_dim3A_172 : vector<16xi1>, vector<16xi32>
      %swap3A_174 = arith.constant 96 : index
      %swap3A_175 = tpu.vector_load %arg9[%swap3A_174] {strides = array<i32>} : memref<128xi32, #tpu.memory_space<vmem>>, vector<16xi32>,
      %swap3A_176 = vector.shape_cast %swap3A_175 : vector<16xi32> to vector<16xi32>
      %swap3A_177 = vector.shape_cast %select_n3A_173 : vector<16xi32> to vector<16xi32>
      tpu.vector_store %arg9[%swap3A_174], %swap3A_177 {strides = array<i32>} : memref<128xi32, #tpu.memory_space<vmem>>, vector<16xi32>,
      %get3A_178 = arith.constant 112 : index
      %get3A_179 = tpu.vector_load %arg8[%get3A_178] {strides = array<i32>} : memref<128xi32, #tpu.memory_space<vmem>>, vector<16xi32>,
      %get3A_180 = vector.shape_cast %get3A_179 : vector<16xi32> to vector<16xi32>
      %ge3A_181 = vector.broadcast %mul3A_25 : i32 to vector<16xi32>
      %ge3A_182 = arith.cmpi sge, %get3A_180, %ge3A_181 : vector<16xi32>
      %add3A_183 = arith.constant 12544 : i32
      %add3A_184 = arith.addi %mul3A_25, %add3A_183 : i32
      %lt3A_185 = vector.broadcast %add3A_184 : i32 to vector<16xi32>
      %lt3A_186 = arith.cmpi slt, %get3A_180, %lt3A_185 : vector<16xi32>
      %and3A_187 = arith.andi %ge3A_182, %lt3A_186 : vector<16xi1>
      %sub3A_188 = vector.broadcast %mul3A_25 : i32 to vector<16xi32>
      %sub3A_189 = arith.subi %get3A_180, %sub3A_188 : vector<16xi32>
      %jit3A_190 = arith.constant 12544 : i32
      %broadcast_in_dim3A_191 = vector.broadcast %jit3A_190 : i32 to vector<16xi32>
      %select_n3A_192 = arith.select %and3A_187, %sub3A_189, %broadcast_in_dim3A_191 : vector<16xi1>, vector<16xi32>
      %swap3A_193 = arith.constant 112 : index
      %swap3A_194 = tpu.vector_load %arg9[%swap3A_193] {strides = array<i32>} : memref<128xi32, #tpu.memory_space<vmem>>, vector<16xi32>,
      %swap3A_195 = vector.shape_cast %swap3A_194 : vector<16xi32> to vector<16xi32>
      %swap3A_196 = vector.shape_cast %select_n3A_192 : vector<16xi32> to vector<16xi32>
      tpu.vector_store %arg9[%swap3A_193], %swap3A_196 {strides = array<i32>} : memref<128xi32, #tpu.memory_space<vmem>>, vector<16xi32>,
      "tpu.region"() ({
        %run_scoped3A = tpu.sem_alloc : memref<!tpu.dma_semaphore, #tpu.memory_space<semaphore_mem>>
        %dma_start3A = arith.constant 0 : i32
        %dma_start3A_198 = arith.constant 0 : i32
        %dma_start3A_199 = tpu.memref_slice %arg4[%dma_start3A, %dma_start3A_198] : memref<50176x128xf32, #tpu.memory_space<hbm>> -> memref<50176x128xf32, #tpu.memory_space<hbm>>
        tpu.enqueue_indirect_dma source(%dma_start3A_199 : memref<50176x128xf32, #tpu.memory_space<hbm>>) target(%arg10 : memref<128x128xf32, #tpu.memory_space<vmem>>) offsets(%arg7 : memref<128xi32, #tpu.memory_space<vmem>>) semaphore(%run_scoped3A : memref<!tpu.dma_semaphore, #tpu.memory_space<semaphore_mem>>)
        %dma_wait3A = arith.constant 0 : i32
        %dma_wait3A_200 = arith.constant 0 : i32
        %dma_wait3A_201 = tpu.memref_slice %arg4[%dma_wait3A, %dma_wait3A_200] : memref<50176x128xf32, #tpu.memory_space<hbm>> -> memref<50176x128xf32, #tpu.memory_space<hbm>>
        tpu.wait_indirect_dma semaphore(%run_scoped3A : memref<!tpu.dma_semaphore, #tpu.memory_space<semaphore_mem>>) src(%dma_wait3A_201 : memref<50176x128xf32, #tpu.memory_space<hbm>>) dst(%arg10 : memref<128x128xf32, #tpu.memory_space<vmem>>)
        tpu.yield
      }) : () -> ()
      "tpu.region"() ({
        %run_scoped3A = tpu.sem_alloc : memref<!tpu.dma_semaphore, #tpu.memory_space<semaphore_mem>>
        %dma_start3A = arith.constant 0 : i32
        %dma_start3A_198 = arith.constant 0 : i32
        %dma_start3A_199 = tpu.memref_slice %arg11[%dma_start3A, %dma_start3A_198] : memref<12552x128xf32, #tpu.memory_space<vmem_shared>> -> memref<12552x128xf32, #tpu.memory_space<vmem_shared>>
        tpu.enqueue_indirect_dma source(%arg10 : memref<128x128xf32, #tpu.memory_space<vmem>>) target(%dma_start3A_199 : memref<12552x128xf32, #tpu.memory_space<vmem_shared>>) offsets(%arg9 : memref<128xi32, #tpu.memory_space<vmem>>) semaphore(%run_scoped3A : memref<!tpu.dma_semaphore, #tpu.memory_space<semaphore_mem>>) {add = true}
        %dma_wait3A = arith.constant 0 : i32
        %dma_wait3A_200 = arith.constant 0 : i32
        %dma_wait3A_201 = tpu.memref_slice %arg11[%dma_wait3A, %dma_wait3A_200] : memref<12552x128xf32, #tpu.memory_space<vmem_shared>> -> memref<12552x128xf32, #tpu.memory_space<vmem_shared>>
        tpu.wait_indirect_dma semaphore(%run_scoped3A : memref<!tpu.dma_semaphore, #tpu.memory_space<semaphore_mem>>) src(%arg10 : memref<128x128xf32, #tpu.memory_space<vmem>>) dst(%dma_wait3A_201 : memref<12552x128xf32, #tpu.memory_space<vmem_shared>>)
        tpu.yield
      }) : () -> ()
      %scan3A_197 = arith.constant 0 : i32
      scf.yield %scan3A_197 : i32
    }
    %scan3A_41 = arith.constant 391 : i32
    %barrier3A_42 = arith.constant 0 : index
    tpu.barrier barrier_id(%barrier3A_42)
    %mul3A_43 = arith.constant 784 : i32
    %mul3A_44 = arith.muli %arg1, %mul3A_43 : i32
    %multiple_of3A_45 = tpu.assume_multiple %mul3A_44, 8 : i32
    %add3A_46 = arith.addi %mul3A_25, %multiple_of3A_45 : i32
    "tpu.region"() ({
      %run_scoped3A = tpu.sem_alloc : memref<!tpu.dma_semaphore, #tpu.memory_space<semaphore_mem>>
      %dma_start3A = arith.constant 0 : i32
      %dma_start3A_47 = tpu.memref_slice %arg6[%add3A_46, %dma_start3A] : memref<50176x128xf32, #tpu.memory_space<hbm>> -> memref<784x128xf32, #tpu.memory_space<hbm>>
      %dma_start3A_48 = arith.constant 0 : i32
      %dma_start3A_49 = tpu.memref_slice %arg11[%multiple_of3A_45, %dma_start3A_48] : memref<12552x128xf32, #tpu.memory_space<vmem_shared>> -> memref<784x128xf32, #tpu.memory_space<vmem_shared>>
      tpu.enqueue_dma source(%dma_start3A_49 : memref<784x128xf32, #tpu.memory_space<vmem_shared>>) target(%dma_start3A_47 : memref<784x128xf32, #tpu.memory_space<hbm>>) target_semaphore(%run_scoped3A : memref<!tpu.dma_semaphore, #tpu.memory_space<semaphore_mem>>)
      %dma_wait3A = arith.constant 0 : i32
      %dma_wait3A_50 = tpu.memref_slice %arg6[%add3A_46, %dma_wait3A] : memref<50176x128xf32, #tpu.memory_space<hbm>> -> memref<784x128xf32, #tpu.memory_space<hbm>>
      %dma_wait3A_51 = arith.constant 0 : i32
      %dma_wait3A_52 = tpu.memref_slice %arg11[%multiple_of3A_45, %dma_wait3A_51] : memref<12552x128xf32, #tpu.memory_space<vmem_shared>> -> memref<784x128xf32, #tpu.memory_space<vmem_shared>>
      tpu.wait_dma2 semaphore(%run_scoped3A : memref<!tpu.dma_semaphore, #tpu.memory_space<semaphore_mem>>) src(%dma_wait3A_52 : memref<784x128xf32, #tpu.memory_space<vmem_shared>>) dst(%dma_wait3A_50 : memref<784x128xf32, #tpu.memory_space<hbm>>)
      tpu.yield
    }) : () -> ()
    return
  }
}

#map = affine_map<(d0, d1) -> (0)>
#map1 = affine_map<(d0, d1) -> (0, 0)>
module attributes {stable_mosaic.version = 14 : i64} {
  func.func @_emb_kernel(%arg0: i32, %arg1: i32, %arg2: memref<50176xi32, #tpu.memory_space<hbm>>, %arg3: memref<100000x128xf32, #tpu.memory_space<hbm>>, %arg4: memref<50176x128xf32, #tpu.memory_space<hbm>>, %arg5: memref<1568xi32, #tpu.memory_space<vmem>>, %arg6: memref<112x128xf32, #tpu.memory_space<vmem>>) attributes {dimension_semantics = [#tpu.dimension_semantics<core_parallel>, #tpu.dimension_semantics<subcore_parallel>], iteration_bounds = array<i64: 2, 16>, scalar_prefetch = 0 : i64, scratch_operands = 2 : i64, tpu.core_type = #tpu.core_type<sc_vector_subcore>, window_params = [{transform_indices = #map}, {transform_indices = #map1}, {transform_indices = #map1}]} {
    %mul3A = arith.constant 2 : i32
    %mul3A_0 = arith.muli %arg1, %mul3A : i32
    %add3A = arith.addi %mul3A_0, %arg0 : i32
    %mul3A_1 = arith.constant 1568 : i32
    %mul3A_2 = arith.muli %add3A, %mul3A_1 : i32
    %multiple_of3A = tpu.assume_multiple %mul3A_2, 1568 : i32
    "tpu.region"() ({
      %run_scoped3A = tpu.sem_alloc : memref<!tpu.dma_semaphore, #tpu.memory_space<semaphore_mem>>
      %dma_start3A = tpu.memref_slice %arg2[%multiple_of3A] : memref<50176xi32, #tpu.memory_space<hbm>> -> memref<1568xi32, #tpu.memory_space<hbm>>
      %dma_start3A_45 = tpu.memref_slice %arg2[%multiple_of3A] : memref<50176xi32, #tpu.memory_space<hbm>> -> memref<1568xi32, #tpu.memory_space<hbm>>
      tpu.enqueue_dma source(%dma_start3A_45 : memref<1568xi32, #tpu.memory_space<hbm>>) target(%arg5 : memref<1568xi32, #tpu.memory_space<vmem>>) target_semaphore(%run_scoped3A : memref<!tpu.dma_semaphore, #tpu.memory_space<semaphore_mem>>)
      %dma_wait3A = tpu.memref_slice %arg2[%multiple_of3A] : memref<50176xi32, #tpu.memory_space<hbm>> -> memref<1568xi32, #tpu.memory_space<hbm>>
      %dma_wait3A_46 = tpu.memref_slice %arg2[%multiple_of3A] : memref<50176xi32, #tpu.memory_space<hbm>> -> memref<1568xi32, #tpu.memory_space<hbm>>
      tpu.wait_dma2 semaphore(%run_scoped3A : memref<!tpu.dma_semaphore, #tpu.memory_space<semaphore_mem>>) src(%dma_wait3A_46 : memref<1568xi32, #tpu.memory_space<hbm>>) dst(%arg5 : memref<1568xi32, #tpu.memory_space<vmem>>)
      tpu.yield
    }) : () -> ()
    "tpu.region"() ({
      %run_scoped3A = tpu.sem_alloc : memref<!tpu.dma_semaphore, #tpu.memory_space<semaphore_mem>>
      %dma_start3A = arith.constant 0 : i32
      %dma_start3A_45 = tpu.memref_slice %arg5[%dma_start3A] : memref<1568xi32, #tpu.memory_space<vmem>> -> memref<112xi32, #tpu.memory_space<vmem>>
      %dma_start3A_46 = arith.constant 0 : i32
      %dma_start3A_47 = arith.constant 0 : i32
      %dma_start3A_48 = tpu.memref_slice %arg3[%dma_start3A_46, %dma_start3A_47] : memref<100000x128xf32, #tpu.memory_space<hbm>> -> memref<100000x128xf32, #tpu.memory_space<hbm>>
      tpu.enqueue_indirect_dma source(%dma_start3A_48 : memref<100000x128xf32, #tpu.memory_space<hbm>>) target(%arg6 : memref<112x128xf32, #tpu.memory_space<vmem>>) offsets(%dma_start3A_45 : memref<112xi32, #tpu.memory_space<vmem>>) semaphore(%run_scoped3A : memref<!tpu.dma_semaphore, #tpu.memory_space<semaphore_mem>>)
      %dma_wait3A = arith.constant 0 : i32
      %dma_wait3A_49 = tpu.memref_slice %arg5[%dma_wait3A] : memref<1568xi32, #tpu.memory_space<vmem>> -> memref<112xi32, #tpu.memory_space<vmem>>
      %dma_wait3A_50 = arith.constant 0 : i32
      %dma_wait3A_51 = arith.constant 0 : i32
      %dma_wait3A_52 = tpu.memref_slice %arg3[%dma_wait3A_50, %dma_wait3A_51] : memref<100000x128xf32, #tpu.memory_space<hbm>> -> memref<100000x128xf32, #tpu.memory_space<hbm>>
      tpu.wait_indirect_dma semaphore(%run_scoped3A : memref<!tpu.dma_semaphore, #tpu.memory_space<semaphore_mem>>) src(%dma_wait3A_52 : memref<100000x128xf32, #tpu.memory_space<hbm>>) dst(%arg6 : memref<112x128xf32, #tpu.memory_space<vmem>>)
      tpu.yield
    }) : () -> ()
    %add3A_3 = arith.constant 0 : i32
    %add3A_4 = arith.addi %mul3A_2, %add3A_3 : i32
    %multiple_of3A_5 = tpu.assume_multiple %add3A_4, 8 : i32
    "tpu.region"() ({
      %run_scoped3A = tpu.sem_alloc : memref<!tpu.dma_semaphore, #tpu.memory_space<semaphore_mem>>
      %dma_start3A = arith.constant 0 : i32
      %dma_start3A_45 = tpu.memref_slice %arg4[%multiple_of3A_5, %dma_start3A] : memref<50176x128xf32, #tpu.memory_space<hbm>> -> memref<112x128xf32, #tpu.memory_space<hbm>>
      %dma_start3A_46 = arith.constant 0 : i32
      %dma_start3A_47 = tpu.memref_slice %arg4[%multiple_of3A_5, %dma_start3A_46] : memref<50176x128xf32, #tpu.memory_space<hbm>> -> memref<112x128xf32, #tpu.memory_space<hbm>>
      tpu.enqueue_dma source(%arg6 : memref<112x128xf32, #tpu.memory_space<vmem>>) target(%dma_start3A_47 : memref<112x128xf32, #tpu.memory_space<hbm>>) target_semaphore(%run_scoped3A : memref<!tpu.dma_semaphore, #tpu.memory_space<semaphore_mem>>)
      %dma_wait3A = arith.constant 0 : i32
      %dma_wait3A_48 = tpu.memref_slice %arg4[%multiple_of3A_5, %dma_wait3A] : memref<50176x128xf32, #tpu.memory_space<hbm>> -> memref<112x128xf32, #tpu.memory_space<hbm>>
      %dma_wait3A_49 = arith.constant 0 : i32
      %dma_wait3A_50 = tpu.memref_slice %arg4[%multiple_of3A_5, %dma_wait3A_49] : memref<50176x128xf32, #tpu.memory_space<hbm>> -> memref<112x128xf32, #tpu.memory_space<hbm>>
      tpu.wait_dma2 semaphore(%run_scoped3A : memref<!tpu.dma_semaphore, #tpu.memory_space<semaphore_mem>>) src(%arg6 : memref<112x128xf32, #tpu.memory_space<vmem>>) dst(%dma_wait3A_50 : memref<112x128xf32, #tpu.memory_space<hbm>>)
      tpu.yield
    }) : () -> ()
    "tpu.region"() ({
      %run_scoped3A = tpu.sem_alloc : memref<!tpu.dma_semaphore, #tpu.memory_space<semaphore_mem>>
      %dma_start3A = arith.constant 112 : i32
      %dma_start3A_45 = tpu.memref_slice %arg5[%dma_start3A] : memref<1568xi32, #tpu.memory_space<vmem>> -> memref<112xi32, #tpu.memory_space<vmem>>
      %dma_start3A_46 = arith.constant 0 : i32
      %dma_start3A_47 = arith.constant 0 : i32
      %dma_start3A_48 = tpu.memref_slice %arg3[%dma_start3A_46, %dma_start3A_47] : memref<100000x128xf32, #tpu.memory_space<hbm>> -> memref<100000x128xf32, #tpu.memory_space<hbm>>
      tpu.enqueue_indirect_dma source(%dma_start3A_48 : memref<100000x128xf32, #tpu.memory_space<hbm>>) target(%arg6 : memref<112x128xf32, #tpu.memory_space<vmem>>) offsets(%dma_start3A_45 : memref<112xi32, #tpu.memory_space<vmem>>) semaphore(%run_scoped3A : memref<!tpu.dma_semaphore, #tpu.memory_space<semaphore_mem>>)
      %dma_wait3A = arith.constant 112 : i32
      %dma_wait3A_49 = tpu.memref_slice %arg5[%dma_wait3A] : memref<1568xi32, #tpu.memory_space<vmem>> -> memref<112xi32, #tpu.memory_space<vmem>>
      %dma_wait3A_50 = arith.constant 0 : i32
      %dma_wait3A_51 = arith.constant 0 : i32
      %dma_wait3A_52 = tpu.memref_slice %arg3[%dma_wait3A_50, %dma_wait3A_51] : memref<100000x128xf32, #tpu.memory_space<hbm>> -> memref<100000x128xf32, #tpu.memory_space<hbm>>
      tpu.wait_indirect_dma semaphore(%run_scoped3A : memref<!tpu.dma_semaphore, #tpu.memory_space<semaphore_mem>>) src(%dma_wait3A_52 : memref<100000x128xf32, #tpu.memory_space<hbm>>) dst(%arg6 : memref<112x128xf32, #tpu.memory_space<vmem>>)
      tpu.yield
    }) : () -> ()
    %add3A_6 = arith.constant 112 : i32
    %add3A_7 = arith.addi %mul3A_2, %add3A_6 : i32
    %multiple_of3A_8 = tpu.assume_multiple %add3A_7, 8 : i32
    "tpu.region"() ({
      %run_scoped3A = tpu.sem_alloc : memref<!tpu.dma_semaphore, #tpu.memory_space<semaphore_mem>>
      %dma_start3A = arith.constant 0 : i32
      %dma_start3A_45 = tpu.memref_slice %arg4[%multiple_of3A_8, %dma_start3A] : memref<50176x128xf32, #tpu.memory_space<hbm>> -> memref<112x128xf32, #tpu.memory_space<hbm>>
      %dma_start3A_46 = arith.constant 0 : i32
      %dma_start3A_47 = tpu.memref_slice %arg4[%multiple_of3A_8, %dma_start3A_46] : memref<50176x128xf32, #tpu.memory_space<hbm>> -> memref<112x128xf32, #tpu.memory_space<hbm>>
      tpu.enqueue_dma source(%arg6 : memref<112x128xf32, #tpu.memory_space<vmem>>) target(%dma_start3A_47 : memref<112x128xf32, #tpu.memory_space<hbm>>) target_semaphore(%run_scoped3A : memref<!tpu.dma_semaphore, #tpu.memory_space<semaphore_mem>>)
      %dma_wait3A = arith.constant 0 : i32
      %dma_wait3A_48 = tpu.memref_slice %arg4[%multiple_of3A_8, %dma_wait3A] : memref<50176x128xf32, #tpu.memory_space<hbm>> -> memref<112x128xf32, #tpu.memory_space<hbm>>
      %dma_wait3A_49 = arith.constant 0 : i32
      %dma_wait3A_50 = tpu.memref_slice %arg4[%multiple_of3A_8, %dma_wait3A_49] : memref<50176x128xf32, #tpu.memory_space<hbm>> -> memref<112x128xf32, #tpu.memory_space<hbm>>
      tpu.wait_dma2 semaphore(%run_scoped3A : memref<!tpu.dma_semaphore, #tpu.memory_space<semaphore_mem>>) src(%arg6 : memref<112x128xf32, #tpu.memory_space<vmem>>) dst(%dma_wait3A_50 : memref<112x128xf32, #tpu.memory_space<hbm>>)
      tpu.yield
    }) : () -> ()
    "tpu.region"() ({
      %run_scoped3A = tpu.sem_alloc : memref<!tpu.dma_semaphore, #tpu.memory_space<semaphore_mem>>
      %dma_start3A = arith.constant 224 : i32
      %dma_start3A_45 = tpu.memref_slice %arg5[%dma_start3A] : memref<1568xi32, #tpu.memory_space<vmem>> -> memref<112xi32, #tpu.memory_space<vmem>>
      %dma_start3A_46 = arith.constant 0 : i32
      %dma_start3A_47 = arith.constant 0 : i32
      %dma_start3A_48 = tpu.memref_slice %arg3[%dma_start3A_46, %dma_start3A_47] : memref<100000x128xf32, #tpu.memory_space<hbm>> -> memref<100000x128xf32, #tpu.memory_space<hbm>>
      tpu.enqueue_indirect_dma source(%dma_start3A_48 : memref<100000x128xf32, #tpu.memory_space<hbm>>) target(%arg6 : memref<112x128xf32, #tpu.memory_space<vmem>>) offsets(%dma_start3A_45 : memref<112xi32, #tpu.memory_space<vmem>>) semaphore(%run_scoped3A : memref<!tpu.dma_semaphore, #tpu.memory_space<semaphore_mem>>)
      %dma_wait3A = arith.constant 224 : i32
      %dma_wait3A_49 = tpu.memref_slice %arg5[%dma_wait3A] : memref<1568xi32, #tpu.memory_space<vmem>> -> memref<112xi32, #tpu.memory_space<vmem>>
      %dma_wait3A_50 = arith.constant 0 : i32
      %dma_wait3A_51 = arith.constant 0 : i32
      %dma_wait3A_52 = tpu.memref_slice %arg3[%dma_wait3A_50, %dma_wait3A_51] : memref<100000x128xf32, #tpu.memory_space<hbm>> -> memref<100000x128xf32, #tpu.memory_space<hbm>>
      tpu.wait_indirect_dma semaphore(%run_scoped3A : memref<!tpu.dma_semaphore, #tpu.memory_space<semaphore_mem>>) src(%dma_wait3A_52 : memref<100000x128xf32, #tpu.memory_space<hbm>>) dst(%arg6 : memref<112x128xf32, #tpu.memory_space<vmem>>)
      tpu.yield
    }) : () -> ()
    %add3A_9 = arith.constant 224 : i32
    %add3A_10 = arith.addi %mul3A_2, %add3A_9 : i32
    %multiple_of3A_11 = tpu.assume_multiple %add3A_10, 8 : i32
    "tpu.region"() ({
      %run_scoped3A = tpu.sem_alloc : memref<!tpu.dma_semaphore, #tpu.memory_space<semaphore_mem>>
      %dma_start3A = arith.constant 0 : i32
      %dma_start3A_45 = tpu.memref_slice %arg4[%multiple_of3A_11, %dma_start3A] : memref<50176x128xf32, #tpu.memory_space<hbm>> -> memref<112x128xf32, #tpu.memory_space<hbm>>
      %dma_start3A_46 = arith.constant 0 : i32
      %dma_start3A_47 = tpu.memref_slice %arg4[%multiple_of3A_11, %dma_start3A_46] : memref<50176x128xf32, #tpu.memory_space<hbm>> -> memref<112x128xf32, #tpu.memory_space<hbm>>
      tpu.enqueue_dma source(%arg6 : memref<112x128xf32, #tpu.memory_space<vmem>>) target(%dma_start3A_47 : memref<112x128xf32, #tpu.memory_space<hbm>>) target_semaphore(%run_scoped3A : memref<!tpu.dma_semaphore, #tpu.memory_space<semaphore_mem>>)
      %dma_wait3A = arith.constant 0 : i32
      %dma_wait3A_48 = tpu.memref_slice %arg4[%multiple_of3A_11, %dma_wait3A] : memref<50176x128xf32, #tpu.memory_space<hbm>> -> memref<112x128xf32, #tpu.memory_space<hbm>>
      %dma_wait3A_49 = arith.constant 0 : i32
      %dma_wait3A_50 = tpu.memref_slice %arg4[%multiple_of3A_11, %dma_wait3A_49] : memref<50176x128xf32, #tpu.memory_space<hbm>> -> memref<112x128xf32, #tpu.memory_space<hbm>>
      tpu.wait_dma2 semaphore(%run_scoped3A : memref<!tpu.dma_semaphore, #tpu.memory_space<semaphore_mem>>) src(%arg6 : memref<112x128xf32, #tpu.memory_space<vmem>>) dst(%dma_wait3A_50 : memref<112x128xf32, #tpu.memory_space<hbm>>)
      tpu.yield
    }) : () -> ()
    "tpu.region"() ({
      %run_scoped3A = tpu.sem_alloc : memref<!tpu.dma_semaphore, #tpu.memory_space<semaphore_mem>>
      %dma_start3A = arith.constant 336 : i32
      %dma_start3A_45 = tpu.memref_slice %arg5[%dma_start3A] : memref<1568xi32, #tpu.memory_space<vmem>> -> memref<112xi32, #tpu.memory_space<vmem>>
      %dma_start3A_46 = arith.constant 0 : i32
      %dma_start3A_47 = arith.constant 0 : i32
      %dma_start3A_48 = tpu.memref_slice %arg3[%dma_start3A_46, %dma_start3A_47] : memref<100000x128xf32, #tpu.memory_space<hbm>> -> memref<100000x128xf32, #tpu.memory_space<hbm>>
      tpu.enqueue_indirect_dma source(%dma_start3A_48 : memref<100000x128xf32, #tpu.memory_space<hbm>>) target(%arg6 : memref<112x128xf32, #tpu.memory_space<vmem>>) offsets(%dma_start3A_45 : memref<112xi32, #tpu.memory_space<vmem>>) semaphore(%run_scoped3A : memref<!tpu.dma_semaphore, #tpu.memory_space<semaphore_mem>>)
      %dma_wait3A = arith.constant 336 : i32
      %dma_wait3A_49 = tpu.memref_slice %arg5[%dma_wait3A] : memref<1568xi32, #tpu.memory_space<vmem>> -> memref<112xi32, #tpu.memory_space<vmem>>
      %dma_wait3A_50 = arith.constant 0 : i32
      %dma_wait3A_51 = arith.constant 0 : i32
      %dma_wait3A_52 = tpu.memref_slice %arg3[%dma_wait3A_50, %dma_wait3A_51] : memref<100000x128xf32, #tpu.memory_space<hbm>> -> memref<100000x128xf32, #tpu.memory_space<hbm>>
      tpu.wait_indirect_dma semaphore(%run_scoped3A : memref<!tpu.dma_semaphore, #tpu.memory_space<semaphore_mem>>) src(%dma_wait3A_52 : memref<100000x128xf32, #tpu.memory_space<hbm>>) dst(%arg6 : memref<112x128xf32, #tpu.memory_space<vmem>>)
      tpu.yield
    }) : () -> ()
    %add3A_12 = arith.constant 336 : i32
    %add3A_13 = arith.addi %mul3A_2, %add3A_12 : i32
    %multiple_of3A_14 = tpu.assume_multiple %add3A_13, 8 : i32
    "tpu.region"() ({
      %run_scoped3A = tpu.sem_alloc : memref<!tpu.dma_semaphore, #tpu.memory_space<semaphore_mem>>
      %dma_start3A = arith.constant 0 : i32
      %dma_start3A_45 = tpu.memref_slice %arg4[%multiple_of3A_14, %dma_start3A] : memref<50176x128xf32, #tpu.memory_space<hbm>> -> memref<112x128xf32, #tpu.memory_space<hbm>>
      %dma_start3A_46 = arith.constant 0 : i32
      %dma_start3A_47 = tpu.memref_slice %arg4[%multiple_of3A_14, %dma_start3A_46] : memref<50176x128xf32, #tpu.memory_space<hbm>> -> memref<112x128xf32, #tpu.memory_space<hbm>>
      tpu.enqueue_dma source(%arg6 : memref<112x128xf32, #tpu.memory_space<vmem>>) target(%dma_start3A_47 : memref<112x128xf32, #tpu.memory_space<hbm>>) target_semaphore(%run_scoped3A : memref<!tpu.dma_semaphore, #tpu.memory_space<semaphore_mem>>)
      %dma_wait3A = arith.constant 0 : i32
      %dma_wait3A_48 = tpu.memref_slice %arg4[%multiple_of3A_14, %dma_wait3A] : memref<50176x128xf32, #tpu.memory_space<hbm>> -> memref<112x128xf32, #tpu.memory_space<hbm>>
      %dma_wait3A_49 = arith.constant 0 : i32
      %dma_wait3A_50 = tpu.memref_slice %arg4[%multiple_of3A_14, %dma_wait3A_49] : memref<50176x128xf32, #tpu.memory_space<hbm>> -> memref<112x128xf32, #tpu.memory_space<hbm>>
      tpu.wait_dma2 semaphore(%run_scoped3A : memref<!tpu.dma_semaphore, #tpu.memory_space<semaphore_mem>>) src(%arg6 : memref<112x128xf32, #tpu.memory_space<vmem>>) dst(%dma_wait3A_50 : memref<112x128xf32, #tpu.memory_space<hbm>>)
      tpu.yield
    }) : () -> ()
    "tpu.region"() ({
      %run_scoped3A = tpu.sem_alloc : memref<!tpu.dma_semaphore, #tpu.memory_space<semaphore_mem>>
      %dma_start3A = arith.constant 448 : i32
      %dma_start3A_45 = tpu.memref_slice %arg5[%dma_start3A] : memref<1568xi32, #tpu.memory_space<vmem>> -> memref<112xi32, #tpu.memory_space<vmem>>
      %dma_start3A_46 = arith.constant 0 : i32
      %dma_start3A_47 = arith.constant 0 : i32
      %dma_start3A_48 = tpu.memref_slice %arg3[%dma_start3A_46, %dma_start3A_47] : memref<100000x128xf32, #tpu.memory_space<hbm>> -> memref<100000x128xf32, #tpu.memory_space<hbm>>
      tpu.enqueue_indirect_dma source(%dma_start3A_48 : memref<100000x128xf32, #tpu.memory_space<hbm>>) target(%arg6 : memref<112x128xf32, #tpu.memory_space<vmem>>) offsets(%dma_start3A_45 : memref<112xi32, #tpu.memory_space<vmem>>) semaphore(%run_scoped3A : memref<!tpu.dma_semaphore, #tpu.memory_space<semaphore_mem>>)
      %dma_wait3A = arith.constant 448 : i32
      %dma_wait3A_49 = tpu.memref_slice %arg5[%dma_wait3A] : memref<1568xi32, #tpu.memory_space<vmem>> -> memref<112xi32, #tpu.memory_space<vmem>>
      %dma_wait3A_50 = arith.constant 0 : i32
      %dma_wait3A_51 = arith.constant 0 : i32
      %dma_wait3A_52 = tpu.memref_slice %arg3[%dma_wait3A_50, %dma_wait3A_51] : memref<100000x128xf32, #tpu.memory_space<hbm>> -> memref<100000x128xf32, #tpu.memory_space<hbm>>
      tpu.wait_indirect_dma semaphore(%run_scoped3A : memref<!tpu.dma_semaphore, #tpu.memory_space<semaphore_mem>>) src(%dma_wait3A_52 : memref<100000x128xf32, #tpu.memory_space<hbm>>) dst(%arg6 : memref<112x128xf32, #tpu.memory_space<vmem>>)
      tpu.yield
    }) : () -> ()
    %add3A_15 = arith.constant 448 : i32
    %add3A_16 = arith.addi %mul3A_2, %add3A_15 : i32
    %multiple_of3A_17 = tpu.assume_multiple %add3A_16, 8 : i32
    "tpu.region"() ({
      %run_scoped3A = tpu.sem_alloc : memref<!tpu.dma_semaphore, #tpu.memory_space<semaphore_mem>>
      %dma_start3A = arith.constant 0 : i32
      %dma_start3A_45 = tpu.memref_slice %arg4[%multiple_of3A_17, %dma_start3A] : memref<50176x128xf32, #tpu.memory_space<hbm>> -> memref<112x128xf32, #tpu.memory_space<hbm>>
      %dma_start3A_46 = arith.constant 0 : i32
      %dma_start3A_47 = tpu.memref_slice %arg4[%multiple_of3A_17, %dma_start3A_46] : memref<50176x128xf32, #tpu.memory_space<hbm>> -> memref<112x128xf32, #tpu.memory_space<hbm>>
      tpu.enqueue_dma source(%arg6 : memref<112x128xf32, #tpu.memory_space<vmem>>) target(%dma_start3A_47 : memref<112x128xf32, #tpu.memory_space<hbm>>) target_semaphore(%run_scoped3A : memref<!tpu.dma_semaphore, #tpu.memory_space<semaphore_mem>>)
      %dma_wait3A = arith.constant 0 : i32
      %dma_wait3A_48 = tpu.memref_slice %arg4[%multiple_of3A_17, %dma_wait3A] : memref<50176x128xf32, #tpu.memory_space<hbm>> -> memref<112x128xf32, #tpu.memory_space<hbm>>
      %dma_wait3A_49 = arith.constant 0 : i32
      %dma_wait3A_50 = tpu.memref_slice %arg4[%multiple_of3A_17, %dma_wait3A_49] : memref<50176x128xf32, #tpu.memory_space<hbm>> -> memref<112x128xf32, #tpu.memory_space<hbm>>
      tpu.wait_dma2 semaphore(%run_scoped3A : memref<!tpu.dma_semaphore, #tpu.memory_space<semaphore_mem>>) src(%arg6 : memref<112x128xf32, #tpu.memory_space<vmem>>) dst(%dma_wait3A_50 : memref<112x128xf32, #tpu.memory_space<hbm>>)
      tpu.yield
    }) : () -> ()
    "tpu.region"() ({
      %run_scoped3A = tpu.sem_alloc : memref<!tpu.dma_semaphore, #tpu.memory_space<semaphore_mem>>
      %dma_start3A = arith.constant 560 : i32
      %dma_start3A_45 = tpu.memref_slice %arg5[%dma_start3A] : memref<1568xi32, #tpu.memory_space<vmem>> -> memref<112xi32, #tpu.memory_space<vmem>>
      %dma_start3A_46 = arith.constant 0 : i32
      %dma_start3A_47 = arith.constant 0 : i32
      %dma_start3A_48 = tpu.memref_slice %arg3[%dma_start3A_46, %dma_start3A_47] : memref<100000x128xf32, #tpu.memory_space<hbm>> -> memref<100000x128xf32, #tpu.memory_space<hbm>>
      tpu.enqueue_indirect_dma source(%dma_start3A_48 : memref<100000x128xf32, #tpu.memory_space<hbm>>) target(%arg6 : memref<112x128xf32, #tpu.memory_space<vmem>>) offsets(%dma_start3A_45 : memref<112xi32, #tpu.memory_space<vmem>>) semaphore(%run_scoped3A : memref<!tpu.dma_semaphore, #tpu.memory_space<semaphore_mem>>)
      %dma_wait3A = arith.constant 560 : i32
      %dma_wait3A_49 = tpu.memref_slice %arg5[%dma_wait3A] : memref<1568xi32, #tpu.memory_space<vmem>> -> memref<112xi32, #tpu.memory_space<vmem>>
      %dma_wait3A_50 = arith.constant 0 : i32
      %dma_wait3A_51 = arith.constant 0 : i32
      %dma_wait3A_52 = tpu.memref_slice %arg3[%dma_wait3A_50, %dma_wait3A_51] : memref<100000x128xf32, #tpu.memory_space<hbm>> -> memref<100000x128xf32, #tpu.memory_space<hbm>>
      tpu.wait_indirect_dma semaphore(%run_scoped3A : memref<!tpu.dma_semaphore, #tpu.memory_space<semaphore_mem>>) src(%dma_wait3A_52 : memref<100000x128xf32, #tpu.memory_space<hbm>>) dst(%arg6 : memref<112x128xf32, #tpu.memory_space<vmem>>)
      tpu.yield
    }) : () -> ()
    %add3A_18 = arith.constant 560 : i32
    %add3A_19 = arith.addi %mul3A_2, %add3A_18 : i32
    %multiple_of3A_20 = tpu.assume_multiple %add3A_19, 8 : i32
    "tpu.region"() ({
      %run_scoped3A = tpu.sem_alloc : memref<!tpu.dma_semaphore, #tpu.memory_space<semaphore_mem>>
      %dma_start3A = arith.constant 0 : i32
      %dma_start3A_45 = tpu.memref_slice %arg4[%multiple_of3A_20, %dma_start3A] : memref<50176x128xf32, #tpu.memory_space<hbm>> -> memref<112x128xf32, #tpu.memory_space<hbm>>
      %dma_start3A_46 = arith.constant 0 : i32
      %dma_start3A_47 = tpu.memref_slice %arg4[%multiple_of3A_20, %dma_start3A_46] : memref<50176x128xf32, #tpu.memory_space<hbm>> -> memref<112x128xf32, #tpu.memory_space<hbm>>
      tpu.enqueue_dma source(%arg6 : memref<112x128xf32, #tpu.memory_space<vmem>>) target(%dma_start3A_47 : memref<112x128xf32, #tpu.memory_space<hbm>>) target_semaphore(%run_scoped3A : memref<!tpu.dma_semaphore, #tpu.memory_space<semaphore_mem>>)
      %dma_wait3A = arith.constant 0 : i32
      %dma_wait3A_48 = tpu.memref_slice %arg4[%multiple_of3A_20, %dma_wait3A] : memref<50176x128xf32, #tpu.memory_space<hbm>> -> memref<112x128xf32, #tpu.memory_space<hbm>>
      %dma_wait3A_49 = arith.constant 0 : i32
      %dma_wait3A_50 = tpu.memref_slice %arg4[%multiple_of3A_20, %dma_wait3A_49] : memref<50176x128xf32, #tpu.memory_space<hbm>> -> memref<112x128xf32, #tpu.memory_space<hbm>>
      tpu.wait_dma2 semaphore(%run_scoped3A : memref<!tpu.dma_semaphore, #tpu.memory_space<semaphore_mem>>) src(%arg6 : memref<112x128xf32, #tpu.memory_space<vmem>>) dst(%dma_wait3A_50 : memref<112x128xf32, #tpu.memory_space<hbm>>)
      tpu.yield
    }) : () -> ()
    "tpu.region"() ({
      %run_scoped3A = tpu.sem_alloc : memref<!tpu.dma_semaphore, #tpu.memory_space<semaphore_mem>>
      %dma_start3A = arith.constant 672 : i32
      %dma_start3A_45 = tpu.memref_slice %arg5[%dma_start3A] : memref<1568xi32, #tpu.memory_space<vmem>> -> memref<112xi32, #tpu.memory_space<vmem>>
      %dma_start3A_46 = arith.constant 0 : i32
      %dma_start3A_47 = arith.constant 0 : i32
      %dma_start3A_48 = tpu.memref_slice %arg3[%dma_start3A_46, %dma_start3A_47] : memref<100000x128xf32, #tpu.memory_space<hbm>> -> memref<100000x128xf32, #tpu.memory_space<hbm>>
      tpu.enqueue_indirect_dma source(%dma_start3A_48 : memref<100000x128xf32, #tpu.memory_space<hbm>>) target(%arg6 : memref<112x128xf32, #tpu.memory_space<vmem>>) offsets(%dma_start3A_45 : memref<112xi32, #tpu.memory_space<vmem>>) semaphore(%run_scoped3A : memref<!tpu.dma_semaphore, #tpu.memory_space<semaphore_mem>>)
      %dma_wait3A = arith.constant 672 : i32
      %dma_wait3A_49 = tpu.memref_slice %arg5[%dma_wait3A] : memref<1568xi32, #tpu.memory_space<vmem>> -> memref<112xi32, #tpu.memory_space<vmem>>
      %dma_wait3A_50 = arith.constant 0 : i32
      %dma_wait3A_51 = arith.constant 0 : i32
      %dma_wait3A_52 = tpu.memref_slice %arg3[%dma_wait3A_50, %dma_wait3A_51] : memref<100000x128xf32, #tpu.memory_space<hbm>> -> memref<100000x128xf32, #tpu.memory_space<hbm>>
      tpu.wait_indirect_dma semaphore(%run_scoped3A : memref<!tpu.dma_semaphore, #tpu.memory_space<semaphore_mem>>) src(%dma_wait3A_52 : memref<100000x128xf32, #tpu.memory_space<hbm>>) dst(%arg6 : memref<112x128xf32, #tpu.memory_space<vmem>>)
      tpu.yield
    }) : () -> ()
    %add3A_21 = arith.constant 672 : i32
    %add3A_22 = arith.addi %mul3A_2, %add3A_21 : i32
    %multiple_of3A_23 = tpu.assume_multiple %add3A_22, 8 : i32
    "tpu.region"() ({
      %run_scoped3A = tpu.sem_alloc : memref<!tpu.dma_semaphore, #tpu.memory_space<semaphore_mem>>
      %dma_start3A = arith.constant 0 : i32
      %dma_start3A_45 = tpu.memref_slice %arg4[%multiple_of3A_23, %dma_start3A] : memref<50176x128xf32, #tpu.memory_space<hbm>> -> memref<112x128xf32, #tpu.memory_space<hbm>>
      %dma_start3A_46 = arith.constant 0 : i32
      %dma_start3A_47 = tpu.memref_slice %arg4[%multiple_of3A_23, %dma_start3A_46] : memref<50176x128xf32, #tpu.memory_space<hbm>> -> memref<112x128xf32, #tpu.memory_space<hbm>>
      tpu.enqueue_dma source(%arg6 : memref<112x128xf32, #tpu.memory_space<vmem>>) target(%dma_start3A_47 : memref<112x128xf32, #tpu.memory_space<hbm>>) target_semaphore(%run_scoped3A : memref<!tpu.dma_semaphore, #tpu.memory_space<semaphore_mem>>)
      %dma_wait3A = arith.constant 0 : i32
      %dma_wait3A_48 = tpu.memref_slice %arg4[%multiple_of3A_23, %dma_wait3A] : memref<50176x128xf32, #tpu.memory_space<hbm>> -> memref<112x128xf32, #tpu.memory_space<hbm>>
      %dma_wait3A_49 = arith.constant 0 : i32
      %dma_wait3A_50 = tpu.memref_slice %arg4[%multiple_of3A_23, %dma_wait3A_49] : memref<50176x128xf32, #tpu.memory_space<hbm>> -> memref<112x128xf32, #tpu.memory_space<hbm>>
      tpu.wait_dma2 semaphore(%run_scoped3A : memref<!tpu.dma_semaphore, #tpu.memory_space<semaphore_mem>>) src(%arg6 : memref<112x128xf32, #tpu.memory_space<vmem>>) dst(%dma_wait3A_50 : memref<112x128xf32, #tpu.memory_space<hbm>>)
      tpu.yield
    }) : () -> ()
    "tpu.region"() ({
      %run_scoped3A = tpu.sem_alloc : memref<!tpu.dma_semaphore, #tpu.memory_space<semaphore_mem>>
      %dma_start3A = arith.constant 784 : i32
      %dma_start3A_45 = tpu.memref_slice %arg5[%dma_start3A] : memref<1568xi32, #tpu.memory_space<vmem>> -> memref<112xi32, #tpu.memory_space<vmem>>
      %dma_start3A_46 = arith.constant 0 : i32
      %dma_start3A_47 = arith.constant 0 : i32
      %dma_start3A_48 = tpu.memref_slice %arg3[%dma_start3A_46, %dma_start3A_47] : memref<100000x128xf32, #tpu.memory_space<hbm>> -> memref<100000x128xf32, #tpu.memory_space<hbm>>
      tpu.enqueue_indirect_dma source(%dma_start3A_48 : memref<100000x128xf32, #tpu.memory_space<hbm>>) target(%arg6 : memref<112x128xf32, #tpu.memory_space<vmem>>) offsets(%dma_start3A_45 : memref<112xi32, #tpu.memory_space<vmem>>) semaphore(%run_scoped3A : memref<!tpu.dma_semaphore, #tpu.memory_space<semaphore_mem>>)
      %dma_wait3A = arith.constant 784 : i32
      %dma_wait3A_49 = tpu.memref_slice %arg5[%dma_wait3A] : memref<1568xi32, #tpu.memory_space<vmem>> -> memref<112xi32, #tpu.memory_space<vmem>>
      %dma_wait3A_50 = arith.constant 0 : i32
      %dma_wait3A_51 = arith.constant 0 : i32
      %dma_wait3A_52 = tpu.memref_slice %arg3[%dma_wait3A_50, %dma_wait3A_51] : memref<100000x128xf32, #tpu.memory_space<hbm>> -> memref<100000x128xf32, #tpu.memory_space<hbm>>
      tpu.wait_indirect_dma semaphore(%run_scoped3A : memref<!tpu.dma_semaphore, #tpu.memory_space<semaphore_mem>>) src(%dma_wait3A_52 : memref<100000x128xf32, #tpu.memory_space<hbm>>) dst(%arg6 : memref<112x128xf32, #tpu.memory_space<vmem>>)
      tpu.yield
    }) : () -> ()
    %add3A_24 = arith.constant 784 : i32
    %add3A_25 = arith.addi %mul3A_2, %add3A_24 : i32
    %multiple_of3A_26 = tpu.assume_multiple %add3A_25, 8 : i32
    "tpu.region"() ({
      %run_scoped3A = tpu.sem_alloc : memref<!tpu.dma_semaphore, #tpu.memory_space<semaphore_mem>>
      %dma_start3A = arith.constant 0 : i32
      %dma_start3A_45 = tpu.memref_slice %arg4[%multiple_of3A_26, %dma_start3A] : memref<50176x128xf32, #tpu.memory_space<hbm>> -> memref<112x128xf32, #tpu.memory_space<hbm>>
      %dma_start3A_46 = arith.constant 0 : i32
      %dma_start3A_47 = tpu.memref_slice %arg4[%multiple_of3A_26, %dma_start3A_46] : memref<50176x128xf32, #tpu.memory_space<hbm>> -> memref<112x128xf32, #tpu.memory_space<hbm>>
      tpu.enqueue_dma source(%arg6 : memref<112x128xf32, #tpu.memory_space<vmem>>) target(%dma_start3A_47 : memref<112x128xf32, #tpu.memory_space<hbm>>) target_semaphore(%run_scoped3A : memref<!tpu.dma_semaphore, #tpu.memory_space<semaphore_mem>>)
      %dma_wait3A = arith.constant 0 : i32
      %dma_wait3A_48 = tpu.memref_slice %arg4[%multiple_of3A_26, %dma_wait3A] : memref<50176x128xf32, #tpu.memory_space<hbm>> -> memref<112x128xf32, #tpu.memory_space<hbm>>
      %dma_wait3A_49 = arith.constant 0 : i32
      %dma_wait3A_50 = tpu.memref_slice %arg4[%multiple_of3A_26, %dma_wait3A_49] : memref<50176x128xf32, #tpu.memory_space<hbm>> -> memref<112x128xf32, #tpu.memory_space<hbm>>
      tpu.wait_dma2 semaphore(%run_scoped3A : memref<!tpu.dma_semaphore, #tpu.memory_space<semaphore_mem>>) src(%arg6 : memref<112x128xf32, #tpu.memory_space<vmem>>) dst(%dma_wait3A_50 : memref<112x128xf32, #tpu.memory_space<hbm>>)
      tpu.yield
    }) : () -> ()
    "tpu.region"() ({
      %run_scoped3A = tpu.sem_alloc : memref<!tpu.dma_semaphore, #tpu.memory_space<semaphore_mem>>
      %dma_start3A = arith.constant 896 : i32
      %dma_start3A_45 = tpu.memref_slice %arg5[%dma_start3A] : memref<1568xi32, #tpu.memory_space<vmem>> -> memref<112xi32, #tpu.memory_space<vmem>>
      %dma_start3A_46 = arith.constant 0 : i32
      %dma_start3A_47 = arith.constant 0 : i32
      %dma_start3A_48 = tpu.memref_slice %arg3[%dma_start3A_46, %dma_start3A_47] : memref<100000x128xf32, #tpu.memory_space<hbm>> -> memref<100000x128xf32, #tpu.memory_space<hbm>>
      tpu.enqueue_indirect_dma source(%dma_start3A_48 : memref<100000x128xf32, #tpu.memory_space<hbm>>) target(%arg6 : memref<112x128xf32, #tpu.memory_space<vmem>>) offsets(%dma_start3A_45 : memref<112xi32, #tpu.memory_space<vmem>>) semaphore(%run_scoped3A : memref<!tpu.dma_semaphore, #tpu.memory_space<semaphore_mem>>)
      %dma_wait3A = arith.constant 896 : i32
      %dma_wait3A_49 = tpu.memref_slice %arg5[%dma_wait3A] : memref<1568xi32, #tpu.memory_space<vmem>> -> memref<112xi32, #tpu.memory_space<vmem>>
      %dma_wait3A_50 = arith.constant 0 : i32
      %dma_wait3A_51 = arith.constant 0 : i32
      %dma_wait3A_52 = tpu.memref_slice %arg3[%dma_wait3A_50, %dma_wait3A_51] : memref<100000x128xf32, #tpu.memory_space<hbm>> -> memref<100000x128xf32, #tpu.memory_space<hbm>>
      tpu.wait_indirect_dma semaphore(%run_scoped3A : memref<!tpu.dma_semaphore, #tpu.memory_space<semaphore_mem>>) src(%dma_wait3A_52 : memref<100000x128xf32, #tpu.memory_space<hbm>>) dst(%arg6 : memref<112x128xf32, #tpu.memory_space<vmem>>)
      tpu.yield
    }) : () -> ()
    %add3A_27 = arith.constant 896 : i32
    %add3A_28 = arith.addi %mul3A_2, %add3A_27 : i32
    %multiple_of3A_29 = tpu.assume_multiple %add3A_28, 8 : i32
    "tpu.region"() ({
      %run_scoped3A = tpu.sem_alloc : memref<!tpu.dma_semaphore, #tpu.memory_space<semaphore_mem>>
      %dma_start3A = arith.constant 0 : i32
      %dma_start3A_45 = tpu.memref_slice %arg4[%multiple_of3A_29, %dma_start3A] : memref<50176x128xf32, #tpu.memory_space<hbm>> -> memref<112x128xf32, #tpu.memory_space<hbm>>
      %dma_start3A_46 = arith.constant 0 : i32
      %dma_start3A_47 = tpu.memref_slice %arg4[%multiple_of3A_29, %dma_start3A_46] : memref<50176x128xf32, #tpu.memory_space<hbm>> -> memref<112x128xf32, #tpu.memory_space<hbm>>
      tpu.enqueue_dma source(%arg6 : memref<112x128xf32, #tpu.memory_space<vmem>>) target(%dma_start3A_47 : memref<112x128xf32, #tpu.memory_space<hbm>>) target_semaphore(%run_scoped3A : memref<!tpu.dma_semaphore, #tpu.memory_space<semaphore_mem>>)
      %dma_wait3A = arith.constant 0 : i32
      %dma_wait3A_48 = tpu.memref_slice %arg4[%multiple_of3A_29, %dma_wait3A] : memref<50176x128xf32, #tpu.memory_space<hbm>> -> memref<112x128xf32, #tpu.memory_space<hbm>>
      %dma_wait3A_49 = arith.constant 0 : i32
      %dma_wait3A_50 = tpu.memref_slice %arg4[%multiple_of3A_29, %dma_wait3A_49] : memref<50176x128xf32, #tpu.memory_space<hbm>> -> memref<112x128xf32, #tpu.memory_space<hbm>>
      tpu.wait_dma2 semaphore(%run_scoped3A : memref<!tpu.dma_semaphore, #tpu.memory_space<semaphore_mem>>) src(%arg6 : memref<112x128xf32, #tpu.memory_space<vmem>>) dst(%dma_wait3A_50 : memref<112x128xf32, #tpu.memory_space<hbm>>)
      tpu.yield
    }) : () -> ()
    "tpu.region"() ({
      %run_scoped3A = tpu.sem_alloc : memref<!tpu.dma_semaphore, #tpu.memory_space<semaphore_mem>>
      %dma_start3A = arith.constant 1008 : i32
      %dma_start3A_45 = tpu.memref_slice %arg5[%dma_start3A] : memref<1568xi32, #tpu.memory_space<vmem>> -> memref<112xi32, #tpu.memory_space<vmem>>
      %dma_start3A_46 = arith.constant 0 : i32
      %dma_start3A_47 = arith.constant 0 : i32
      %dma_start3A_48 = tpu.memref_slice %arg3[%dma_start3A_46, %dma_start3A_47] : memref<100000x128xf32, #tpu.memory_space<hbm>> -> memref<100000x128xf32, #tpu.memory_space<hbm>>
      tpu.enqueue_indirect_dma source(%dma_start3A_48 : memref<100000x128xf32, #tpu.memory_space<hbm>>) target(%arg6 : memref<112x128xf32, #tpu.memory_space<vmem>>) offsets(%dma_start3A_45 : memref<112xi32, #tpu.memory_space<vmem>>) semaphore(%run_scoped3A : memref<!tpu.dma_semaphore, #tpu.memory_space<semaphore_mem>>)
      %dma_wait3A = arith.constant 1008 : i32
      %dma_wait3A_49 = tpu.memref_slice %arg5[%dma_wait3A] : memref<1568xi32, #tpu.memory_space<vmem>> -> memref<112xi32, #tpu.memory_space<vmem>>
      %dma_wait3A_50 = arith.constant 0 : i32
      %dma_wait3A_51 = arith.constant 0 : i32
      %dma_wait3A_52 = tpu.memref_slice %arg3[%dma_wait3A_50, %dma_wait3A_51] : memref<100000x128xf32, #tpu.memory_space<hbm>> -> memref<100000x128xf32, #tpu.memory_space<hbm>>
      tpu.wait_indirect_dma semaphore(%run_scoped3A : memref<!tpu.dma_semaphore, #tpu.memory_space<semaphore_mem>>) src(%dma_wait3A_52 : memref<100000x128xf32, #tpu.memory_space<hbm>>) dst(%arg6 : memref<112x128xf32, #tpu.memory_space<vmem>>)
      tpu.yield
    }) : () -> ()
    %add3A_30 = arith.constant 1008 : i32
    %add3A_31 = arith.addi %mul3A_2, %add3A_30 : i32
    %multiple_of3A_32 = tpu.assume_multiple %add3A_31, 8 : i32
    "tpu.region"() ({
      %run_scoped3A = tpu.sem_alloc : memref<!tpu.dma_semaphore, #tpu.memory_space<semaphore_mem>>
      %dma_start3A = arith.constant 0 : i32
      %dma_start3A_45 = tpu.memref_slice %arg4[%multiple_of3A_32, %dma_start3A] : memref<50176x128xf32, #tpu.memory_space<hbm>> -> memref<112x128xf32, #tpu.memory_space<hbm>>
      %dma_start3A_46 = arith.constant 0 : i32
      %dma_start3A_47 = tpu.memref_slice %arg4[%multiple_of3A_32, %dma_start3A_46] : memref<50176x128xf32, #tpu.memory_space<hbm>> -> memref<112x128xf32, #tpu.memory_space<hbm>>
      tpu.enqueue_dma source(%arg6 : memref<112x128xf32, #tpu.memory_space<vmem>>) target(%dma_start3A_47 : memref<112x128xf32, #tpu.memory_space<hbm>>) target_semaphore(%run_scoped3A : memref<!tpu.dma_semaphore, #tpu.memory_space<semaphore_mem>>)
      %dma_wait3A = arith.constant 0 : i32
      %dma_wait3A_48 = tpu.memref_slice %arg4[%multiple_of3A_32, %dma_wait3A] : memref<50176x128xf32, #tpu.memory_space<hbm>> -> memref<112x128xf32, #tpu.memory_space<hbm>>
      %dma_wait3A_49 = arith.constant 0 : i32
      %dma_wait3A_50 = tpu.memref_slice %arg4[%multiple_of3A_32, %dma_wait3A_49] : memref<50176x128xf32, #tpu.memory_space<hbm>> -> memref<112x128xf32, #tpu.memory_space<hbm>>
      tpu.wait_dma2 semaphore(%run_scoped3A : memref<!tpu.dma_semaphore, #tpu.memory_space<semaphore_mem>>) src(%arg6 : memref<112x128xf32, #tpu.memory_space<vmem>>) dst(%dma_wait3A_50 : memref<112x128xf32, #tpu.memory_space<hbm>>)
      tpu.yield
    }) : () -> ()
    "tpu.region"() ({
      %run_scoped3A = tpu.sem_alloc : memref<!tpu.dma_semaphore, #tpu.memory_space<semaphore_mem>>
      %dma_start3A = arith.constant 1120 : i32
      %dma_start3A_45 = tpu.memref_slice %arg5[%dma_start3A] : memref<1568xi32, #tpu.memory_space<vmem>> -> memref<112xi32, #tpu.memory_space<vmem>>
      %dma_start3A_46 = arith.constant 0 : i32
      %dma_start3A_47 = arith.constant 0 : i32
      %dma_start3A_48 = tpu.memref_slice %arg3[%dma_start3A_46, %dma_start3A_47] : memref<100000x128xf32, #tpu.memory_space<hbm>> -> memref<100000x128xf32, #tpu.memory_space<hbm>>
      tpu.enqueue_indirect_dma source(%dma_start3A_48 : memref<100000x128xf32, #tpu.memory_space<hbm>>) target(%arg6 : memref<112x128xf32, #tpu.memory_space<vmem>>) offsets(%dma_start3A_45 : memref<112xi32, #tpu.memory_space<vmem>>) semaphore(%run_scoped3A : memref<!tpu.dma_semaphore, #tpu.memory_space<semaphore_mem>>)
      %dma_wait3A = arith.constant 1120 : i32
      %dma_wait3A_49 = tpu.memref_slice %arg5[%dma_wait3A] : memref<1568xi32, #tpu.memory_space<vmem>> -> memref<112xi32, #tpu.memory_space<vmem>>
      %dma_wait3A_50 = arith.constant 0 : i32
      %dma_wait3A_51 = arith.constant 0 : i32
      %dma_wait3A_52 = tpu.memref_slice %arg3[%dma_wait3A_50, %dma_wait3A_51] : memref<100000x128xf32, #tpu.memory_space<hbm>> -> memref<100000x128xf32, #tpu.memory_space<hbm>>
      tpu.wait_indirect_dma semaphore(%run_scoped3A : memref<!tpu.dma_semaphore, #tpu.memory_space<semaphore_mem>>) src(%dma_wait3A_52 : memref<100000x128xf32, #tpu.memory_space<hbm>>) dst(%arg6 : memref<112x128xf32, #tpu.memory_space<vmem>>)
      tpu.yield
    }) : () -> ()
    %add3A_33 = arith.constant 1120 : i32
    %add3A_34 = arith.addi %mul3A_2, %add3A_33 : i32
    %multiple_of3A_35 = tpu.assume_multiple %add3A_34, 8 : i32
    "tpu.region"() ({
      %run_scoped3A = tpu.sem_alloc : memref<!tpu.dma_semaphore, #tpu.memory_space<semaphore_mem>>
      %dma_start3A = arith.constant 0 : i32
      %dma_start3A_45 = tpu.memref_slice %arg4[%multiple_of3A_35, %dma_start3A] : memref<50176x128xf32, #tpu.memory_space<hbm>> -> memref<112x128xf32, #tpu.memory_space<hbm>>
      %dma_start3A_46 = arith.constant 0 : i32
      %dma_start3A_47 = tpu.memref_slice %arg4[%multiple_of3A_35, %dma_start3A_46] : memref<50176x128xf32, #tpu.memory_space<hbm>> -> memref<112x128xf32, #tpu.memory_space<hbm>>
      tpu.enqueue_dma source(%arg6 : memref<112x128xf32, #tpu.memory_space<vmem>>) target(%dma_start3A_47 : memref<112x128xf32, #tpu.memory_space<hbm>>) target_semaphore(%run_scoped3A : memref<!tpu.dma_semaphore, #tpu.memory_space<semaphore_mem>>)
      %dma_wait3A = arith.constant 0 : i32
      %dma_wait3A_48 = tpu.memref_slice %arg4[%multiple_of3A_35, %dma_wait3A] : memref<50176x128xf32, #tpu.memory_space<hbm>> -> memref<112x128xf32, #tpu.memory_space<hbm>>
      %dma_wait3A_49 = arith.constant 0 : i32
      %dma_wait3A_50 = tpu.memref_slice %arg4[%multiple_of3A_35, %dma_wait3A_49] : memref<50176x128xf32, #tpu.memory_space<hbm>> -> memref<112x128xf32, #tpu.memory_space<hbm>>
      tpu.wait_dma2 semaphore(%run_scoped3A : memref<!tpu.dma_semaphore, #tpu.memory_space<semaphore_mem>>) src(%arg6 : memref<112x128xf32, #tpu.memory_space<vmem>>) dst(%dma_wait3A_50 : memref<112x128xf32, #tpu.memory_space<hbm>>)
      tpu.yield
    }) : () -> ()
    "tpu.region"() ({
      %run_scoped3A = tpu.sem_alloc : memref<!tpu.dma_semaphore, #tpu.memory_space<semaphore_mem>>
      %dma_start3A = arith.constant 1232 : i32
      %dma_start3A_45 = tpu.memref_slice %arg5[%dma_start3A] : memref<1568xi32, #tpu.memory_space<vmem>> -> memref<112xi32, #tpu.memory_space<vmem>>
      %dma_start3A_46 = arith.constant 0 : i32
      %dma_start3A_47 = arith.constant 0 : i32
      %dma_start3A_48 = tpu.memref_slice %arg3[%dma_start3A_46, %dma_start3A_47] : memref<100000x128xf32, #tpu.memory_space<hbm>> -> memref<100000x128xf32, #tpu.memory_space<hbm>>
      tpu.enqueue_indirect_dma source(%dma_start3A_48 : memref<100000x128xf32, #tpu.memory_space<hbm>>) target(%arg6 : memref<112x128xf32, #tpu.memory_space<vmem>>) offsets(%dma_start3A_45 : memref<112xi32, #tpu.memory_space<vmem>>) semaphore(%run_scoped3A : memref<!tpu.dma_semaphore, #tpu.memory_space<semaphore_mem>>)
      %dma_wait3A = arith.constant 1232 : i32
      %dma_wait3A_49 = tpu.memref_slice %arg5[%dma_wait3A] : memref<1568xi32, #tpu.memory_space<vmem>> -> memref<112xi32, #tpu.memory_space<vmem>>
      %dma_wait3A_50 = arith.constant 0 : i32
      %dma_wait3A_51 = arith.constant 0 : i32
      %dma_wait3A_52 = tpu.memref_slice %arg3[%dma_wait3A_50, %dma_wait3A_51] : memref<100000x128xf32, #tpu.memory_space<hbm>> -> memref<100000x128xf32, #tpu.memory_space<hbm>>
      tpu.wait_indirect_dma semaphore(%run_scoped3A : memref<!tpu.dma_semaphore, #tpu.memory_space<semaphore_mem>>) src(%dma_wait3A_52 : memref<100000x128xf32, #tpu.memory_space<hbm>>) dst(%arg6 : memref<112x128xf32, #tpu.memory_space<vmem>>)
      tpu.yield
    }) : () -> ()
    %add3A_36 = arith.constant 1232 : i32
    %add3A_37 = arith.addi %mul3A_2, %add3A_36 : i32
    %multiple_of3A_38 = tpu.assume_multiple %add3A_37, 8 : i32
    "tpu.region"() ({
      %run_scoped3A = tpu.sem_alloc : memref<!tpu.dma_semaphore, #tpu.memory_space<semaphore_mem>>
      %dma_start3A = arith.constant 0 : i32
      %dma_start3A_45 = tpu.memref_slice %arg4[%multiple_of3A_38, %dma_start3A] : memref<50176x128xf32, #tpu.memory_space<hbm>> -> memref<112x128xf32, #tpu.memory_space<hbm>>
      %dma_start3A_46 = arith.constant 0 : i32
      %dma_start3A_47 = tpu.memref_slice %arg4[%multiple_of3A_38, %dma_start3A_46] : memref<50176x128xf32, #tpu.memory_space<hbm>> -> memref<112x128xf32, #tpu.memory_space<hbm>>
      tpu.enqueue_dma source(%arg6 : memref<112x128xf32, #tpu.memory_space<vmem>>) target(%dma_start3A_47 : memref<112x128xf32, #tpu.memory_space<hbm>>) target_semaphore(%run_scoped3A : memref<!tpu.dma_semaphore, #tpu.memory_space<semaphore_mem>>)
      %dma_wait3A = arith.constant 0 : i32
      %dma_wait3A_48 = tpu.memref_slice %arg4[%multiple_of3A_38, %dma_wait3A] : memref<50176x128xf32, #tpu.memory_space<hbm>> -> memref<112x128xf32, #tpu.memory_space<hbm>>
      %dma_wait3A_49 = arith.constant 0 : i32
      %dma_wait3A_50 = tpu.memref_slice %arg4[%multiple_of3A_38, %dma_wait3A_49] : memref<50176x128xf32, #tpu.memory_space<hbm>> -> memref<112x128xf32, #tpu.memory_space<hbm>>
      tpu.wait_dma2 semaphore(%run_scoped3A : memref<!tpu.dma_semaphore, #tpu.memory_space<semaphore_mem>>) src(%arg6 : memref<112x128xf32, #tpu.memory_space<vmem>>) dst(%dma_wait3A_50 : memref<112x128xf32, #tpu.memory_space<hbm>>)
      tpu.yield
    }) : () -> ()
    "tpu.region"() ({
      %run_scoped3A = tpu.sem_alloc : memref<!tpu.dma_semaphore, #tpu.memory_space<semaphore_mem>>
      %dma_start3A = arith.constant 1344 : i32
      %dma_start3A_45 = tpu.memref_slice %arg5[%dma_start3A] : memref<1568xi32, #tpu.memory_space<vmem>> -> memref<112xi32, #tpu.memory_space<vmem>>
      %dma_start3A_46 = arith.constant 0 : i32
      %dma_start3A_47 = arith.constant 0 : i32
      %dma_start3A_48 = tpu.memref_slice %arg3[%dma_start3A_46, %dma_start3A_47] : memref<100000x128xf32, #tpu.memory_space<hbm>> -> memref<100000x128xf32, #tpu.memory_space<hbm>>
      tpu.enqueue_indirect_dma source(%dma_start3A_48 : memref<100000x128xf32, #tpu.memory_space<hbm>>) target(%arg6 : memref<112x128xf32, #tpu.memory_space<vmem>>) offsets(%dma_start3A_45 : memref<112xi32, #tpu.memory_space<vmem>>) semaphore(%run_scoped3A : memref<!tpu.dma_semaphore, #tpu.memory_space<semaphore_mem>>)
      %dma_wait3A = arith.constant 1344 : i32
      %dma_wait3A_49 = tpu.memref_slice %arg5[%dma_wait3A] : memref<1568xi32, #tpu.memory_space<vmem>> -> memref<112xi32, #tpu.memory_space<vmem>>
      %dma_wait3A_50 = arith.constant 0 : i32
      %dma_wait3A_51 = arith.constant 0 : i32
      %dma_wait3A_52 = tpu.memref_slice %arg3[%dma_wait3A_50, %dma_wait3A_51] : memref<100000x128xf32, #tpu.memory_space<hbm>> -> memref<100000x128xf32, #tpu.memory_space<hbm>>
      tpu.wait_indirect_dma semaphore(%run_scoped3A : memref<!tpu.dma_semaphore, #tpu.memory_space<semaphore_mem>>) src(%dma_wait3A_52 : memref<100000x128xf32, #tpu.memory_space<hbm>>) dst(%arg6 : memref<112x128xf32, #tpu.memory_space<vmem>>)
      tpu.yield
    }) : () -> ()
    %add3A_39 = arith.constant 1344 : i32
    %add3A_40 = arith.addi %mul3A_2, %add3A_39 : i32
    %multiple_of3A_41 = tpu.assume_multiple %add3A_40, 8 : i32
    "tpu.region"() ({
      %run_scoped3A = tpu.sem_alloc : memref<!tpu.dma_semaphore, #tpu.memory_space<semaphore_mem>>
      %dma_start3A = arith.constant 0 : i32
      %dma_start3A_45 = tpu.memref_slice %arg4[%multiple_of3A_41, %dma_start3A] : memref<50176x128xf32, #tpu.memory_space<hbm>> -> memref<112x128xf32, #tpu.memory_space<hbm>>
      %dma_start3A_46 = arith.constant 0 : i32
      %dma_start3A_47 = tpu.memref_slice %arg4[%multiple_of3A_41, %dma_start3A_46] : memref<50176x128xf32, #tpu.memory_space<hbm>> -> memref<112x128xf32, #tpu.memory_space<hbm>>
      tpu.enqueue_dma source(%arg6 : memref<112x128xf32, #tpu.memory_space<vmem>>) target(%dma_start3A_47 : memref<112x128xf32, #tpu.memory_space<hbm>>) target_semaphore(%run_scoped3A : memref<!tpu.dma_semaphore, #tpu.memory_space<semaphore_mem>>)
      %dma_wait3A = arith.constant 0 : i32
      %dma_wait3A_48 = tpu.memref_slice %arg4[%multiple_of3A_41, %dma_wait3A] : memref<50176x128xf32, #tpu.memory_space<hbm>> -> memref<112x128xf32, #tpu.memory_space<hbm>>
      %dma_wait3A_49 = arith.constant 0 : i32
      %dma_wait3A_50 = tpu.memref_slice %arg4[%multiple_of3A_41, %dma_wait3A_49] : memref<50176x128xf32, #tpu.memory_space<hbm>> -> memref<112x128xf32, #tpu.memory_space<hbm>>
      tpu.wait_dma2 semaphore(%run_scoped3A : memref<!tpu.dma_semaphore, #tpu.memory_space<semaphore_mem>>) src(%arg6 : memref<112x128xf32, #tpu.memory_space<vmem>>) dst(%dma_wait3A_50 : memref<112x128xf32, #tpu.memory_space<hbm>>)
      tpu.yield
    }) : () -> ()
    "tpu.region"() ({
      %run_scoped3A = tpu.sem_alloc : memref<!tpu.dma_semaphore, #tpu.memory_space<semaphore_mem>>
      %dma_start3A = arith.constant 1456 : i32
      %dma_start3A_45 = tpu.memref_slice %arg5[%dma_start3A] : memref<1568xi32, #tpu.memory_space<vmem>> -> memref<112xi32, #tpu.memory_space<vmem>>
      %dma_start3A_46 = arith.constant 0 : i32
      %dma_start3A_47 = arith.constant 0 : i32
      %dma_start3A_48 = tpu.memref_slice %arg3[%dma_start3A_46, %dma_start3A_47] : memref<100000x128xf32, #tpu.memory_space<hbm>> -> memref<100000x128xf32, #tpu.memory_space<hbm>>
      tpu.enqueue_indirect_dma source(%dma_start3A_48 : memref<100000x128xf32, #tpu.memory_space<hbm>>) target(%arg6 : memref<112x128xf32, #tpu.memory_space<vmem>>) offsets(%dma_start3A_45 : memref<112xi32, #tpu.memory_space<vmem>>) semaphore(%run_scoped3A : memref<!tpu.dma_semaphore, #tpu.memory_space<semaphore_mem>>)
      %dma_wait3A = arith.constant 1456 : i32
      %dma_wait3A_49 = tpu.memref_slice %arg5[%dma_wait3A] : memref<1568xi32, #tpu.memory_space<vmem>> -> memref<112xi32, #tpu.memory_space<vmem>>
      %dma_wait3A_50 = arith.constant 0 : i32
      %dma_wait3A_51 = arith.constant 0 : i32
      %dma_wait3A_52 = tpu.memref_slice %arg3[%dma_wait3A_50, %dma_wait3A_51] : memref<100000x128xf32, #tpu.memory_space<hbm>> -> memref<100000x128xf32, #tpu.memory_space<hbm>>
      tpu.wait_indirect_dma semaphore(%run_scoped3A : memref<!tpu.dma_semaphore, #tpu.memory_space<semaphore_mem>>) src(%dma_wait3A_52 : memref<100000x128xf32, #tpu.memory_space<hbm>>) dst(%arg6 : memref<112x128xf32, #tpu.memory_space<vmem>>)
      tpu.yield
    }) : () -> ()
    %add3A_42 = arith.constant 1456 : i32
    %add3A_43 = arith.addi %mul3A_2, %add3A_42 : i32
    %multiple_of3A_44 = tpu.assume_multiple %add3A_43, 8 : i32
    "tpu.region"() ({
      %run_scoped3A = tpu.sem_alloc : memref<!tpu.dma_semaphore, #tpu.memory_space<semaphore_mem>>
      %dma_start3A = arith.constant 0 : i32
      %dma_start3A_45 = tpu.memref_slice %arg4[%multiple_of3A_44, %dma_start3A] : memref<50176x128xf32, #tpu.memory_space<hbm>> -> memref<112x128xf32, #tpu.memory_space<hbm>>
      %dma_start3A_46 = arith.constant 0 : i32
      %dma_start3A_47 = tpu.memref_slice %arg4[%multiple_of3A_44, %dma_start3A_46] : memref<50176x128xf32, #tpu.memory_space<hbm>> -> memref<112x128xf32, #tpu.memory_space<hbm>>
      tpu.enqueue_dma source(%arg6 : memref<112x128xf32, #tpu.memory_space<vmem>>) target(%dma_start3A_47 : memref<112x128xf32, #tpu.memory_space<hbm>>) target_semaphore(%run_scoped3A : memref<!tpu.dma_semaphore, #tpu.memory_space<semaphore_mem>>)
      %dma_wait3A = arith.constant 0 : i32
      %dma_wait3A_48 = tpu.memref_slice %arg4[%multiple_of3A_44, %dma_wait3A] : memref<50176x128xf32, #tpu.memory_space<hbm>> -> memref<112x128xf32, #tpu.memory_space<hbm>>
      %dma_wait3A_49 = arith.constant 0 : i32
      %dma_wait3A_50 = tpu.memref_slice %arg4[%multiple_of3A_44, %dma_wait3A_49] : memref<50176x128xf32, #tpu.memory_space<hbm>> -> memref<112x128xf32, #tpu.memory_space<hbm>>
      tpu.wait_dma2 semaphore(%run_scoped3A : memref<!tpu.dma_semaphore, #tpu.memory_space<semaphore_mem>>) src(%arg6 : memref<112x128xf32, #tpu.memory_space<vmem>>) dst(%dma_wait3A_50 : memref<112x128xf32, #tpu.memory_space<hbm>>)
      tpu.yield
    }) : () -> ()
    return
  }
}

#map = affine_map<(d0, d1) -> (0)>
#map1 = affine_map<(d0, d1) -> (0, 0)>
module attributes {stable_mosaic.version = 14 : i64} {
  func.func @_agg_kernel(%arg0: i32, %arg1: i32, %arg2: memref<800768xi32, #tpu.memory_space<hbm>>, %arg3: memref<800768xi32, #tpu.memory_space<hbm>>, %arg4: memref<50176x128xf32, #tpu.memory_space<hbm>>, %arg5: memref<784x128xf32, #tpu.memory_space<hbm>>, %arg6: memref<50176x128xf32, #tpu.memory_space<hbm>>, %arg7: memref<128xi32, #tpu.memory_space<vmem>>, %arg8: memref<128xi32, #tpu.memory_space<vmem>>, %arg9: memref<128xi32, #tpu.memory_space<vmem>>, %arg10: memref<128x128xf32, #tpu.memory_space<vmem>>, %arg11: memref<12552x128xf32, #tpu.memory_space<vmem_shared>>) attributes {dimension_semantics = [#tpu.dimension_semantics<core_parallel>, #tpu.dimension_semantics<subcore_parallel>], iteration_bounds = array<i64: 2, 16>, scalar_prefetch = 0 : i64, scratch_operands = 5 : i64, tpu.core_type = #tpu.core_type<sc_vector_subcore>, window_params = [{transform_indices = #map}, {transform_indices = #map}, {transform_indices = #map1}, {transform_indices = #map1}, {transform_indices = #map1}]} {
    %mul3A = arith.constant 2 : i32
    %mul3A_0 = arith.muli %arg0, %mul3A : i32
    %add3A = arith.constant 0 : i32
    %add3A_1 = arith.addi %mul3A_0, %add3A : i32
    %mul3A_2 = arith.constant 12544 : i32
    %mul3A_3 = arith.muli %add3A_1, %mul3A_2 : i32
    %mul3A_4 = arith.constant 784 : i32
    %mul3A_5 = arith.muli %arg1, %mul3A_4 : i32
    %multiple_of3A = tpu.assume_multiple %mul3A_5, 8 : i32
    "tpu.region"() ({
      %run_scoped3A = tpu.sem_alloc : memref<!tpu.dma_semaphore, #tpu.memory_space<semaphore_mem>>
      %dma_start3A = arith.constant 0 : i32
      %dma_start3A_47 = tpu.memref_slice %arg11[%multiple_of3A, %dma_start3A] : memref<12552x128xf32, #tpu.memory_space<vmem_shared>> -> memref<784x128xf32, #tpu.memory_space<vmem_shared>>
      %dma_start3A_48 = arith.constant 0 : i32
      %dma_start3A_49 = arith.constant 0 : i32
      %dma_start3A_50 = tpu.memref_slice %arg5[%dma_start3A_48, %dma_start3A_49] : memref<784x128xf32, #tpu.memory_space<hbm>> -> memref<784x128xf32, #tpu.memory_space<hbm>>
      tpu.enqueue_dma source(%dma_start3A_50 : memref<784x128xf32, #tpu.memory_space<hbm>>) target(%dma_start3A_47 : memref<784x128xf32, #tpu.memory_space<vmem_shared>>) target_semaphore(%run_scoped3A : memref<!tpu.dma_semaphore, #tpu.memory_space<semaphore_mem>>)
      %dma_wait3A = arith.constant 0 : i32
      %dma_wait3A_51 = tpu.memref_slice %arg11[%multiple_of3A, %dma_wait3A] : memref<12552x128xf32, #tpu.memory_space<vmem_shared>> -> memref<784x128xf32, #tpu.memory_space<vmem_shared>>
      %dma_wait3A_52 = arith.constant 0 : i32
      %dma_wait3A_53 = arith.constant 0 : i32
      %dma_wait3A_54 = tpu.memref_slice %arg5[%dma_wait3A_52, %dma_wait3A_53] : memref<784x128xf32, #tpu.memory_space<hbm>> -> memref<784x128xf32, #tpu.memory_space<hbm>>
      tpu.wait_dma2 semaphore(%run_scoped3A : memref<!tpu.dma_semaphore, #tpu.memory_space<semaphore_mem>>) src(%dma_wait3A_54 : memref<784x128xf32, #tpu.memory_space<hbm>>) dst(%dma_wait3A_51 : memref<784x128xf32, #tpu.memory_space<vmem_shared>>)
      tpu.yield
    }) : () -> ()
    %eq3A = arith.constant 0 : i32
    %eq3A_6 = arith.cmpi eq, %arg1, %eq3A : i32
    %convert_element_type3A = arith.extui %eq3A_6 : i1 to i32
    %cond3A = arith.constant 0 : i32
    %cond3A_7 = arith.cmpi ne, %convert_element_type3A, %cond3A : i32
    scf.if %cond3A_7 {
      "tpu.region"() ({
        %run_scoped3A = tpu.sem_alloc : memref<!tpu.dma_semaphore, #tpu.memory_space<semaphore_mem>>
        %dma_start3A = arith.constant 12544 : i32
        %dma_start3A_47 = arith.constant 0 : i32
        %dma_start3A_48 = tpu.memref_slice %arg11[%dma_start3A, %dma_start3A_47] : memref<12552x128xf32, #tpu.memory_space<vmem_shared>> -> memref<8x128xf32, #tpu.memory_space<vmem_shared>>
        %dma_start3A_49 = arith.constant 0 : i32
        %dma_start3A_50 = arith.constant 0 : i32
        %dma_start3A_51 = tpu.memref_slice %arg5[%dma_start3A_49, %dma_start3A_50] : memref<784x128xf32, #tpu.memory_space<hbm>> -> memref<8x128xf32, #tpu.memory_space<hbm>>
        tpu.enqueue_dma source(%dma_start3A_51 : memref<8x128xf32, #tpu.memory_space<hbm>>) target(%dma_start3A_48 : memref<8x128xf32, #tpu.memory_space<vmem_shared>>) target_semaphore(%run_scoped3A : memref<!tpu.dma_semaphore, #tpu.memory_space<semaphore_mem>>)
        %dma_wait3A = arith.constant 12544 : i32
        %dma_wait3A_52 = arith.constant 0 : i32
        %dma_wait3A_53 = tpu.memref_slice %arg11[%dma_wait3A, %dma_wait3A_52] : memref<12552x128xf32, #tpu.memory_space<vmem_shared>> -> memref<8x128xf32, #tpu.memory_space<vmem_shared>>
        %dma_wait3A_54 = arith.constant 0 : i32
        %dma_wait3A_55 = arith.constant 0 : i32
        %dma_wait3A_56 = tpu.memref_slice %arg5[%dma_wait3A_54, %dma_wait3A_55] : memref<784x128xf32, #tpu.memory_space<hbm>> -> memref<8x128xf32, #tpu.memory_space<hbm>>
        tpu.wait_dma2 semaphore(%run_scoped3A : memref<!tpu.dma_semaphore, #tpu.memory_space<semaphore_mem>>) src(%dma_wait3A_56 : memref<8x128xf32, #tpu.memory_space<hbm>>) dst(%dma_wait3A_53 : memref<8x128xf32, #tpu.memory_space<vmem_shared>>)
        tpu.yield
      }) : () -> ()
    } else {
    }
    %barrier3A = arith.constant 0 : index
    tpu.barrier barrier_id(%barrier3A)
    %scan3A = arith.constant 0 : i32
    %scan3A_8 = arith.constant 0 : i32
    %scan3A_9 = arith.constant 391 : i32
    %scan3A_10 = arith.addi %scan3A_8, %scan3A_9 : i32
    %scan3A_11 = arith.constant 1 : i32
    %scan3A_12 = scf.for %scan3A_47 = %scan3A_8 to %scan3A_10 step %scan3A_11 iter_args(%scan3A_48 = %scan3A) -> (i32)  : i32 {
      %mul3A_49 = arith.constant 50048 : i32
      %mul3A_50 = arith.muli %arg1, %mul3A_49 : i32
      %mul3A_51 = arith.constant 128 : i32
      %mul3A_52 = arith.muli %scan3A_47, %mul3A_51 : i32
      %add3A_53 = arith.addi %mul3A_50, %mul3A_52 : i32
      "tpu.region"() ({
        %run_scoped3A = tpu.sem_alloc : memref<!tpu.dma_semaphore, #tpu.memory_space<semaphore_mem>>
        %dma_start3A = tpu.memref_slice %arg2[%add3A_53] : memref<800768xi32, #tpu.memory_space<hbm>> -> memref<128xi32, #tpu.memory_space<hbm>>
        %dma_start3A_198 = tpu.memref_slice %arg2[%add3A_53] : memref<800768xi32, #tpu.memory_space<hbm>> -> memref<128xi32, #tpu.memory_space<hbm>>
        tpu.enqueue_dma source(%dma_start3A_198 : memref<128xi32, #tpu.memory_space<hbm>>) target(%arg7 : memref<128xi32, #tpu.memory_space<vmem>>) target_semaphore(%run_scoped3A : memref<!tpu.dma_semaphore, #tpu.memory_space<semaphore_mem>>)
        %dma_wait3A = tpu.memref_slice %arg2[%add3A_53] : memref<800768xi32, #tpu.memory_space<hbm>> -> memref<128xi32, #tpu.memory_space<hbm>>
        %dma_wait3A_199 = tpu.memref_slice %arg2[%add3A_53] : memref<800768xi32, #tpu.memory_space<hbm>> -> memref<128xi32, #tpu.memory_space<hbm>>
        tpu.wait_dma2 semaphore(%run_scoped3A : memref<!tpu.dma_semaphore, #tpu.memory_space<semaphore_mem>>) src(%dma_wait3A_199 : memref<128xi32, #tpu.memory_space<hbm>>) dst(%arg7 : memref<128xi32, #tpu.memory_space<vmem>>)
        tpu.yield
      }) : () -> ()
      "tpu.region"() ({
        %run_scoped3A = tpu.sem_alloc : memref<!tpu.dma_semaphore, #tpu.memory_space<semaphore_mem>>
        %dma_start3A = tpu.memref_slice %arg3[%add3A_53] : memref<800768xi32, #tpu.memory_space<hbm>> -> memref<128xi32, #tpu.memory_space<hbm>>
        %dma_start3A_198 = tpu.memref_slice %arg3[%add3A_53] : memref<800768xi32, #tpu.memory_space<hbm>> -> memref<128xi32, #tpu.memory_space<hbm>>
        tpu.enqueue_dma source(%dma_start3A_198 : memref<128xi32, #tpu.memory_space<hbm>>) target(%arg8 : memref<128xi32, #tpu.memory_space<vmem>>) target_semaphore(%run_scoped3A : memref<!tpu.dma_semaphore, #tpu.memory_space<semaphore_mem>>)
        %dma_wait3A = tpu.memref_slice %arg3[%add3A_53] : memref<800768xi32, #tpu.memory_space<hbm>> -> memref<128xi32, #tpu.memory_space<hbm>>
        %dma_wait3A_199 = tpu.memref_slice %arg3[%add3A_53] : memref<800768xi32, #tpu.memory_space<hbm>> -> memref<128xi32, #tpu.memory_space<hbm>>
        tpu.wait_dma2 semaphore(%run_scoped3A : memref<!tpu.dma_semaphore, #tpu.memory_space<semaphore_mem>>) src(%dma_wait3A_199 : memref<128xi32, #tpu.memory_space<hbm>>) dst(%arg8 : memref<128xi32, #tpu.memory_space<vmem>>)
        tpu.yield
      }) : () -> ()
      %get3A = arith.constant 0 : index
      %get3A_54 = tpu.vector_load %arg8[%get3A] {strides = array<i32>} : memref<128xi32, #tpu.memory_space<vmem>>, vector<16xi32>,
      %get3A_55 = vector.shape_cast %get3A_54 : vector<16xi32> to vector<16xi32>
      %ge3A = vector.broadcast %mul3A_3 : i32 to vector<16xi32>
      %ge3A_56 = arith.cmpi sge, %get3A_55, %ge3A : vector<16xi32>
      %add3A_57 = arith.constant 12544 : i32
      %add3A_58 = arith.addi %mul3A_3, %add3A_57 : i32
      %lt3A = vector.broadcast %add3A_58 : i32 to vector<16xi32>
      %lt3A_59 = arith.cmpi slt, %get3A_55, %lt3A : vector<16xi32>
      %and3A = arith.andi %ge3A_56, %lt3A_59 : vector<16xi1>
      %sub3A = vector.broadcast %mul3A_3 : i32 to vector<16xi32>
      %sub3A_60 = arith.subi %get3A_55, %sub3A : vector<16xi32>
      %jit3A = arith.constant 12544 : i32
      %broadcast_in_dim3A = vector.broadcast %jit3A : i32 to vector<16xi32>
      %select_n3A = arith.select %and3A, %sub3A_60, %broadcast_in_dim3A : vector<16xi1>, vector<16xi32>
      %swap3A = arith.constant 0 : index
      %swap3A_61 = tpu.vector_load %arg9[%swap3A] {strides = array<i32>} : memref<128xi32, #tpu.memory_space<vmem>>, vector<16xi32>,
      %swap3A_62 = vector.shape_cast %swap3A_61 : vector<16xi32> to vector<16xi32>
      %swap3A_63 = vector.shape_cast %select_n3A : vector<16xi32> to vector<16xi32>
      tpu.vector_store %arg9[%swap3A], %swap3A_63 {strides = array<i32>} : memref<128xi32, #tpu.memory_space<vmem>>, vector<16xi32>,
      %get3A_64 = arith.constant 16 : index
      %get3A_65 = tpu.vector_load %arg8[%get3A_64] {strides = array<i32>} : memref<128xi32, #tpu.memory_space<vmem>>, vector<16xi32>,
      %get3A_66 = vector.shape_cast %get3A_65 : vector<16xi32> to vector<16xi32>
      %ge3A_67 = vector.broadcast %mul3A_3 : i32 to vector<16xi32>
      %ge3A_68 = arith.cmpi sge, %get3A_66, %ge3A_67 : vector<16xi32>
      %add3A_69 = arith.constant 12544 : i32
      %add3A_70 = arith.addi %mul3A_3, %add3A_69 : i32
      %lt3A_71 = vector.broadcast %add3A_70 : i32 to vector<16xi32>
      %lt3A_72 = arith.cmpi slt, %get3A_66, %lt3A_71 : vector<16xi32>
      %and3A_73 = arith.andi %ge3A_68, %lt3A_72 : vector<16xi1>
      %sub3A_74 = vector.broadcast %mul3A_3 : i32 to vector<16xi32>
      %sub3A_75 = arith.subi %get3A_66, %sub3A_74 : vector<16xi32>
      %jit3A_76 = arith.constant 12544 : i32
      %broadcast_in_dim3A_77 = vector.broadcast %jit3A_76 : i32 to vector<16xi32>
      %select_n3A_78 = arith.select %and3A_73, %sub3A_75, %broadcast_in_dim3A_77 : vector<16xi1>, vector<16xi32>
      %swap3A_79 = arith.constant 16 : index
      %swap3A_80 = tpu.vector_load %arg9[%swap3A_79] {strides = array<i32>} : memref<128xi32, #tpu.memory_space<vmem>>, vector<16xi32>,
      %swap3A_81 = vector.shape_cast %swap3A_80 : vector<16xi32> to vector<16xi32>
      %swap3A_82 = vector.shape_cast %select_n3A_78 : vector<16xi32> to vector<16xi32>
      tpu.vector_store %arg9[%swap3A_79], %swap3A_82 {strides = array<i32>} : memref<128xi32, #tpu.memory_space<vmem>>, vector<16xi32>,
      %get3A_83 = arith.constant 32 : index
      %get3A_84 = tpu.vector_load %arg8[%get3A_83] {strides = array<i32>} : memref<128xi32, #tpu.memory_space<vmem>>, vector<16xi32>,
      %get3A_85 = vector.shape_cast %get3A_84 : vector<16xi32> to vector<16xi32>
      %ge3A_86 = vector.broadcast %mul3A_3 : i32 to vector<16xi32>
      %ge3A_87 = arith.cmpi sge, %get3A_85, %ge3A_86 : vector<16xi32>
      %add3A_88 = arith.constant 12544 : i32
      %add3A_89 = arith.addi %mul3A_3, %add3A_88 : i32
      %lt3A_90 = vector.broadcast %add3A_89 : i32 to vector<16xi32>
      %lt3A_91 = arith.cmpi slt, %get3A_85, %lt3A_90 : vector<16xi32>
      %and3A_92 = arith.andi %ge3A_87, %lt3A_91 : vector<16xi1>
      %sub3A_93 = vector.broadcast %mul3A_3 : i32 to vector<16xi32>
      %sub3A_94 = arith.subi %get3A_85, %sub3A_93 : vector<16xi32>
      %jit3A_95 = arith.constant 12544 : i32
      %broadcast_in_dim3A_96 = vector.broadcast %jit3A_95 : i32 to vector<16xi32>
      %select_n3A_97 = arith.select %and3A_92, %sub3A_94, %broadcast_in_dim3A_96 : vector<16xi1>, vector<16xi32>
      %swap3A_98 = arith.constant 32 : index
      %swap3A_99 = tpu.vector_load %arg9[%swap3A_98] {strides = array<i32>} : memref<128xi32, #tpu.memory_space<vmem>>, vector<16xi32>,
      %swap3A_100 = vector.shape_cast %swap3A_99 : vector<16xi32> to vector<16xi32>
      %swap3A_101 = vector.shape_cast %select_n3A_97 : vector<16xi32> to vector<16xi32>
      tpu.vector_store %arg9[%swap3A_98], %swap3A_101 {strides = array<i32>} : memref<128xi32, #tpu.memory_space<vmem>>, vector<16xi32>,
      %get3A_102 = arith.constant 48 : index
      %get3A_103 = tpu.vector_load %arg8[%get3A_102] {strides = array<i32>} : memref<128xi32, #tpu.memory_space<vmem>>, vector<16xi32>,
      %get3A_104 = vector.shape_cast %get3A_103 : vector<16xi32> to vector<16xi32>
      %ge3A_105 = vector.broadcast %mul3A_3 : i32 to vector<16xi32>
      %ge3A_106 = arith.cmpi sge, %get3A_104, %ge3A_105 : vector<16xi32>
      %add3A_107 = arith.constant 12544 : i32
      %add3A_108 = arith.addi %mul3A_3, %add3A_107 : i32
      %lt3A_109 = vector.broadcast %add3A_108 : i32 to vector<16xi32>
      %lt3A_110 = arith.cmpi slt, %get3A_104, %lt3A_109 : vector<16xi32>
      %and3A_111 = arith.andi %ge3A_106, %lt3A_110 : vector<16xi1>
      %sub3A_112 = vector.broadcast %mul3A_3 : i32 to vector<16xi32>
      %sub3A_113 = arith.subi %get3A_104, %sub3A_112 : vector<16xi32>
      %jit3A_114 = arith.constant 12544 : i32
      %broadcast_in_dim3A_115 = vector.broadcast %jit3A_114 : i32 to vector<16xi32>
      %select_n3A_116 = arith.select %and3A_111, %sub3A_113, %broadcast_in_dim3A_115 : vector<16xi1>, vector<16xi32>
      %swap3A_117 = arith.constant 48 : index
      %swap3A_118 = tpu.vector_load %arg9[%swap3A_117] {strides = array<i32>} : memref<128xi32, #tpu.memory_space<vmem>>, vector<16xi32>,
      %swap3A_119 = vector.shape_cast %swap3A_118 : vector<16xi32> to vector<16xi32>
      %swap3A_120 = vector.shape_cast %select_n3A_116 : vector<16xi32> to vector<16xi32>
      tpu.vector_store %arg9[%swap3A_117], %swap3A_120 {strides = array<i32>} : memref<128xi32, #tpu.memory_space<vmem>>, vector<16xi32>,
      %get3A_121 = arith.constant 64 : index
      %get3A_122 = tpu.vector_load %arg8[%get3A_121] {strides = array<i32>} : memref<128xi32, #tpu.memory_space<vmem>>, vector<16xi32>,
      %get3A_123 = vector.shape_cast %get3A_122 : vector<16xi32> to vector<16xi32>
      %ge3A_124 = vector.broadcast %mul3A_3 : i32 to vector<16xi32>
      %ge3A_125 = arith.cmpi sge, %get3A_123, %ge3A_124 : vector<16xi32>
      %add3A_126 = arith.constant 12544 : i32
      %add3A_127 = arith.addi %mul3A_3, %add3A_126 : i32
      %lt3A_128 = vector.broadcast %add3A_127 : i32 to vector<16xi32>
      %lt3A_129 = arith.cmpi slt, %get3A_123, %lt3A_128 : vector<16xi32>
      %and3A_130 = arith.andi %ge3A_125, %lt3A_129 : vector<16xi1>
      %sub3A_131 = vector.broadcast %mul3A_3 : i32 to vector<16xi32>
      %sub3A_132 = arith.subi %get3A_123, %sub3A_131 : vector<16xi32>
      %jit3A_133 = arith.constant 12544 : i32
      %broadcast_in_dim3A_134 = vector.broadcast %jit3A_133 : i32 to vector<16xi32>
      %select_n3A_135 = arith.select %and3A_130, %sub3A_132, %broadcast_in_dim3A_134 : vector<16xi1>, vector<16xi32>
      %swap3A_136 = arith.constant 64 : index
      %swap3A_137 = tpu.vector_load %arg9[%swap3A_136] {strides = array<i32>} : memref<128xi32, #tpu.memory_space<vmem>>, vector<16xi32>,
      %swap3A_138 = vector.shape_cast %swap3A_137 : vector<16xi32> to vector<16xi32>
      %swap3A_139 = vector.shape_cast %select_n3A_135 : vector<16xi32> to vector<16xi32>
      tpu.vector_store %arg9[%swap3A_136], %swap3A_139 {strides = array<i32>} : memref<128xi32, #tpu.memory_space<vmem>>, vector<16xi32>,
      %get3A_140 = arith.constant 80 : index
      %get3A_141 = tpu.vector_load %arg8[%get3A_140] {strides = array<i32>} : memref<128xi32, #tpu.memory_space<vmem>>, vector<16xi32>,
      %get3A_142 = vector.shape_cast %get3A_141 : vector<16xi32> to vector<16xi32>
      %ge3A_143 = vector.broadcast %mul3A_3 : i32 to vector<16xi32>
      %ge3A_144 = arith.cmpi sge, %get3A_142, %ge3A_143 : vector<16xi32>
      %add3A_145 = arith.constant 12544 : i32
      %add3A_146 = arith.addi %mul3A_3, %add3A_145 : i32
      %lt3A_147 = vector.broadcast %add3A_146 : i32 to vector<16xi32>
      %lt3A_148 = arith.cmpi slt, %get3A_142, %lt3A_147 : vector<16xi32>
      %and3A_149 = arith.andi %ge3A_144, %lt3A_148 : vector<16xi1>
      %sub3A_150 = vector.broadcast %mul3A_3 : i32 to vector<16xi32>
      %sub3A_151 = arith.subi %get3A_142, %sub3A_150 : vector<16xi32>
      %jit3A_152 = arith.constant 12544 : i32
      %broadcast_in_dim3A_153 = vector.broadcast %jit3A_152 : i32 to vector<16xi32>
      %select_n3A_154 = arith.select %and3A_149, %sub3A_151, %broadcast_in_dim3A_153 : vector<16xi1>, vector<16xi32>
      %swap3A_155 = arith.constant 80 : index
      %swap3A_156 = tpu.vector_load %arg9[%swap3A_155] {strides = array<i32>} : memref<128xi32, #tpu.memory_space<vmem>>, vector<16xi32>,
      %swap3A_157 = vector.shape_cast %swap3A_156 : vector<16xi32> to vector<16xi32>
      %swap3A_158 = vector.shape_cast %select_n3A_154 : vector<16xi32> to vector<16xi32>
      tpu.vector_store %arg9[%swap3A_155], %swap3A_158 {strides = array<i32>} : memref<128xi32, #tpu.memory_space<vmem>>, vector<16xi32>,
      %get3A_159 = arith.constant 96 : index
      %get3A_160 = tpu.vector_load %arg8[%get3A_159] {strides = array<i32>} : memref<128xi32, #tpu.memory_space<vmem>>, vector<16xi32>,
      %get3A_161 = vector.shape_cast %get3A_160 : vector<16xi32> to vector<16xi32>
      %ge3A_162 = vector.broadcast %mul3A_3 : i32 to vector<16xi32>
      %ge3A_163 = arith.cmpi sge, %get3A_161, %ge3A_162 : vector<16xi32>
      %add3A_164 = arith.constant 12544 : i32
      %add3A_165 = arith.addi %mul3A_3, %add3A_164 : i32
      %lt3A_166 = vector.broadcast %add3A_165 : i32 to vector<16xi32>
      %lt3A_167 = arith.cmpi slt, %get3A_161, %lt3A_166 : vector<16xi32>
      %and3A_168 = arith.andi %ge3A_163, %lt3A_167 : vector<16xi1>
      %sub3A_169 = vector.broadcast %mul3A_3 : i32 to vector<16xi32>
      %sub3A_170 = arith.subi %get3A_161, %sub3A_169 : vector<16xi32>
      %jit3A_171 = arith.constant 12544 : i32
      %broadcast_in_dim3A_172 = vector.broadcast %jit3A_171 : i32 to vector<16xi32>
      %select_n3A_173 = arith.select %and3A_168, %sub3A_170, %broadcast_in_dim3A_172 : vector<16xi1>, vector<16xi32>
      %swap3A_174 = arith.constant 96 : index
      %swap3A_175 = tpu.vector_load %arg9[%swap3A_174] {strides = array<i32>} : memref<128xi32, #tpu.memory_space<vmem>>, vector<16xi32>,
      %swap3A_176 = vector.shape_cast %swap3A_175 : vector<16xi32> to vector<16xi32>
      %swap3A_177 = vector.shape_cast %select_n3A_173 : vector<16xi32> to vector<16xi32>
      tpu.vector_store %arg9[%swap3A_174], %swap3A_177 {strides = array<i32>} : memref<128xi32, #tpu.memory_space<vmem>>, vector<16xi32>,
      %get3A_178 = arith.constant 112 : index
      %get3A_179 = tpu.vector_load %arg8[%get3A_178] {strides = array<i32>} : memref<128xi32, #tpu.memory_space<vmem>>, vector<16xi32>,
      %get3A_180 = vector.shape_cast %get3A_179 : vector<16xi32> to vector<16xi32>
      %ge3A_181 = vector.broadcast %mul3A_3 : i32 to vector<16xi32>
      %ge3A_182 = arith.cmpi sge, %get3A_180, %ge3A_181 : vector<16xi32>
      %add3A_183 = arith.constant 12544 : i32
      %add3A_184 = arith.addi %mul3A_3, %add3A_183 : i32
      %lt3A_185 = vector.broadcast %add3A_184 : i32 to vector<16xi32>
      %lt3A_186 = arith.cmpi slt, %get3A_180, %lt3A_185 : vector<16xi32>
      %and3A_187 = arith.andi %ge3A_182, %lt3A_186 : vector<16xi1>
      %sub3A_188 = vector.broadcast %mul3A_3 : i32 to vector<16xi32>
      %sub3A_189 = arith.subi %get3A_180, %sub3A_188 : vector<16xi32>
      %jit3A_190 = arith.constant 12544 : i32
      %broadcast_in_dim3A_191 = vector.broadcast %jit3A_190 : i32 to vector<16xi32>
      %select_n3A_192 = arith.select %and3A_187, %sub3A_189, %broadcast_in_dim3A_191 : vector<16xi1>, vector<16xi32>
      %swap3A_193 = arith.constant 112 : index
      %swap3A_194 = tpu.vector_load %arg9[%swap3A_193] {strides = array<i32>} : memref<128xi32, #tpu.memory_space<vmem>>, vector<16xi32>,
      %swap3A_195 = vector.shape_cast %swap3A_194 : vector<16xi32> to vector<16xi32>
      %swap3A_196 = vector.shape_cast %select_n3A_192 : vector<16xi32> to vector<16xi32>
      tpu.vector_store %arg9[%swap3A_193], %swap3A_196 {strides = array<i32>} : memref<128xi32, #tpu.memory_space<vmem>>, vector<16xi32>,
      "tpu.region"() ({
        %run_scoped3A = tpu.sem_alloc : memref<!tpu.dma_semaphore, #tpu.memory_space<semaphore_mem>>
        %dma_start3A = arith.constant 0 : i32
        %dma_start3A_198 = arith.constant 0 : i32
        %dma_start3A_199 = tpu.memref_slice %arg4[%dma_start3A, %dma_start3A_198] : memref<50176x128xf32, #tpu.memory_space<hbm>> -> memref<50176x128xf32, #tpu.memory_space<hbm>>
        tpu.enqueue_indirect_dma source(%dma_start3A_199 : memref<50176x128xf32, #tpu.memory_space<hbm>>) target(%arg10 : memref<128x128xf32, #tpu.memory_space<vmem>>) offsets(%arg7 : memref<128xi32, #tpu.memory_space<vmem>>) semaphore(%run_scoped3A : memref<!tpu.dma_semaphore, #tpu.memory_space<semaphore_mem>>)
        %dma_wait3A = arith.constant 0 : i32
        %dma_wait3A_200 = arith.constant 0 : i32
        %dma_wait3A_201 = tpu.memref_slice %arg4[%dma_wait3A, %dma_wait3A_200] : memref<50176x128xf32, #tpu.memory_space<hbm>> -> memref<50176x128xf32, #tpu.memory_space<hbm>>
        tpu.wait_indirect_dma semaphore(%run_scoped3A : memref<!tpu.dma_semaphore, #tpu.memory_space<semaphore_mem>>) src(%dma_wait3A_201 : memref<50176x128xf32, #tpu.memory_space<hbm>>) dst(%arg10 : memref<128x128xf32, #tpu.memory_space<vmem>>)
        tpu.yield
      }) : () -> ()
      "tpu.region"() ({
        %run_scoped3A = tpu.sem_alloc : memref<!tpu.dma_semaphore, #tpu.memory_space<semaphore_mem>>
        %dma_start3A = arith.constant 0 : i32
        %dma_start3A_198 = arith.constant 0 : i32
        %dma_start3A_199 = tpu.memref_slice %arg11[%dma_start3A, %dma_start3A_198] : memref<12552x128xf32, #tpu.memory_space<vmem_shared>> -> memref<12552x128xf32, #tpu.memory_space<vmem_shared>>
        tpu.enqueue_indirect_dma source(%arg10 : memref<128x128xf32, #tpu.memory_space<vmem>>) target(%dma_start3A_199 : memref<12552x128xf32, #tpu.memory_space<vmem_shared>>) offsets(%arg9 : memref<128xi32, #tpu.memory_space<vmem>>) semaphore(%run_scoped3A : memref<!tpu.dma_semaphore, #tpu.memory_space<semaphore_mem>>) {add = true}
        %dma_wait3A = arith.constant 0 : i32
        %dma_wait3A_200 = arith.constant 0 : i32
        %dma_wait3A_201 = tpu.memref_slice %arg11[%dma_wait3A, %dma_wait3A_200] : memref<12552x128xf32, #tpu.memory_space<vmem_shared>> -> memref<12552x128xf32, #tpu.memory_space<vmem_shared>>
        tpu.wait_indirect_dma semaphore(%run_scoped3A : memref<!tpu.dma_semaphore, #tpu.memory_space<semaphore_mem>>) src(%arg10 : memref<128x128xf32, #tpu.memory_space<vmem>>) dst(%dma_wait3A_201 : memref<12552x128xf32, #tpu.memory_space<vmem_shared>>)
        tpu.yield
      }) : () -> ()
      %scan3A_197 = arith.constant 0 : i32
      scf.yield %scan3A_197 : i32
    }
    %scan3A_13 = arith.constant 391 : i32
    %barrier3A_14 = arith.constant 0 : index
    tpu.barrier barrier_id(%barrier3A_14)
    %mul3A_15 = arith.constant 784 : i32
    %mul3A_16 = arith.muli %arg1, %mul3A_15 : i32
    %multiple_of3A_17 = tpu.assume_multiple %mul3A_16, 8 : i32
    %add3A_18 = arith.addi %mul3A_3, %multiple_of3A_17 : i32
    "tpu.region"() ({
      %run_scoped3A = tpu.sem_alloc : memref<!tpu.dma_semaphore, #tpu.memory_space<semaphore_mem>>
      %dma_start3A = arith.constant 0 : i32
      %dma_start3A_47 = tpu.memref_slice %arg6[%add3A_18, %dma_start3A] : memref<50176x128xf32, #tpu.memory_space<hbm>> -> memref<784x128xf32, #tpu.memory_space<hbm>>
      %dma_start3A_48 = arith.constant 0 : i32
      %dma_start3A_49 = tpu.memref_slice %arg11[%multiple_of3A_17, %dma_start3A_48] : memref<12552x128xf32, #tpu.memory_space<vmem_shared>> -> memref<784x128xf32, #tpu.memory_space<vmem_shared>>
      tpu.enqueue_dma source(%dma_start3A_49 : memref<784x128xf32, #tpu.memory_space<vmem_shared>>) target(%dma_start3A_47 : memref<784x128xf32, #tpu.memory_space<hbm>>) target_semaphore(%run_scoped3A : memref<!tpu.dma_semaphore, #tpu.memory_space<semaphore_mem>>)
      %dma_wait3A = arith.constant 0 : i32
      %dma_wait3A_50 = tpu.memref_slice %arg6[%add3A_18, %dma_wait3A] : memref<50176x128xf32, #tpu.memory_space<hbm>> -> memref<784x128xf32, #tpu.memory_space<hbm>>
      %dma_wait3A_51 = arith.constant 0 : i32
      %dma_wait3A_52 = tpu.memref_slice %arg11[%multiple_of3A_17, %dma_wait3A_51] : memref<12552x128xf32, #tpu.memory_space<vmem_shared>> -> memref<784x128xf32, #tpu.memory_space<vmem_shared>>
      tpu.wait_dma2 semaphore(%run_scoped3A : memref<!tpu.dma_semaphore, #tpu.memory_space<semaphore_mem>>) src(%dma_wait3A_52 : memref<784x128xf32, #tpu.memory_space<vmem_shared>>) dst(%dma_wait3A_50 : memref<784x128xf32, #tpu.memory_space<hbm>>)
      tpu.yield
    }) : () -> ()
    %barrier3A_19 = arith.constant 0 : index
    tpu.barrier barrier_id(%barrier3A_19)
    %mul3A_20 = arith.constant 2 : i32
    %mul3A_21 = arith.muli %arg0, %mul3A_20 : i32
    %add3A_22 = arith.constant 1 : i32
    %add3A_23 = arith.addi %mul3A_21, %add3A_22 : i32
    %mul3A_24 = arith.constant 12544 : i32
    %mul3A_25 = arith.muli %add3A_23, %mul3A_24 : i32
    %mul3A_26 = arith.constant 784 : i32
    %mul3A_27 = arith.muli %arg1, %mul3A_26 : i32
    %multiple_of3A_28 = tpu.assume_multiple %mul3A_27, 8 : i32
    "tpu.region"() ({
      %run_scoped3A = tpu.sem_alloc : memref<!tpu.dma_semaphore, #tpu.memory_space<semaphore_mem>>
      %dma_start3A = arith.constant 0 : i32
      %dma_start3A_47 = tpu.memref_slice %arg11[%multiple_of3A_28, %dma_start3A] : memref<12552x128xf32, #tpu.memory_space<vmem_shared>> -> memref<784x128xf32, #tpu.memory_space<vmem_shared>>
      %dma_start3A_48 = arith.constant 0 : i32
      %dma_start3A_49 = arith.constant 0 : i32
      %dma_start3A_50 = tpu.memref_slice %arg5[%dma_start3A_48, %dma_start3A_49] : memref<784x128xf32, #tpu.memory_space<hbm>> -> memref<784x128xf32, #tpu.memory_space<hbm>>
      tpu.enqueue_dma source(%dma_start3A_50 : memref<784x128xf32, #tpu.memory_space<hbm>>) target(%dma_start3A_47 : memref<784x128xf32, #tpu.memory_space<vmem_shared>>) target_semaphore(%run_scoped3A : memref<!tpu.dma_semaphore, #tpu.memory_space<semaphore_mem>>)
      %dma_wait3A = arith.constant 0 : i32
      %dma_wait3A_51 = tpu.memref_slice %arg11[%multiple_of3A_28, %dma_wait3A] : memref<12552x128xf32, #tpu.memory_space<vmem_shared>> -> memref<784x128xf32, #tpu.memory_space<vmem_shared>>
      %dma_wait3A_52 = arith.constant 0 : i32
      %dma_wait3A_53 = arith.constant 0 : i32
      %dma_wait3A_54 = tpu.memref_slice %arg5[%dma_wait3A_52, %dma_wait3A_53] : memref<784x128xf32, #tpu.memory_space<hbm>> -> memref<784x128xf32, #tpu.memory_space<hbm>>
      tpu.wait_dma2 semaphore(%run_scoped3A : memref<!tpu.dma_semaphore, #tpu.memory_space<semaphore_mem>>) src(%dma_wait3A_54 : memref<784x128xf32, #tpu.memory_space<hbm>>) dst(%dma_wait3A_51 : memref<784x128xf32, #tpu.memory_space<vmem_shared>>)
      tpu.yield
    }) : () -> ()
    %eq3A_29 = arith.constant 0 : i32
    %eq3A_30 = arith.cmpi eq, %arg1, %eq3A_29 : i32
    %convert_element_type3A_31 = arith.extui %eq3A_30 : i1 to i32
    %cond3A_32 = arith.constant 0 : i32
    %cond3A_33 = arith.cmpi ne, %convert_element_type3A_31, %cond3A_32 : i32
    scf.if %cond3A_33 {
      "tpu.region"() ({
        %run_scoped3A = tpu.sem_alloc : memref<!tpu.dma_semaphore, #tpu.memory_space<semaphore_mem>>
        %dma_start3A = arith.constant 12544 : i32
        %dma_start3A_47 = arith.constant 0 : i32
        %dma_start3A_48 = tpu.memref_slice %arg11[%dma_start3A, %dma_start3A_47] : memref<12552x128xf32, #tpu.memory_space<vmem_shared>> -> memref<8x128xf32, #tpu.memory_space<vmem_shared>>
        %dma_start3A_49 = arith.constant 0 : i32
        %dma_start3A_50 = arith.constant 0 : i32
        %dma_start3A_51 = tpu.memref_slice %arg5[%dma_start3A_49, %dma_start3A_50] : memref<784x128xf32, #tpu.memory_space<hbm>> -> memref<8x128xf32, #tpu.memory_space<hbm>>
        tpu.enqueue_dma source(%dma_start3A_51 : memref<8x128xf32, #tpu.memory_space<hbm>>) target(%dma_start3A_48 : memref<8x128xf32, #tpu.memory_space<vmem_shared>>) target_semaphore(%run_scoped3A : memref<!tpu.dma_semaphore, #tpu.memory_space<semaphore_mem>>)
        %dma_wait3A = arith.constant 12544 : i32
        %dma_wait3A_52 = arith.constant 0 : i32
        %dma_wait3A_53 = tpu.memref_slice %arg11[%dma_wait3A, %dma_wait3A_52] : memref<12552x128xf32, #tpu.memory_space<vmem_shared>> -> memref<8x128xf32, #tpu.memory_space<vmem_shared>>
        %dma_wait3A_54 = arith.constant 0 : i32
        %dma_wait3A_55 = arith.constant 0 : i32
        %dma_wait3A_56 = tpu.memref_slice %arg5[%dma_wait3A_54, %dma_wait3A_55] : memref<784x128xf32, #tpu.memory_space<hbm>> -> memref<8x128xf32, #tpu.memory_space<hbm>>
        tpu.wait_dma2 semaphore(%run_scoped3A : memref<!tpu.dma_semaphore, #tpu.memory_space<semaphore_mem>>) src(%dma_wait3A_56 : memref<8x128xf32, #tpu.memory_space<hbm>>) dst(%dma_wait3A_53 : memref<8x128xf32, #tpu.memory_space<vmem_shared>>)
        tpu.yield
      }) : () -> ()
    } else {
    }
    %barrier3A_34 = arith.constant 0 : index
    tpu.barrier barrier_id(%barrier3A_34)
    %scan3A_35 = arith.constant 0 : i32
    %scan3A_36 = arith.constant 0 : i32
    %scan3A_37 = arith.constant 391 : i32
    %scan3A_38 = arith.addi %scan3A_36, %scan3A_37 : i32
    %scan3A_39 = arith.constant 1 : i32
    %scan3A_40 = scf.for %scan3A_47 = %scan3A_36 to %scan3A_38 step %scan3A_39 iter_args(%scan3A_48 = %scan3A_35) -> (i32)  : i32 {
      %mul3A_49 = arith.constant 50048 : i32
      %mul3A_50 = arith.muli %arg1, %mul3A_49 : i32
      %mul3A_51 = arith.constant 128 : i32
      %mul3A_52 = arith.muli %scan3A_47, %mul3A_51 : i32
      %add3A_53 = arith.addi %mul3A_50, %mul3A_52 : i32
      "tpu.region"() ({
        %run_scoped3A = tpu.sem_alloc : memref<!tpu.dma_semaphore, #tpu.memory_space<semaphore_mem>>
        %dma_start3A = tpu.memref_slice %arg2[%add3A_53] : memref<800768xi32, #tpu.memory_space<hbm>> -> memref<128xi32, #tpu.memory_space<hbm>>
        %dma_start3A_198 = tpu.memref_slice %arg2[%add3A_53] : memref<800768xi32, #tpu.memory_space<hbm>> -> memref<128xi32, #tpu.memory_space<hbm>>
        tpu.enqueue_dma source(%dma_start3A_198 : memref<128xi32, #tpu.memory_space<hbm>>) target(%arg7 : memref<128xi32, #tpu.memory_space<vmem>>) target_semaphore(%run_scoped3A : memref<!tpu.dma_semaphore, #tpu.memory_space<semaphore_mem>>)
        %dma_wait3A = tpu.memref_slice %arg2[%add3A_53] : memref<800768xi32, #tpu.memory_space<hbm>> -> memref<128xi32, #tpu.memory_space<hbm>>
        %dma_wait3A_199 = tpu.memref_slice %arg2[%add3A_53] : memref<800768xi32, #tpu.memory_space<hbm>> -> memref<128xi32, #tpu.memory_space<hbm>>
        tpu.wait_dma2 semaphore(%run_scoped3A : memref<!tpu.dma_semaphore, #tpu.memory_space<semaphore_mem>>) src(%dma_wait3A_199 : memref<128xi32, #tpu.memory_space<hbm>>) dst(%arg7 : memref<128xi32, #tpu.memory_space<vmem>>)
        tpu.yield
      }) : () -> ()
      "tpu.region"() ({
        %run_scoped3A = tpu.sem_alloc : memref<!tpu.dma_semaphore, #tpu.memory_space<semaphore_mem>>
        %dma_start3A = tpu.memref_slice %arg3[%add3A_53] : memref<800768xi32, #tpu.memory_space<hbm>> -> memref<128xi32, #tpu.memory_space<hbm>>
        %dma_start3A_198 = tpu.memref_slice %arg3[%add3A_53] : memref<800768xi32, #tpu.memory_space<hbm>> -> memref<128xi32, #tpu.memory_space<hbm>>
        tpu.enqueue_dma source(%dma_start3A_198 : memref<128xi32, #tpu.memory_space<hbm>>) target(%arg8 : memref<128xi32, #tpu.memory_space<vmem>>) target_semaphore(%run_scoped3A : memref<!tpu.dma_semaphore, #tpu.memory_space<semaphore_mem>>)
        %dma_wait3A = tpu.memref_slice %arg3[%add3A_53] : memref<800768xi32, #tpu.memory_space<hbm>> -> memref<128xi32, #tpu.memory_space<hbm>>
        %dma_wait3A_199 = tpu.memref_slice %arg3[%add3A_53] : memref<800768xi32, #tpu.memory_space<hbm>> -> memref<128xi32, #tpu.memory_space<hbm>>
        tpu.wait_dma2 semaphore(%run_scoped3A : memref<!tpu.dma_semaphore, #tpu.memory_space<semaphore_mem>>) src(%dma_wait3A_199 : memref<128xi32, #tpu.memory_space<hbm>>) dst(%arg8 : memref<128xi32, #tpu.memory_space<vmem>>)
        tpu.yield
      }) : () -> ()
      %get3A = arith.constant 0 : index
      %get3A_54 = tpu.vector_load %arg8[%get3A] {strides = array<i32>} : memref<128xi32, #tpu.memory_space<vmem>>, vector<16xi32>,
      %get3A_55 = vector.shape_cast %get3A_54 : vector<16xi32> to vector<16xi32>
      %ge3A = vector.broadcast %mul3A_25 : i32 to vector<16xi32>
      %ge3A_56 = arith.cmpi sge, %get3A_55, %ge3A : vector<16xi32>
      %add3A_57 = arith.constant 12544 : i32
      %add3A_58 = arith.addi %mul3A_25, %add3A_57 : i32
      %lt3A = vector.broadcast %add3A_58 : i32 to vector<16xi32>
      %lt3A_59 = arith.cmpi slt, %get3A_55, %lt3A : vector<16xi32>
      %and3A = arith.andi %ge3A_56, %lt3A_59 : vector<16xi1>
      %sub3A = vector.broadcast %mul3A_25 : i32 to vector<16xi32>
      %sub3A_60 = arith.subi %get3A_55, %sub3A : vector<16xi32>
      %jit3A = arith.constant 12544 : i32
      %broadcast_in_dim3A = vector.broadcast %jit3A : i32 to vector<16xi32>
      %select_n3A = arith.select %and3A, %sub3A_60, %broadcast_in_dim3A : vector<16xi1>, vector<16xi32>
      %swap3A = arith.constant 0 : index
      %swap3A_61 = tpu.vector_load %arg9[%swap3A] {strides = array<i32>} : memref<128xi32, #tpu.memory_space<vmem>>, vector<16xi32>,
      %swap3A_62 = vector.shape_cast %swap3A_61 : vector<16xi32> to vector<16xi32>
      %swap3A_63 = vector.shape_cast %select_n3A : vector<16xi32> to vector<16xi32>
      tpu.vector_store %arg9[%swap3A], %swap3A_63 {strides = array<i32>} : memref<128xi32, #tpu.memory_space<vmem>>, vector<16xi32>,
      %get3A_64 = arith.constant 16 : index
      %get3A_65 = tpu.vector_load %arg8[%get3A_64] {strides = array<i32>} : memref<128xi32, #tpu.memory_space<vmem>>, vector<16xi32>,
      %get3A_66 = vector.shape_cast %get3A_65 : vector<16xi32> to vector<16xi32>
      %ge3A_67 = vector.broadcast %mul3A_25 : i32 to vector<16xi32>
      %ge3A_68 = arith.cmpi sge, %get3A_66, %ge3A_67 : vector<16xi32>
      %add3A_69 = arith.constant 12544 : i32
      %add3A_70 = arith.addi %mul3A_25, %add3A_69 : i32
      %lt3A_71 = vector.broadcast %add3A_70 : i32 to vector<16xi32>
      %lt3A_72 = arith.cmpi slt, %get3A_66, %lt3A_71 : vector<16xi32>
      %and3A_73 = arith.andi %ge3A_68, %lt3A_72 : vector<16xi1>
      %sub3A_74 = vector.broadcast %mul3A_25 : i32 to vector<16xi32>
      %sub3A_75 = arith.subi %get3A_66, %sub3A_74 : vector<16xi32>
      %jit3A_76 = arith.constant 12544 : i32
      %broadcast_in_dim3A_77 = vector.broadcast %jit3A_76 : i32 to vector<16xi32>
      %select_n3A_78 = arith.select %and3A_73, %sub3A_75, %broadcast_in_dim3A_77 : vector<16xi1>, vector<16xi32>
      %swap3A_79 = arith.constant 16 : index
      %swap3A_80 = tpu.vector_load %arg9[%swap3A_79] {strides = array<i32>} : memref<128xi32, #tpu.memory_space<vmem>>, vector<16xi32>,
      %swap3A_81 = vector.shape_cast %swap3A_80 : vector<16xi32> to vector<16xi32>
      %swap3A_82 = vector.shape_cast %select_n3A_78 : vector<16xi32> to vector<16xi32>
      tpu.vector_store %arg9[%swap3A_79], %swap3A_82 {strides = array<i32>} : memref<128xi32, #tpu.memory_space<vmem>>, vector<16xi32>,
      %get3A_83 = arith.constant 32 : index
      %get3A_84 = tpu.vector_load %arg8[%get3A_83] {strides = array<i32>} : memref<128xi32, #tpu.memory_space<vmem>>, vector<16xi32>,
      %get3A_85 = vector.shape_cast %get3A_84 : vector<16xi32> to vector<16xi32>
      %ge3A_86 = vector.broadcast %mul3A_25 : i32 to vector<16xi32>
      %ge3A_87 = arith.cmpi sge, %get3A_85, %ge3A_86 : vector<16xi32>
      %add3A_88 = arith.constant 12544 : i32
      %add3A_89 = arith.addi %mul3A_25, %add3A_88 : i32
      %lt3A_90 = vector.broadcast %add3A_89 : i32 to vector<16xi32>
      %lt3A_91 = arith.cmpi slt, %get3A_85, %lt3A_90 : vector<16xi32>
      %and3A_92 = arith.andi %ge3A_87, %lt3A_91 : vector<16xi1>
      %sub3A_93 = vector.broadcast %mul3A_25 : i32 to vector<16xi32>
      %sub3A_94 = arith.subi %get3A_85, %sub3A_93 : vector<16xi32>
      %jit3A_95 = arith.constant 12544 : i32
      %broadcast_in_dim3A_96 = vector.broadcast %jit3A_95 : i32 to vector<16xi32>
      %select_n3A_97 = arith.select %and3A_92, %sub3A_94, %broadcast_in_dim3A_96 : vector<16xi1>, vector<16xi32>
      %swap3A_98 = arith.constant 32 : index
      %swap3A_99 = tpu.vector_load %arg9[%swap3A_98] {strides = array<i32>} : memref<128xi32, #tpu.memory_space<vmem>>, vector<16xi32>,
      %swap3A_100 = vector.shape_cast %swap3A_99 : vector<16xi32> to vector<16xi32>
      %swap3A_101 = vector.shape_cast %select_n3A_97 : vector<16xi32> to vector<16xi32>
      tpu.vector_store %arg9[%swap3A_98], %swap3A_101 {strides = array<i32>} : memref<128xi32, #tpu.memory_space<vmem>>, vector<16xi32>,
      %get3A_102 = arith.constant 48 : index
      %get3A_103 = tpu.vector_load %arg8[%get3A_102] {strides = array<i32>} : memref<128xi32, #tpu.memory_space<vmem>>, vector<16xi32>,
      %get3A_104 = vector.shape_cast %get3A_103 : vector<16xi32> to vector<16xi32>
      %ge3A_105 = vector.broadcast %mul3A_25 : i32 to vector<16xi32>
      %ge3A_106 = arith.cmpi sge, %get3A_104, %ge3A_105 : vector<16xi32>
      %add3A_107 = arith.constant 12544 : i32
      %add3A_108 = arith.addi %mul3A_25, %add3A_107 : i32
      %lt3A_109 = vector.broadcast %add3A_108 : i32 to vector<16xi32>
      %lt3A_110 = arith.cmpi slt, %get3A_104, %lt3A_109 : vector<16xi32>
      %and3A_111 = arith.andi %ge3A_106, %lt3A_110 : vector<16xi1>
      %sub3A_112 = vector.broadcast %mul3A_25 : i32 to vector<16xi32>
      %sub3A_113 = arith.subi %get3A_104, %sub3A_112 : vector<16xi32>
      %jit3A_114 = arith.constant 12544 : i32
      %broadcast_in_dim3A_115 = vector.broadcast %jit3A_114 : i32 to vector<16xi32>
      %select_n3A_116 = arith.select %and3A_111, %sub3A_113, %broadcast_in_dim3A_115 : vector<16xi1>, vector<16xi32>
      %swap3A_117 = arith.constant 48 : index
      %swap3A_118 = tpu.vector_load %arg9[%swap3A_117] {strides = array<i32>} : memref<128xi32, #tpu.memory_space<vmem>>, vector<16xi32>,
      %swap3A_119 = vector.shape_cast %swap3A_118 : vector<16xi32> to vector<16xi32>
      %swap3A_120 = vector.shape_cast %select_n3A_116 : vector<16xi32> to vector<16xi32>
      tpu.vector_store %arg9[%swap3A_117], %swap3A_120 {strides = array<i32>} : memref<128xi32, #tpu.memory_space<vmem>>, vector<16xi32>,
      %get3A_121 = arith.constant 64 : index
      %get3A_122 = tpu.vector_load %arg8[%get3A_121] {strides = array<i32>} : memref<128xi32, #tpu.memory_space<vmem>>, vector<16xi32>,
      %get3A_123 = vector.shape_cast %get3A_122 : vector<16xi32> to vector<16xi32>
      %ge3A_124 = vector.broadcast %mul3A_25 : i32 to vector<16xi32>
      %ge3A_125 = arith.cmpi sge, %get3A_123, %ge3A_124 : vector<16xi32>
      %add3A_126 = arith.constant 12544 : i32
      %add3A_127 = arith.addi %mul3A_25, %add3A_126 : i32
      %lt3A_128 = vector.broadcast %add3A_127 : i32 to vector<16xi32>
      %lt3A_129 = arith.cmpi slt, %get3A_123, %lt3A_128 : vector<16xi32>
      %and3A_130 = arith.andi %ge3A_125, %lt3A_129 : vector<16xi1>
      %sub3A_131 = vector.broadcast %mul3A_25 : i32 to vector<16xi32>
      %sub3A_132 = arith.subi %get3A_123, %sub3A_131 : vector<16xi32>
      %jit3A_133 = arith.constant 12544 : i32
      %broadcast_in_dim3A_134 = vector.broadcast %jit3A_133 : i32 to vector<16xi32>
      %select_n3A_135 = arith.select %and3A_130, %sub3A_132, %broadcast_in_dim3A_134 : vector<16xi1>, vector<16xi32>
      %swap3A_136 = arith.constant 64 : index
      %swap3A_137 = tpu.vector_load %arg9[%swap3A_136] {strides = array<i32>} : memref<128xi32, #tpu.memory_space<vmem>>, vector<16xi32>,
      %swap3A_138 = vector.shape_cast %swap3A_137 : vector<16xi32> to vector<16xi32>
      %swap3A_139 = vector.shape_cast %select_n3A_135 : vector<16xi32> to vector<16xi32>
      tpu.vector_store %arg9[%swap3A_136], %swap3A_139 {strides = array<i32>} : memref<128xi32, #tpu.memory_space<vmem>>, vector<16xi32>,
      %get3A_140 = arith.constant 80 : index
      %get3A_141 = tpu.vector_load %arg8[%get3A_140] {strides = array<i32>} : memref<128xi32, #tpu.memory_space<vmem>>, vector<16xi32>,
      %get3A_142 = vector.shape_cast %get3A_141 : vector<16xi32> to vector<16xi32>
      %ge3A_143 = vector.broadcast %mul3A_25 : i32 to vector<16xi32>
      %ge3A_144 = arith.cmpi sge, %get3A_142, %ge3A_143 : vector<16xi32>
      %add3A_145 = arith.constant 12544 : i32
      %add3A_146 = arith.addi %mul3A_25, %add3A_145 : i32
      %lt3A_147 = vector.broadcast %add3A_146 : i32 to vector<16xi32>
      %lt3A_148 = arith.cmpi slt, %get3A_142, %lt3A_147 : vector<16xi32>
      %and3A_149 = arith.andi %ge3A_144, %lt3A_148 : vector<16xi1>
      %sub3A_150 = vector.broadcast %mul3A_25 : i32 to vector<16xi32>
      %sub3A_151 = arith.subi %get3A_142, %sub3A_150 : vector<16xi32>
      %jit3A_152 = arith.constant 12544 : i32
      %broadcast_in_dim3A_153 = vector.broadcast %jit3A_152 : i32 to vector<16xi32>
      %select_n3A_154 = arith.select %and3A_149, %sub3A_151, %broadcast_in_dim3A_153 : vector<16xi1>, vector<16xi32>
      %swap3A_155 = arith.constant 80 : index
      %swap3A_156 = tpu.vector_load %arg9[%swap3A_155] {strides = array<i32>} : memref<128xi32, #tpu.memory_space<vmem>>, vector<16xi32>,
      %swap3A_157 = vector.shape_cast %swap3A_156 : vector<16xi32> to vector<16xi32>
      %swap3A_158 = vector.shape_cast %select_n3A_154 : vector<16xi32> to vector<16xi32>
      tpu.vector_store %arg9[%swap3A_155], %swap3A_158 {strides = array<i32>} : memref<128xi32, #tpu.memory_space<vmem>>, vector<16xi32>,
      %get3A_159 = arith.constant 96 : index
      %get3A_160 = tpu.vector_load %arg8[%get3A_159] {strides = array<i32>} : memref<128xi32, #tpu.memory_space<vmem>>, vector<16xi32>,
      %get3A_161 = vector.shape_cast %get3A_160 : vector<16xi32> to vector<16xi32>
      %ge3A_162 = vector.broadcast %mul3A_25 : i32 to vector<16xi32>
      %ge3A_163 = arith.cmpi sge, %get3A_161, %ge3A_162 : vector<16xi32>
      %add3A_164 = arith.constant 12544 : i32
      %add3A_165 = arith.addi %mul3A_25, %add3A_164 : i32
      %lt3A_166 = vector.broadcast %add3A_165 : i32 to vector<16xi32>
      %lt3A_167 = arith.cmpi slt, %get3A_161, %lt3A_166 : vector<16xi32>
      %and3A_168 = arith.andi %ge3A_163, %lt3A_167 : vector<16xi1>
      %sub3A_169 = vector.broadcast %mul3A_25 : i32 to vector<16xi32>
      %sub3A_170 = arith.subi %get3A_161, %sub3A_169 : vector<16xi32>
      %jit3A_171 = arith.constant 12544 : i32
      %broadcast_in_dim3A_172 = vector.broadcast %jit3A_171 : i32 to vector<16xi32>
      %select_n3A_173 = arith.select %and3A_168, %sub3A_170, %broadcast_in_dim3A_172 : vector<16xi1>, vector<16xi32>
      %swap3A_174 = arith.constant 96 : index
      %swap3A_175 = tpu.vector_load %arg9[%swap3A_174] {strides = array<i32>} : memref<128xi32, #tpu.memory_space<vmem>>, vector<16xi32>,
      %swap3A_176 = vector.shape_cast %swap3A_175 : vector<16xi32> to vector<16xi32>
      %swap3A_177 = vector.shape_cast %select_n3A_173 : vector<16xi32> to vector<16xi32>
      tpu.vector_store %arg9[%swap3A_174], %swap3A_177 {strides = array<i32>} : memref<128xi32, #tpu.memory_space<vmem>>, vector<16xi32>,
      %get3A_178 = arith.constant 112 : index
      %get3A_179 = tpu.vector_load %arg8[%get3A_178] {strides = array<i32>} : memref<128xi32, #tpu.memory_space<vmem>>, vector<16xi32>,
      %get3A_180 = vector.shape_cast %get3A_179 : vector<16xi32> to vector<16xi32>
      %ge3A_181 = vector.broadcast %mul3A_25 : i32 to vector<16xi32>
      %ge3A_182 = arith.cmpi sge, %get3A_180, %ge3A_181 : vector<16xi32>
      %add3A_183 = arith.constant 12544 : i32
      %add3A_184 = arith.addi %mul3A_25, %add3A_183 : i32
      %lt3A_185 = vector.broadcast %add3A_184 : i32 to vector<16xi32>
      %lt3A_186 = arith.cmpi slt, %get3A_180, %lt3A_185 : vector<16xi32>
      %and3A_187 = arith.andi %ge3A_182, %lt3A_186 : vector<16xi1>
      %sub3A_188 = vector.broadcast %mul3A_25 : i32 to vector<16xi32>
      %sub3A_189 = arith.subi %get3A_180, %sub3A_188 : vector<16xi32>
      %jit3A_190 = arith.constant 12544 : i32
      %broadcast_in_dim3A_191 = vector.broadcast %jit3A_190 : i32 to vector<16xi32>
      %select_n3A_192 = arith.select %and3A_187, %sub3A_189, %broadcast_in_dim3A_191 : vector<16xi1>, vector<16xi32>
      %swap3A_193 = arith.constant 112 : index
      %swap3A_194 = tpu.vector_load %arg9[%swap3A_193] {strides = array<i32>} : memref<128xi32, #tpu.memory_space<vmem>>, vector<16xi32>,
      %swap3A_195 = vector.shape_cast %swap3A_194 : vector<16xi32> to vector<16xi32>
      %swap3A_196 = vector.shape_cast %select_n3A_192 : vector<16xi32> to vector<16xi32>
      tpu.vector_store %arg9[%swap3A_193], %swap3A_196 {strides = array<i32>} : memref<128xi32, #tpu.memory_space<vmem>>, vector<16xi32>,
      "tpu.region"() ({
        %run_scoped3A = tpu.sem_alloc : memref<!tpu.dma_semaphore, #tpu.memory_space<semaphore_mem>>
        %dma_start3A = arith.constant 0 : i32
        %dma_start3A_198 = arith.constant 0 : i32
        %dma_start3A_199 = tpu.memref_slice %arg4[%dma_start3A, %dma_start3A_198] : memref<50176x128xf32, #tpu.memory_space<hbm>> -> memref<50176x128xf32, #tpu.memory_space<hbm>>
        tpu.enqueue_indirect_dma source(%dma_start3A_199 : memref<50176x128xf32, #tpu.memory_space<hbm>>) target(%arg10 : memref<128x128xf32, #tpu.memory_space<vmem>>) offsets(%arg7 : memref<128xi32, #tpu.memory_space<vmem>>) semaphore(%run_scoped3A : memref<!tpu.dma_semaphore, #tpu.memory_space<semaphore_mem>>)
        %dma_wait3A = arith.constant 0 : i32
        %dma_wait3A_200 = arith.constant 0 : i32
        %dma_wait3A_201 = tpu.memref_slice %arg4[%dma_wait3A, %dma_wait3A_200] : memref<50176x128xf32, #tpu.memory_space<hbm>> -> memref<50176x128xf32, #tpu.memory_space<hbm>>
        tpu.wait_indirect_dma semaphore(%run_scoped3A : memref<!tpu.dma_semaphore, #tpu.memory_space<semaphore_mem>>) src(%dma_wait3A_201 : memref<50176x128xf32, #tpu.memory_space<hbm>>) dst(%arg10 : memref<128x128xf32, #tpu.memory_space<vmem>>)
        tpu.yield
      }) : () -> ()
      "tpu.region"() ({
        %run_scoped3A = tpu.sem_alloc : memref<!tpu.dma_semaphore, #tpu.memory_space<semaphore_mem>>
        %dma_start3A = arith.constant 0 : i32
        %dma_start3A_198 = arith.constant 0 : i32
        %dma_start3A_199 = tpu.memref_slice %arg11[%dma_start3A, %dma_start3A_198] : memref<12552x128xf32, #tpu.memory_space<vmem_shared>> -> memref<12552x128xf32, #tpu.memory_space<vmem_shared>>
        tpu.enqueue_indirect_dma source(%arg10 : memref<128x128xf32, #tpu.memory_space<vmem>>) target(%dma_start3A_199 : memref<12552x128xf32, #tpu.memory_space<vmem_shared>>) offsets(%arg9 : memref<128xi32, #tpu.memory_space<vmem>>) semaphore(%run_scoped3A : memref<!tpu.dma_semaphore, #tpu.memory_space<semaphore_mem>>) {add = true}
        %dma_wait3A = arith.constant 0 : i32
        %dma_wait3A_200 = arith.constant 0 : i32
        %dma_wait3A_201 = tpu.memref_slice %arg11[%dma_wait3A, %dma_wait3A_200] : memref<12552x128xf32, #tpu.memory_space<vmem_shared>> -> memref<12552x128xf32, #tpu.memory_space<vmem_shared>>
        tpu.wait_indirect_dma semaphore(%run_scoped3A : memref<!tpu.dma_semaphore, #tpu.memory_space<semaphore_mem>>) src(%arg10 : memref<128x128xf32, #tpu.memory_space<vmem>>) dst(%dma_wait3A_201 : memref<12552x128xf32, #tpu.memory_space<vmem_shared>>)
        tpu.yield
      }) : () -> ()
      %scan3A_197 = arith.constant 0 : i32
      scf.yield %scan3A_197 : i32
    }
    %scan3A_41 = arith.constant 391 : i32
    %barrier3A_42 = arith.constant 0 : index
    tpu.barrier barrier_id(%barrier3A_42)
    %mul3A_43 = arith.constant 784 : i32
    %mul3A_44 = arith.muli %arg1, %mul3A_43 : i32
    %multiple_of3A_45 = tpu.assume_multiple %mul3A_44, 8 : i32
    %add3A_46 = arith.addi %mul3A_25, %multiple_of3A_45 : i32
    "tpu.region"() ({
      %run_scoped3A = tpu.sem_alloc : memref<!tpu.dma_semaphore, #tpu.memory_space<semaphore_mem>>
      %dma_start3A = arith.constant 0 : i32
      %dma_start3A_47 = tpu.memref_slice %arg6[%add3A_46, %dma_start3A] : memref<50176x128xf32, #tpu.memory_space<hbm>> -> memref<784x128xf32, #tpu.memory_space<hbm>>
      %dma_start3A_48 = arith.constant 0 : i32
      %dma_start3A_49 = tpu.memref_slice %arg11[%multiple_of3A_45, %dma_start3A_48] : memref<12552x128xf32, #tpu.memory_space<vmem_shared>> -> memref<784x128xf32, #tpu.memory_space<vmem_shared>>
      tpu.enqueue_dma source(%dma_start3A_49 : memref<784x128xf32, #tpu.memory_space<vmem_shared>>) target(%dma_start3A_47 : memref<784x128xf32, #tpu.memory_space<hbm>>) target_semaphore(%run_scoped3A : memref<!tpu.dma_semaphore, #tpu.memory_space<semaphore_mem>>)
      %dma_wait3A = arith.constant 0 : i32
      %dma_wait3A_50 = tpu.memref_slice %arg6[%add3A_46, %dma_wait3A] : memref<50176x128xf32, #tpu.memory_space<hbm>> -> memref<784x128xf32, #tpu.memory_space<hbm>>
      %dma_wait3A_51 = arith.constant 0 : i32
      %dma_wait3A_52 = tpu.memref_slice %arg11[%multiple_of3A_45, %dma_wait3A_51] : memref<12552x128xf32, #tpu.memory_space<vmem_shared>> -> memref<784x128xf32, #tpu.memory_space<vmem_shared>>
      tpu.wait_dma2 semaphore(%run_scoped3A : memref<!tpu.dma_semaphore, #tpu.memory_space<semaphore_mem>>) src(%dma_wait3A_52 : memref<784x128xf32, #tpu.memory_space<vmem_shared>>) dst(%dma_wait3A_50 : memref<784x128xf32, #tpu.memory_space<hbm>>)
      tpu.yield
    }) : () -> ()
    return
  }
}

module attributes {stable_mosaic.version = 14 : i64} {
  func.func @_tc1_body(%arg0: i32, %arg1: memref<512x128xf32, #tpu.memory_space<vmem>>, %arg2: memref<512x128xf32, #tpu.memory_space<vmem>>, %arg3: memref<64x128xf32, #tpu.memory_space<vmem>>, %arg4: memref<1x128xf32, #tpu.memory_space<vmem>>, %arg5: memref<64x128xf32, #tpu.memory_space<vmem>>, %arg6: memref<512x128xf32, #tpu.memory_space<vmem>>) attributes {dimension_semantics = [#tpu.dimension_semantics<arbitrary>], iteration_bounds = array<i64: 98>, scalar_prefetch = 0 : i64, scratch_operands = 0 : i64, tpu.core_type = #tpu.core_type<tc>, window_params = [{transform_indices = @transform_0, window_bounds = array<i64: 512, 128>}, {transform_indices = @transform_1, window_bounds = array<i64: 512, 128>}, {pipeline_mode = #tpu.pipeline_mode<synchronous>, transform_indices = @transform_2, window_bounds = array<i64: 64, 128>}, {pipeline_mode = #tpu.pipeline_mode<synchronous>, transform_indices = @transform_3, window_bounds = array<i64: 1, 128>}, {pipeline_mode = #tpu.pipeline_mode<synchronous>, transform_indices = @transform_4, window_bounds = array<i64: 64, 128>}, {transform_indices = @transform_5, window_bounds = array<i64: 512, 128>}]} {
    %get3A = arith.constant 0 : index
    %get3A_0 = arith.constant 64 : index
    %get3A_1 = vector.load %arg2[%get3A, %get3A_0] : memref<512x128xf32, #tpu.memory_space<vmem>>, vector<512x1xf32>
    %max3A = arith.constant 1.000000e+00 : f32
    %max3A_2 = vector.broadcast %max3A : f32 to vector<512x1xf32>
    %max3A_3 = arith.maximumf %get3A_1, %max3A_2 : vector<512x1xf32>
    %get3A_4 = arith.constant 0 : index
    %get3A_5 = arith.constant 0 : index
    %get3A_6 = vector.load %arg2[%get3A_4, %get3A_5] : memref<512x128xf32, #tpu.memory_space<vmem>>, vector<512x64xf32>
    %div3A = vector.broadcast %max3A_3 : vector<512x1xf32> to vector<512x64xf32>
    %div3A_7 = arith.divf %get3A_6, %div3A : vector<512x64xf32>
    %get3A_8 = arith.constant 0 : index
    %get3A_9 = arith.constant 0 : index
    %get3A_10 = vector.load %arg3[%get3A_8, %get3A_9] : memref<64x128xf32, #tpu.memory_space<vmem>>, vector<64x128xf32>
    %dot_general3A = arith.constant dense<0.000000e+00> : vector<512x128xf32>
    %dot_general3A_11 = tpu.matmul %div3A_7, %get3A_10, %dot_general3A {dimension_numbers = #tpu.dot_dimension_numbers<[1], [0], [0], [1], [0, 0, 1, 1], [], []>, transpose_lhs_hint = false} : vector<512x64xf32>, vector<64x128xf32>, vector<512x128xf32> -> vector<512x128xf32>
    %get3A_12 = arith.constant 0 : index
    %get3A_13 = arith.constant 0 : index
    %get3A_14 = vector.load %arg4[%get3A_12, %get3A_13] : memref<1x128xf32, #tpu.memory_space<vmem>>, vector<1x128xf32>
    %add3A = vector.broadcast %get3A_14 : vector<1x128xf32> to vector<512x128xf32>
    %add3A_15 = arith.addf %dot_general3A_11, %add3A : vector<512x128xf32>
    %get3A_16 = arith.constant 0 : index
    %get3A_17 = arith.constant 0 : index
    %get3A_18 = vector.load %arg1[%get3A_16, %get3A_17] : memref<512x128xf32, #tpu.memory_space<vmem>>, vector<512x64xf32>
    %get3A_19 = arith.constant 0 : index
    %get3A_20 = arith.constant 0 : index
    %get3A_21 = vector.load %arg5[%get3A_19, %get3A_20] : memref<64x128xf32, #tpu.memory_space<vmem>>, vector<64x128xf32>
    %dot_general3A_22 = arith.constant dense<0.000000e+00> : vector<512x128xf32>
    %dot_general3A_23 = tpu.matmul %get3A_18, %get3A_21, %dot_general3A_22 {dimension_numbers = #tpu.dot_dimension_numbers<[1], [0], [0], [1], [0, 0, 1, 1], [], []>, transpose_lhs_hint = false} : vector<512x64xf32>, vector<64x128xf32>, vector<512x128xf32> -> vector<512x128xf32>
    %add3A_24 = arith.addf %add3A_15, %dot_general3A_23 : vector<512x128xf32>
    %max3A_25 = arith.constant 0.000000e+00 : f32
    %max3A_26 = vector.broadcast %max3A_25 : f32 to vector<512x128xf32>
    %max3A_27 = arith.maximumf %add3A_24, %max3A_26 : vector<512x128xf32>
    %swap3A = arith.constant 0 : index
    %swap3A_28 = arith.constant 0 : index
    %swap3A_29 = vector.load %arg6[%swap3A, %swap3A_28] : memref<512x128xf32, #tpu.memory_space<vmem>>, vector<512x128xf32>
    tpu.vector_store %arg6[%swap3A, %swap3A_28], %max3A_27 {strides = array<i32>} : memref<512x128xf32, #tpu.memory_space<vmem>>, vector<512x128xf32>,
    return
  }
  func.func @transform_0(%arg0: i32) -> (i32, i32) {
    %c0_i32 = arith.constant 0 : i32
    %c0_i32_0 = arith.constant 0 : i32
    return %arg0, %c0_i32 : i32, i32
  }
  func.func @transform_1(%arg0: i32) -> (i32, i32) {
    %c0_i32 = arith.constant 0 : i32
    %c0_i32_0 = arith.constant 0 : i32
    return %arg0, %c0_i32 : i32, i32
  }
  func.func @transform_2(%arg0: i32) -> (i32, i32) {
    %c0_i32 = arith.constant 0 : i32
    %c0_i32_0 = arith.constant 0 : i32
    %c0_i32_1 = arith.constant 0 : i32
    return %c0_i32, %c0_i32_0 : i32, i32
  }
  func.func @transform_3(%arg0: i32) -> (i32, i32) {
    %c0_i32 = arith.constant 0 : i32
    %c0_i32_0 = arith.constant 0 : i32
    %c0_i32_1 = arith.constant 0 : i32
    return %c0_i32, %c0_i32_0 : i32, i32
  }
  func.func @transform_4(%arg0: i32) -> (i32, i32) {
    %c0_i32 = arith.constant 0 : i32
    %c0_i32_0 = arith.constant 0 : i32
    %c0_i32_1 = arith.constant 0 : i32
    return %c0_i32, %c0_i32_0 : i32, i32
  }
  func.func @transform_5(%arg0: i32) -> (i32, i32) {
    %c0_i32 = arith.constant 0 : i32
    %c0_i32_0 = arith.constant 0 : i32
    return %arg0, %c0_i32 : i32, i32
  }
}

module attributes {stable_mosaic.version = 14 : i64} {
  func.func @_tc2_body(%arg0: i32, %arg1: memref<512x128xf32, #tpu.memory_space<vmem>>, %arg2: memref<512x128xf32, #tpu.memory_space<vmem>>, %arg3: memref<512x128xf32, #tpu.memory_space<vmem>>, %arg4: memref<1x1x512xi32, #tpu.memory_space<vmem>>, %arg5: memref<128x128xf32, #tpu.memory_space<vmem>>, %arg6: memref<1x128xf32, #tpu.memory_space<vmem>>, %arg7: memref<128x128xf32, #tpu.memory_space<vmem>>, %arg8: memref<128x2xf32, #tpu.memory_space<vmem>>, %arg9: memref<1x2xf32, #tpu.memory_space<vmem>>, %arg10: memref<512x2xf32, #tpu.memory_space<vmem>>, %arg11: memref<512x128xf32, #tpu.memory_space<vmem>>, %arg12: memref<512x1xf32, #tpu.memory_space<vmem>>) attributes {dimension_semantics = [#tpu.dimension_semantics<arbitrary>], iteration_bounds = array<i64: 98>, scalar_prefetch = 0 : i64, scratch_operands = 2 : i64, tpu.core_type = #tpu.core_type<tc>, window_params = [{transform_indices = @transform_0, window_bounds = array<i64: 512, 128>}, {transform_indices = @transform_1, window_bounds = array<i64: 512, 128>}, {transform_indices = @transform_2, window_bounds = array<i64: 512, 128>}, {transform_indices = @transform_3, window_bounds = array<i64: 1, 1, 512>}, {pipeline_mode = #tpu.pipeline_mode<synchronous>, transform_indices = @transform_4, window_bounds = array<i64: 128, 128>}, {pipeline_mode = #tpu.pipeline_mode<synchronous>, transform_indices = @transform_5, window_bounds = array<i64: 1, 128>}, {pipeline_mode = #tpu.pipeline_mode<synchronous>, transform_indices = @transform_6, window_bounds = array<i64: 128, 128>}, {pipeline_mode = #tpu.pipeline_mode<synchronous>, transform_indices = @transform_7, window_bounds = array<i64: 128, 2>}, {pipeline_mode = #tpu.pipeline_mode<synchronous>, transform_indices = @transform_8, window_bounds = array<i64: 1, 2>}, {pipeline_mode = #tpu.pipeline_mode<synchronous>, transform_indices = @transform_9, window_bounds = array<i64: 512, 2>}]} {
    %eq3A = arith.constant 0 : i32
    %eq3A_0 = arith.cmpi eq, %arg0, %eq3A : i32
    %convert_element_type3A = arith.extui %eq3A_0 : i1 to i32
    %cond3A = arith.constant 0 : i32
    %cond3A_1 = arith.cmpi ne, %convert_element_type3A, %cond3A : i32
    scf.if %cond3A_1 {
      %broadcast_in_dim3A_61 = arith.constant 0.000000e+00 : f32
      %broadcast_in_dim3A_62 = vector.broadcast %broadcast_in_dim3A_61 : f32 to vector<512x128xf32>
      %swap3A_63 = arith.constant 0 : index
      %swap3A_64 = arith.constant 0 : index
      %swap3A_65 = vector.load %arg11[%swap3A_63, %swap3A_64] : memref<512x128xf32, #tpu.memory_space<vmem>>, vector<512x128xf32>
      tpu.vector_store %arg11[%swap3A_63, %swap3A_64], %broadcast_in_dim3A_62 {strides = array<i32>} : memref<512x128xf32, #tpu.memory_space<vmem>>, vector<512x128xf32>,
      %broadcast_in_dim3A_66 = arith.constant 0.000000e+00 : f32
      %broadcast_in_dim3A_67 = vector.broadcast %broadcast_in_dim3A_66 : f32 to vector<512x1xf32>
      %swap3A_68 = arith.constant 0 : index
      %swap3A_69 = arith.constant 0 : index
      %swap3A_70 = vector.load %arg12[%swap3A_68, %swap3A_69] : memref<512x1xf32, #tpu.memory_space<vmem>>, vector<512x1xf32>
      tpu.vector_store %arg12[%swap3A_68, %swap3A_69], %broadcast_in_dim3A_67 {strides = array<i32>} : memref<512x1xf32, #tpu.memory_space<vmem>>, vector<512x1xf32>,
    } else {
    }
    %get3A = arith.constant 0 : index
    %get3A_2 = arith.constant 64 : index
    %get3A_3 = vector.load %arg2[%get3A, %get3A_2] : memref<512x128xf32, #tpu.memory_space<vmem>>, vector<512x1xf32>
    %max3A = arith.constant 1.000000e+00 : f32
    %max3A_4 = vector.broadcast %max3A : f32 to vector<512x1xf32>
    %max3A_5 = arith.maximumf %get3A_3, %max3A_4 : vector<512x1xf32>
    %get3A_6 = arith.constant 0 : index
    %get3A_7 = arith.constant 0 : index
    %get3A_8 = vector.load %arg1[%get3A_6, %get3A_7] : memref<512x128xf32, #tpu.memory_space<vmem>>, vector<512x128xf32>
    %div3A = vector.broadcast %max3A_5 : vector<512x1xf32> to vector<512x128xf32>
    %div3A_9 = arith.divf %get3A_8, %div3A : vector<512x128xf32>
    %get3A_10 = arith.constant 0 : index
    %get3A_11 = arith.constant 0 : index
    %get3A_12 = vector.load %arg5[%get3A_10, %get3A_11] : memref<128x128xf32, #tpu.memory_space<vmem>>, vector<128x128xf32>
    %dot_general3A = arith.constant dense<0.000000e+00> : vector<512x128xf32>
    %dot_general3A_13 = tpu.matmul %div3A_9, %get3A_12, %dot_general3A {dimension_numbers = #tpu.dot_dimension_numbers<[1], [0], [0], [1], [0, 0, 1, 1], [], []>, transpose_lhs_hint = false} : vector<512x128xf32>, vector<128x128xf32>, vector<512x128xf32> -> vector<512x128xf32>
    %get3A_14 = arith.constant 0 : index
    %get3A_15 = arith.constant 0 : index
    %get3A_16 = vector.load %arg6[%get3A_14, %get3A_15] : memref<1x128xf32, #tpu.memory_space<vmem>>, vector<1x128xf32>
    %add3A = vector.broadcast %get3A_16 : vector<1x128xf32> to vector<512x128xf32>
    %add3A_17 = arith.addf %dot_general3A_13, %add3A : vector<512x128xf32>
    %get3A_18 = arith.constant 0 : index
    %get3A_19 = arith.constant 0 : index
    %get3A_20 = vector.load %arg3[%get3A_18, %get3A_19] : memref<512x128xf32, #tpu.memory_space<vmem>>, vector<512x128xf32>
    %get3A_21 = arith.constant 0 : index
    %get3A_22 = arith.constant 0 : index
    %get3A_23 = vector.load %arg7[%get3A_21, %get3A_22] : memref<128x128xf32, #tpu.memory_space<vmem>>, vector<128x128xf32>
    %dot_general3A_24 = arith.constant dense<0.000000e+00> : vector<512x128xf32>
    %dot_general3A_25 = tpu.matmul %get3A_20, %get3A_23, %dot_general3A_24 {dimension_numbers = #tpu.dot_dimension_numbers<[1], [0], [0], [1], [0, 0, 1, 1], [], []>, transpose_lhs_hint = false} : vector<512x128xf32>, vector<128x128xf32>, vector<512x128xf32> -> vector<512x128xf32>
    %add3A_26 = arith.addf %add3A_17, %dot_general3A_25 : vector<512x128xf32>
    %max3A_27 = arith.constant 0.000000e+00 : f32
    %max3A_28 = vector.broadcast %max3A_27 : f32 to vector<512x128xf32>
    %max3A_29 = arith.maximumf %add3A_26, %max3A_28 : vector<512x128xf32>
    %get3A_30 = arith.constant 0 : index
    %get3A_31 = arith.constant 0 : index
    %get3A_32 = arith.constant 0 : index
    %get3A_33 = vector.load %arg4[%get3A_30, %get3A_31, %get3A_32] : memref<1x1x512xi32, #tpu.memory_space<vmem>>, vector<1x1x512xi32>
    %get3A_34 = vector.shape_cast %get3A_33 : vector<1x1x512xi32> to vector<512xi32>
    %iota3A = tpu.iota {dimensions = array<i32: 0>} : vector<512x512xi32>
    %broadcast_in_dim3A = vector.shape_cast %get3A_34 : vector<512xi32> to vector<1x512xi32>
    %eq3A_35 = vector.broadcast %broadcast_in_dim3A : vector<1x512xi32> to vector<512x512xi32>
    %eq3A_36 = arith.cmpi eq, %iota3A, %eq3A_35 : vector<512x512xi32>
    %convert_element_type3A_37 = arith.extui %eq3A_36 : vector<512x512xi1> to vector<512x512xi32>
    %convert_element_type3A_38 = arith.sitofp %convert_element_type3A_37 : vector<512x512xi32> to vector<512x512xf32>
    %get3A_39 = arith.constant 0 : index
    %get3A_40 = arith.constant 0 : index
    %get3A_41 = vector.load %arg11[%get3A_39, %get3A_40] : memref<512x128xf32, #tpu.memory_space<vmem>>, vector<512x128xf32>
    %dot_general3A_42 = arith.constant dense<0.000000e+00> : vector<512x128xf32>
    %dot_general3A_43 = tpu.matmul %convert_element_type3A_38, %max3A_29, %dot_general3A_42 {dimension_numbers = #tpu.dot_dimension_numbers<[1], [0], [0], [1], [0, 0, 1, 1], [], []>, transpose_lhs_hint = false} : vector<512x512xf32>, vector<512x128xf32>, vector<512x128xf32> -> vector<512x128xf32>
    %add3A_44 = arith.addf %get3A_41, %dot_general3A_43 : vector<512x128xf32>
    %swap3A = arith.constant 0 : index
    %swap3A_45 = arith.constant 0 : index
    %swap3A_46 = vector.load %arg11[%swap3A, %swap3A_45] : memref<512x128xf32, #tpu.memory_space<vmem>>, vector<512x128xf32>
    tpu.vector_store %arg11[%swap3A, %swap3A_45], %add3A_44 {strides = array<i32>} : memref<512x128xf32, #tpu.memory_space<vmem>>, vector<512x128xf32>,
    %get3A_47 = arith.constant 0 : index
    %get3A_48 = arith.constant 0 : index
    %get3A_49 = vector.load %arg12[%get3A_47, %get3A_48] : memref<512x1xf32, #tpu.memory_space<vmem>>, vector<512x1xf32>
    %reduce_sum3A = arith.constant dense<0.000000e+00> : vector<512xf32>
    %reduce_sum3A_50 = vector.multi_reduction <add>, %convert_element_type3A_38, %reduce_sum3A [1] : vector<512x512xf32> to vector<512xf32>
    %broadcast_in_dim3A_51 = vector.shape_cast %reduce_sum3A_50 : vector<512xf32> to vector<512x1xf32>
    %add3A_52 = arith.addf %get3A_49, %broadcast_in_dim3A_51 : vector<512x1xf32>
    %swap3A_53 = arith.constant 0 : index
    %swap3A_54 = arith.constant 0 : index
    %swap3A_55 = vector.load %arg12[%swap3A_53, %swap3A_54] : memref<512x1xf32, #tpu.memory_space<vmem>>, vector<512x1xf32>
    tpu.vector_store %arg12[%swap3A_53, %swap3A_54], %add3A_52 {strides = array<i32>} : memref<512x1xf32, #tpu.memory_space<vmem>>, vector<512x1xf32>,
    %eq3A_56 = arith.constant 97 : i32
    %eq3A_57 = arith.cmpi eq, %arg0, %eq3A_56 : i32
    %convert_element_type3A_58 = arith.extui %eq3A_57 : i1 to i32
    %cond3A_59 = arith.constant 0 : i32
    %cond3A_60 = arith.cmpi ne, %convert_element_type3A_58, %cond3A_59 : i32
    scf.if %cond3A_60 {
      %get3A_61 = arith.constant 0 : index
      %get3A_62 = arith.constant 0 : index
      %get3A_63 = vector.load %arg11[%get3A_61, %get3A_62] : memref<512x128xf32, #tpu.memory_space<vmem>>, vector<512x128xf32>
      %get3A_64 = arith.constant 0 : index
      %get3A_65 = arith.constant 0 : index
      %get3A_66 = vector.load %arg12[%get3A_64, %get3A_65] : memref<512x1xf32, #tpu.memory_space<vmem>>, vector<512x1xf32>
      %max3A_67 = arith.constant 1.000000e+00 : f32
      %max3A_68 = vector.broadcast %max3A_67 : f32 to vector<512x1xf32>
      %max3A_69 = arith.maximumf %get3A_66, %max3A_68 : vector<512x1xf32>
      %div3A_70 = vector.broadcast %max3A_69 : vector<512x1xf32> to vector<512x128xf32>
      %div3A_71 = arith.divf %get3A_63, %div3A_70 : vector<512x128xf32>
      %get3A_72 = arith.constant 0 : index
      %get3A_73 = arith.constant 0 : index
      %get3A_74 = vector.load %arg8[%get3A_72, %get3A_73] : memref<128x2xf32, #tpu.memory_space<vmem>>, vector<128x2xf32>
      %dot_general3A_75 = arith.constant dense<0.000000e+00> : vector<512x2xf32>
      %dot_general3A_76 = tpu.matmul %div3A_71, %get3A_74, %dot_general3A_75 {dimension_numbers = #tpu.dot_dimension_numbers<[1], [0], [0], [1], [0, 0, 1, 1], [], []>, transpose_lhs_hint = false} : vector<512x128xf32>, vector<128x2xf32>, vector<512x2xf32> -> vector<512x2xf32>
      %get3A_77 = arith.constant 0 : index
      %get3A_78 = arith.constant 0 : index
      %get3A_79 = vector.load %arg9[%get3A_77, %get3A_78] : memref<1x2xf32, #tpu.memory_space<vmem>>, vector<1x2xf32>
      %add3A_80 = vector.broadcast %get3A_79 : vector<1x2xf32> to vector<512x2xf32>
      %add3A_81 = arith.addf %dot_general3A_76, %add3A_80 : vector<512x2xf32>
      %swap3A_82 = arith.constant 0 : index
      %swap3A_83 = arith.constant 0 : index
      %swap3A_84 = vector.load %arg10[%swap3A_82, %swap3A_83] : memref<512x2xf32, #tpu.memory_space<vmem>>, vector<512x2xf32>
      tpu.vector_store %arg10[%swap3A_82, %swap3A_83], %add3A_81 {strides = array<i32>} : memref<512x2xf32, #tpu.memory_space<vmem>>, vector<512x2xf32>,
    } else {
    }
    return
  }
  func.func @transform_0(%arg0: i32) -> (i32, i32) {
    %c0_i32 = arith.constant 0 : i32
    %c0_i32_0 = arith.constant 0 : i32
    return %arg0, %c0_i32 : i32, i32
  }
  func.func @transform_1(%arg0: i32) -> (i32, i32) {
    %c0_i32 = arith.constant 0 : i32
    %c0_i32_0 = arith.constant 0 : i32
    return %arg0, %c0_i32 : i32, i32
  }
  func.func @transform_2(%arg0: i32) -> (i32, i32) {
    %c0_i32 = arith.constant 0 : i32
    %c0_i32_0 = arith.constant 0 : i32
    return %arg0, %c0_i32 : i32, i32
  }
  func.func @transform_3(%arg0: i32) -> (i32, i32, i32) {
    %c0_i32 = arith.constant 0 : i32
    %c0_i32_0 = arith.constant 0 : i32
    %c0_i32_1 = arith.constant 0 : i32
    return %arg0, %c0_i32, %c0_i32_0 : i32, i32, i32
  }
  func.func @transform_4(%arg0: i32) -> (i32, i32) {
    %c0_i32 = arith.constant 0 : i32
    %c0_i32_0 = arith.constant 0 : i32
    %c0_i32_1 = arith.constant 0 : i32
    return %c0_i32, %c0_i32_0 : i32, i32
  }
  func.func @transform_5(%arg0: i32) -> (i32, i32) {
    %c0_i32 = arith.constant 0 : i32
    %c0_i32_0 = arith.constant 0 : i32
    %c0_i32_1 = arith.constant 0 : i32
    return %c0_i32, %c0_i32_0 : i32, i32
  }
  func.func @transform_6(%arg0: i32) -> (i32, i32) {
    %c0_i32 = arith.constant 0 : i32
    %c0_i32_0 = arith.constant 0 : i32
    %c0_i32_1 = arith.constant 0 : i32
    return %c0_i32, %c0_i32_0 : i32, i32
  }
  func.func @transform_7(%arg0: i32) -> (i32, i32) {
    %c0_i32 = arith.constant 0 : i32
    %c0_i32_0 = arith.constant 0 : i32
    %c0_i32_1 = arith.constant 0 : i32
    return %c0_i32, %c0_i32_0 : i32, i32
  }
  func.func @transform_8(%arg0: i32) -> (i32, i32) {
    %c0_i32 = arith.constant 0 : i32
    %c0_i32_0 = arith.constant 0 : i32
    %c0_i32_1 = arith.constant 0 : i32
    return %c0_i32, %c0_i32_0 : i32, i32
  }
  func.func @transform_9(%arg0: i32) -> (i32, i32) {
    %c0_i32 = arith.constant 0 : i32
    %c0_i32_0 = arith.constant 0 : i32
    %c0_i32_1 = arith.constant 0 : i32
    return %c0_i32, %c0_i32_0 : i32, i32
  }
}

</mosaic_0001>

<sc_bundles>
// kernel: kernel.10.cloned.1.call-start
scs
__scs_entry_jumppad:
0x0: {  	(pc) =	sbr.rel $0x88, $3  }
0x1: {  	(tag) =	ssettag $0x0;
	lr =	simm.s32 $0x1  }
0x2: {  	[smem:$0x3F95] =	sst lr;
	_ =	strace $0xD0000000  }
0x3: {  	_ = 	snop  }
0x4: {  	_ = 	snop  }
0x5: {  	_ = 	snop  }
0x6: {  	_ = 	snop  }
0x7: {  	_ = 	snop  }
__scs_overlays_trampoline_lowered:
0x8: {  	[smem:$0x3FA4] =	sst s0  }
0x9: {  	[smem:$0x3FA5] =	sst s1  }
0xa: {  	[smem:$0x3FA6] =	sst s2  }
0xb: {  	[smem:$0x3FA7] =	sst s3  }
0xc: {  	[smem:$0x3FA8] =	sst s4  }
0xd: {  	[smem:$0x3FA9] =	sst s5  }
0xe: {  	[smem:$0x3FAA] =	sst s6  }
0xf: {  	[smem:$0x3FAB] =	sst s7  }
0x10: {  	[smem:$0x3FAC] =	sst s8  }
0x11: {  	[smem:$0x3FAD] =	sst s9;
	s0 =	simm.s32 @!p0 $0x0  }
0x12: {  	s1 =	sld [smem:$0x3F93];
	s0 =	simm.s32 @p0 $0x1  }
0x13: {  	[smem:$0x3FAE] =	sst s0;
	s0 =	simm.s32 @!p1 $0x0  }
0x14: {  	s2 =	sld [smem:$0x3F92];
	s0 =	simm.s32 @p1 $0x1  }
0x15: {  	[smem:$0x3FAF] =	sst s0;
	s0 =	simm.s32 @!p2 $0x0  }
0x16: {  	s3 =	sld [smem:$0x3FDB];
	s0 =	simm.s32 @p2 $0x1  }
0x17: {  	s4 =	simm.s32 $0x1BF5;
	[smem:$0x3FB1] =	sst s0  }
0x18: {  	s0 =	sld [smem:$0x3F94];
	_ =	swait.ge [sflag:s4], $0x0  }
0x19: {  	s7 =	sld [smem:$0x3F95]  }
0x1a: {  	s8 =	sadd.s32 $0xFFFFE003, lr  }
0x1b: {  	s9 =	sadd.s32 $0xFFFFFEF7, lr;
	s5 =	simm.s32 $0xFFFFFFFF;
	p2 =	slt.u32 s8, $0xFFFFF086  }
0x1c: {  	p1 =	slt.u32 s9, $0xF7A;
	s5 =	simm.s32 @!p2 $0x0  }
0x1d: {  	s5 =	simm.s32 @p1 $0x1;
	p0 =	seq.s32 s7, s2  }
0x1e: {  	s7 =	smul.u32 @!p0 $0xF7A, s2;
	p2 =	seq.s32 @!p0 s5, $0x0  }
0x1f: {  	s9 =	smul.u32 $0xF7A, s1;
	s8 =	simm.s32 @!p0 $0x1BF5;
	p2 =	por !p2, p0  }
0x20: {  	[sflag:s8] =	ssyncset.s32 @!p0 $0xFFFFF086;
	s6 =	sadd.s32 @!p0 s3, s7;
	s7 =	simm.s32 @!p0 $0x108  }
0x21: {  	s3 =	sadd.s32 s3, s9;
	s6 =	sadd.s32 @!p0 $0x88, s6;
	s7 =	simm.s32 @p2 $0x1082  }
0x22: {  	[simem:s7], [sflag:s8] =	dma.local @!p0 [hbm:s6], $0xF7A  }
0x23: {  	s9 =	sor.u32 $0xD0000000, s2;
	s6 =	simm.s32 $0x108;
	_ =	swait.ge @!p0 [sflag:s8], $0x0  }
0x24: {  	s3 =	sadd.s32 $0x88, s3;
	s6 =	simm.s32 @!p1 $0x1082;
	[sflag:s4] =	ssyncset.s32 $0xFFFFF086  }
0x25: {  	[simem:s6], [sflag:s4] =	dma.local [hbm:s3], $0xF7A  }
0x26: {  	[smem:$0x3F95] =	sst s1;
	(tag) =	ssettag s2;
	_ =	strace s9  }
0x27: {  	s1 =	sld [smem:$0x3FA5]  }
0x28: {  	s2 =	sld [smem:$0x3FA6]  }
0x29: {  	s4 =	sld [smem:$0x3FA8]  }
0x2a: {  	p0 =	seq.s32 s5, $0x0;
	s5 =	sld [smem:$0x3FA9]  }
0x2b: {  	s6 =	sld [smem:$0x3FAA]  }
0x2c: {  	s7 =	sld [smem:$0x3FAB]  }
0x2d: {  	s3 =	simm.s32 $0x108;
	s8 =	sld [smem:$0x3FAC]  }
0x2e: {  	s3 =	simm.s32 @!p0 $0x1082;
	s9 =	sld [smem:$0x3FAD]  }
0x2f: {  	lr =	sadd.s32 s0, s3;
	s0 =	sld [smem:$0x3FA4]  }
0x30: {  	s3 =	sld [smem:$0x3FA7]  }
0x31: {  	[smem:$0x3FB0] =	sst s10  }
0x32: {  	s10 =	sld [smem:$0x3FAE];
	_ =	sdelay $0x3  }
0x33: {  	p0 =	seq.s32 s10, $0x1;
	s10 =	sld [smem:$0x3FB0];
	_ =	sdelay $0x3  }
0x34: {  	[smem:$0x3FB0] =	sst s10  }
0x35: {  	s10 =	sld [smem:$0x3FAF];
	_ =	sdelay $0x3  }
0x36: {  	p1 =	seq.s32 s10, $0x1;
	s10 =	sld [smem:$0x3FB0];
	_ =	sdelay $0x3  }
0x37: {  	[smem:$0x3FB0] =	sst s10  }
0x38: {  	s10 =	sld [smem:$0x3FB1]  }
0x39: {  	_ = 	snop;
	(pc) =	sbr.ind lr, $3  }
0x3a: {  	_ = 	snop  }
0x3b: {  	_ = 	snop  }
0x3c: {  	p2 =	seq.s32 s10, $0x1;
	s10 =	sld [smem:$0x3FB0]  }
0x3d: {  	_ =	shalt  }
0x3e: {  	_ =	shalt  }
0x3f: {  	_ =	shalt  }
0x40: {  	_ =	shalt  }
0x41: {  	_ =	shalt  }
0x42: {  	_ =	shalt  }
0x43: {  	_ =	shalt  }
0x44: {  	_ =	shalt  }
0x45: {  	_ =	shalt  }
0x46: {  	_ =	shalt  }
0x47: {  	_ =	shalt  }
0x48: {  	_ =	shalt  }
0x49: {  	_ =	shalt  }
0x4a: {  	_ =	shalt  }
0x4b: {  	_ =	shalt  }
0x4c: {  	_ =	shalt  }
0x4d: {  	_ =	shalt  }
0x4e: {  	_ =	shalt  }
0x4f: {  	_ =	shalt  }
0x50: {  	_ =	shalt  }
0x51: {  	_ =	shalt  }
0x52: {  	_ =	shalt  }
0x53: {  	_ =	shalt  }
0x54: {  	_ =	shalt  }
0x55: {  	_ =	shalt  }
0x56: {  	_ =	shalt  }
0x57: {  	_ =	shalt  }
0x58: {  	_ =	shalt  }
0x59: {  	_ =	shalt  }
0x5a: {  	_ =	shalt  }
0x5b: {  	_ =	shalt  }
0x5c: {  	_ =	shalt  }
0x5d: {  	_ =	shalt  }
0x5e: {  	_ =	shalt  }
0x5f: {  	_ =	shalt  }
0x60: {  	_ =	shalt  }
0x61: {  	_ =	shalt  }
0x62: {  	_ =	shalt  }
0x63: {  	_ =	shalt  }
0x64: {  	_ =	shalt  }
0x65: {  	_ =	shalt  }
0x66: {  	_ =	shalt  }
0x67: {  	_ =	shalt  }
0x68: {  	_ =	shalt  }
0x69: {  	_ =	shalt  }
0x6a: {  	_ =	shalt  }
0x6b: {  	_ =	shalt  }
0x6c: {  	_ =	shalt  }
0x6d: {  	_ =	shalt  }
0x6e: {  	_ =	shalt  }
0x6f: {  	_ =	shalt  }
0x70: {  	_ =	shalt  }
0x71: {  	_ =	shalt  }
0x72: {  	_ =	shalt  }
0x73: {  	_ =	shalt  }
0x74: {  	_ =	shalt  }
0x75: {  	_ =	shalt  }
0x76: {  	_ =	shalt  }
0x77: {  	_ =	shalt  }
0x78: {  	_ =	shalt  }
0x79: {  	_ =	shalt  }
0x7a: {  	_ =	shalt  }
0x7b: {  	_ =	shalt  }
0x7c: {  	_ =	shalt  }
0x7d: {  	_ =	shalt  }
0x7e: {  	_ =	shalt  }
0x7f: {  	_ =	shalt  }
0x80: {  	_ =	shalt  }
0x81: {  	_ =	shalt  }
0x82: {  	_ =	shalt  }
0x83: {  	_ =	shalt  }
0x84: {  	_ =	shalt  }
0x85: {  	_ =	shalt  }
0x86: {  	_ =	shalt  }
0x87: {  	_ =	shalt  }
.Lfunc_end0:
.L_simem_size_0:
called_computation.1_lowered:
.L_overlay_start_0:
0x88: {  	s2 =	sld [smem:$0x3FD9]  }
0x89: {  	s3 =	sld [smem:$0x3FFE];
	_ =	sdelay $0x1  }
0x8a: {  	s1 =	srdreg.scid  }
0x8b: {  	s0 =	sand.u32 $0x1, s1  }
0x8c: {  	s16 =	sshll.u32 s0, $0xA;
	s2 =	sadd.s32 s3, s2  }
0x8d: {  	s2 =	sadd.s32 s2, s16  }
0x8e: {  	[smem:$0x3FBC] =	sst s2  }
0x8f: {  	_ = 	snop  }
0x90: {  	(tm) =	ssettm $0x1  }
0x91: {  	s17 =	sld [smem:$0x3FFB];
	_ =	sdelay $0x3  }
0x92: {  	_ =	strace s17  }
0x93: {  	s2 =	sld [smem:$0x3FFC];
	_ =	sdelay $0x3  }
0x94: {  	_ =	strace s2  }
0x95: {  	s2 =	sld [smem:$0x3FFD];
	_ =	sdelay $0x3  }
0x96: {  	_ =	strace s2  }
0x97: {  	_ =	strace $0x8FFFFFFF  }
0x98: {  	s18 =	sld [smem:$0x3FDB];
	_ =	sdelay $0x1  }
0x99: {  	s19 =	simm.s32 $_scs_section_size  }
0x9a: {  	s4 =	simm.s32 $_size__tile_overlayer_lowered;
	s5 =	simm.s32 $_tile_overlayer_lowered  }
0x9b: {  	s22 =	simm.s32 $0x1BFF;
	s21 =	sshll.u32 s5, $0x1;
	s2 =	sadd.s32 s19, s18  }
0x9c: {  	s6 =	simm.s32 $0x0;
	s20 =	sshll.u32 s4, $0x1;
	s4 =	sadd.s32 s21, s2  }
0x9d: {  	[timem:s6], [sflag:s22] =	dma.local [hbm:s4], s20  }
0x9e: {  	_ =	swait.ge [sflag:s22], s20  }
0x9f: {  	s3 =	ssub.s32 $0x0, s20;
	[sflag:s22] =	ssyncset.done $0x0  }
0xa0: {  	[sflag:s22] =	ssyncadd.s32 s3;
	_ =	sdelay $0x1  }
0xa1: {  	s23 =	simm.s32 $0x1B8B  }
0xa2: {  	_ =	swait.ge [sflag:s23], $0x1  }
0xa3: {  	[sflag:s23] =	ssyncset.done $0x0  }
0xa4: {  	s25 =	simm.s32 $0x1B8E;
	s24 =	sld [smem:$0x3FFE];
	[sflag:s23] =	ssyncadd.s32 $0xFFFFFFFF  }
0xa5: {  	s26 =	simm.s32 $execute0_lowered;
	[smem:$0x3FD2] =	sst s25  }
0xa6: {  	s4 =	sshll.u32 s26, $0x1;
	_ =	strace $0x80000049;
	[dreg:$0x1] =	wrdreg $0xFFFFFFFF  }
0xa7: {  	s28 =	simm.s32 $_size_execute0_lowered;
	s2 =	sadd.s32 s2, s4;
	[dreg:$0x0] =	wrdreg $0x0  }
0xa8: {  	s4 =	sshll.u32 s28, $0x1;
	[dreg:$0x2] =	wrdreg s2  }
0xa9: {  	[dreg:$0x3] =	wrdreg s4  }
0xaa: {  	[dreg:$0x4] =	wrdreg $0xC0  }
0xab: {  	_ =	task [dreg:s6], $0x5FFFF  }
0xac: {  	[dreg:$0x1] =	wrdreg $0xFFFFFFFF  }
0xad: {  	[dreg:$0x0] =	wrdreg $0x60  }
0xae: {  	[dreg:$0x2] =	wrdreg s24  }
0xaf: {  	[dreg:$0x3] =	wrdreg $0x41800  }
0xb0: {  	[dreg:$0x4] =	wrdreg $0x9  }
0xb1: {  	_ =	task.clear_ibuf [dreg:s6], $0x5FFFF;
	_ =	strace $0x90000049  }
0xb2: {  	s29 =	simm.s32 $0x9;
	_ =	strace $0x8000004B  }
0xb3: {  	_ =	swait.ge [sflag:s29], $0x1  }
0xb4: {  	[sflag:s29] =	ssyncadd.s32 $0xFFFFFFFF  }
0xb5: {  	_ =	strace $0x9000004B  }
0xb6: {  	_ =	sfence  }
0xb7: {  	s30 =	sld [smem:$0x0];
	_ =	sdelay $0x2  }
0xb8: {  	s31 =	sshll.u32 s1, $0xD;
	s1 =	sshrl.u32 s1, $0x2  }
0xb9: {  	s3 =	sand.u32 $0x4000, s31;
	s1 =	sadd.s32 s1, s30  }
0xba: {  	s0 =	sor.u32 s3, s0;
	s1 =	sshll.u32 s1, $0x11  }
0xbb: {  	s0 =	sor.u32 s1, s0  }
0xbc: {  	s0 =	sadd.s32 $0x8F2B, s0  }
0xbd: {  	[sflag:s0] =	ssyncadd.remote.s32 $0x1  }
0xbe: {  	_ =	sfence.sel $0xFFFF  }
0xbf: {  	[dreg:$0x0] =	wrdreg $0xFFFFFFFF;
	(pc) =	sbr.abs _section_cstart, $3  }
0xc0: {  	[dreg:$0x1] =	wrdreg $0xFFFFFFFF  }
0xc1: {  	_ =	task.clear_ibuf [dreg:s6], $0x2FFFF;
	_ =	strace $0x9FFFFFFF  }
0xc2: {  	(tm) =	ssettm $0x7FFFFFFF  }
0xc3: {  	_ =	shalt  }
tec
execute0_lowered:
.L_overlay_start_1:
0x0: {  	(tag) =	ssettag $0x1  }
0x1: {  	s5 =	rddreg [dreg:$0x0]  }
0x2: {  	s1 =	rddreg [dreg:$0x1]  }
0x3: {  	s0 =	rddreg [dreg:$0x2]  }
0x4: {  	s2 =	simm.s32 $0x0;
	s11 =	stileid.u32;
	s6 =	srdreg.scid  }
0x5: {  	[smem:$0x7FF] =	sst s2;
	s3 =	smul.u32 $0x1870, s11  }
0x6: {  	s4 =	sadd.s32 $0xF7000, s5;
	s6 =	sand.u32 $0x1, s6;
	s7 =	smul.u32 $0x62000, s11  }
0x7: {  	s8 =	sadd.s32 $0xFA200, s5;
	s9 =	smul.u32 $0x310, s11;
	s29 =	sshll.u32 s11, $0x6  }
0x8: {  	s14 =	sadd.s32 $0x188000, s1;
	p0 =	sne.s32 s11, $0x0;
	_ =	strace $0x8000004A  }
0x9: {  	s26 =	ssub.s32 $0x2, s6;
	s15 =	smul.u32 $0x6200, s6;
	s10 =	sadd.s32 s3, s5  }
0xa: {  	s3 =	sadd.s32 $0x2000, s5;
	s28 =	sshrl.u32 s26, $0x1;
	s7 =	sshrl.u32 s7, $0x2  }
0xb: {  	s5 =	sor.u32 $0x1C01, s29;
	s12 =	ssub.s32 s26, s28;
	s13 =	sadd.s32 s7, s1  }
0xc: {  	s16 =	sadd.s32 $0x3100, s15;
	s30 =	sadd.s32 s9, s15;
	s17 =	sadd.s32 $0x6200, s15  }
0xd: {  	v0 =	vmov s15;
	s15 =	simm.s32 $0x180;
	s6 =	sshll.u32 s30, $0x4;
	s31 =	sadd.s32 s9, s16  }
0xe: {  	s9 =	sadd.s32 $0xDE800, s10;
	s10 =	sadd.s32 $0xC6000, s10;
	s11 =	sshrl.u32 s13, $0x3  }
0xf: {  	s13 =	sshrl.u32 @!p0 s14, $0x3;
	s14 =	simm.s32 $0x80;
	v1 =	vmov s16;
	s16 =	simm.s32 $0x100  }
0x10: {  	v2 =	vmov s17;
	s17 =	simm.s32 $0x0;
	s6 =	sadd.s32 s8, s6;
	s7 =	sshll.u32 s31, $0x4  }
0x11: {  	s7 =	sadd.s32 s8, s7;
	s8 =	smax.u32 s12, $0x1;
	s12 =	simm.s32 $0x1  }
.LBB2_1:
0x12: {  	[spmem:s11], [sflag:s5] =	dma.local [hbm:s4], $0x3100  }
0x13: {  	_ =	swait.ge [sflag:s12], $0x3100  }
0x14: {  	[sflag:s12] =	ssyncset.done $0x0  }
0x15: {  	s18 =	simm.s32 @!p0 $0x1;
	[sflag:s12] =	ssyncadd.s32 $0xFFFFCF00  }
0x16: {  	[spmem:s13], [sflag:s5] =	dma.local @!p0 [hbm:s4], $0x80  }
0x17: {  	_ =	swait.ge @!p0 [sflag:s18], $0x80  }
0x18: {  	[sflag:s18] =	ssyncset.done @!p0 $0x0  }
0x19: {  	[sflag:s18] =	ssyncadd.s32 @!p0 $0xFFFFFF80  }
0x1a: {  	s30 =	sadd.s32 $0x0, s10;
	[bflag:$0x0] =	sbarrier.arrive $0xFFFF  }
0x1b: {  	[tilespmem:s2], [sflag:$0x1] =	stream.linear.gather [hbm4b:s30+s2], $0x80, $0x38;
	[tilespmem:$0x1C9C0] =	vst v63  }
0x1c: {  	_ =	swait.ge [sflag:s12], $0x80  }
0x1d: {  	[sflag:s12] =	ssyncset.done $0x0  }
0x1e: {  	s31 =	sadd.s32 $0x0, s9;
	[sflag:s12] =	ssyncadd.s32 $0xFFFFFF80  }
0x1f: {  	[tilespmem:s14], [sflag:$0x1] =	stream.linear.gather [hbm4b:s31+s2], $0x80, $0x38;
	[tilespmem:$0x1C9C0] =	vst v63  }
0x20: {  	_ =	swait.ge [sflag:s12], $0x80  }
0x21: {  	[sflag:s12] =	ssyncset.done $0x0  }
0x22: {  	[sflag:s12] =	ssyncadd.s32 $0xFFFFFF80  }
0x23: {  	v3 =	vld [tilespmem:$0xF0]  }
0x24: {  	v4 =	vld [tilespmem:$0xE0]  }
0x25: {  	v5 =	vld [tilespmem:$0x90]  }
0x26: {  	v8 =	vld [tilespmem:$0xB0]  }
0x27: {  	v10 =	vld [tilespmem:$0xC0]  }
0x28: {  	v6 =	vld [tilespmem:$0x80]  }
0x29: {  	vm0 =	vge.s32 v3, v0;
	vm1 =	vlt.s32 v3, v1;
	v9 =	vsub.s32 v3, v0  }
0x2a: {  	v7 =	vld [tilespmem:$0xA0];
	vm2 =	vge.s32 v4, v0;
	vm3 =	vlt.s32 v4, v1;
	v4 =	vsub.s32 v4, v0  }
0x2b: {  	v11 =	vsub.s32 v5, v0;
	vm4 =	vlt.s32 v5, v1;
	vm5 =	vlt.s32 v8, v1  }
0x2c: {  	vm6 =	vge.s32 v10, v0;
	vm7 =	vlt.s32 v10, v1;
	vm2 =	vmand vm2, vm3  }
0x2d: {  	vm0 =	vmand vm0, vm1;
	vm1 =	vlt.s32 v6, v1;
	vm3 =	vge.s32 v5, v0  }
0x2e: {  	v3 =	vld [tilespmem:$0xD0];
	v5 =	vsub.s32 v10, v0;
	v12 =	vnsel vm2, $0x3100, v4;
	vm2 =	vge.s32 v6, v0  }
0x2f: {  	v6 =	vsub.s32 v6, v0;
	v4 =	vsub.s32 v7, v0;
	v9 =	vnsel vm0, $0x3100, v9  }
0x30: {  	vm0 =	vge.s32 v7, v0;
	vm1 =	vmand vm2, vm1;
	vm2 =	vmand vm3, vm4;
	[tilespmem:$0x160] =	vst v12  }
0x31: {  	vm3 =	vge.s32 v8, v0;
	[tilespmem:$0x170] =	vst v9;
	v6 =	vnsel vm1, $0x3100, v6;
	v63 =	vnsel vm2, $0x3100, v11  }
0x32: {  	vm2 =	vlt.s32 v7, v1;
	vm5 =	vmand vm3, vm5;
	vm3 =	vmand vm6, vm7;
	[tilespmem:$0x100] =	vst v6  }
0x33: {  	s18 =	simm.s32 $0x10;
	vm1 =	vge.s32 v3, v0;
	v6 =	vsub.s32 v8, v0;
	vm4 =	vlt.s32 v3, v1;
	[tilespmem:$0x110] =	vst v63  }
.LBB2_2:
0x34: {  	p1 =	sne.s32 s18, $0x1860;
	v6 =	vnsel vm5, $0x3100, v6;
	vm1 =	vmand vm1, vm4;
	v3 =	vsub.s32 v3, v0;
	s19 =	smov.u32 s18;
	s18 =	sadd.s32 $0x10, s18  }
0x35: {  	[tilespmem:$0x130] =	vst v6;
	v3 =	vnsel vm1, $0x3100, v3  }
0x36: {  	vm0 =	vmand vm0, vm2;
	v5 =	vnsel vm3, $0x3100, v5;
	[tilespmem:$0x150] =	vst v3  }
0x37: {  	v3 =	vnsel vm0, $0x3100, v4;
	[tilespmem:$0x140] =	vst v5  }
0x38: {  	[tilespmem:$0x120] =	vst v3  }
0x39: {  	[tilespmem:s15], [sflag:$0x1] =	stream.indirect.gather [hbm4b:s3+s14], $0x80, s2, s14, $0xb8;
	[tilespmem:$0x1C9C0] =	vst v63  }
0x3a: {  	_ =	swait.ge [sflag:s12], $0x4000  }
0x3b: {  	[sflag:s12] =	ssyncset.done $0x0  }
0x3c: {  	[sflag:s12] =	ssyncadd.s32 $0xFFFFC000  }
0x3d: {  	[spmem:s1] =	stream.indirect.scatter.add.f32 [tilespmem:s15], [sflag:$0x1], $0x80, s16, s14, $0xb8;
	[tilespmem:$0x1C9C0] =	vst v63  }
0x3e: {  	_ =	swait.ge [sflag:s12], $0x4000  }
0x3f: {  	[sflag:s12] =	ssyncset.done $0x0  }
0x40: {  	s20 =	sadd.s32 s19, s10;
	[sflag:s12] =	ssyncadd.s32 $0xFFFFC000  }
0x41: {  	[tilespmem:s2], [sflag:$0x1] =	stream.linear.gather [hbm4b:s20+s2], $0x80, $0x38;
	[tilespmem:$0x1C9C0] =	vst v63  }
0x42: {  	_ =	swait.ge [sflag:s12], $0x80  }
0x43: {  	[sflag:s12] =	ssyncset.done $0x0  }
0x44: {  	s19 =	sadd.s32 s19, s9;
	[sflag:s12] =	ssyncadd.s32 $0xFFFFFF80  }
0x45: {  	[tilespmem:s14], [sflag:$0x1] =	stream.linear.gather [hbm4b:s19+s2], $0x80, $0x38;
	[tilespmem:$0x1C9C0] =	vst v63  }
0x46: {  	_ =	swait.ge [sflag:s12], $0x80  }
0x47: {  	[sflag:s12] =	ssyncset.done $0x0  }
0x48: {  	[sflag:s12] =	ssyncadd.s32 $0xFFFFFF80  }
0x49: {  	v3 =	vld [tilespmem:$0xF0]  }
0x4a: {  	v4 =	vld [tilespmem:$0xE0]  }
0x4b: {  	v5 =	vld [tilespmem:$0x90]  }
0x4c: {  	v6 =	vld [tilespmem:$0x80]  }
0x4d: {  	v7 =	vld [tilespmem:$0xA0]  }
0x4e: {  	v8 =	vld [tilespmem:$0xB0];
	vm0 =	vge.s32 v3, v0;
	vm1 =	vlt.s32 v3, v1;
	v9 =	vsub.s32 v3, v0  }
0x4f: {  	v10 =	vld [tilespmem:$0xC0];
	vm2 =	vge.s32 v4, v0;
	vm3 =	vlt.s32 v4, v1;
	v4 =	vsub.s32 v4, v0  }
0x50: {  	vm0 =	vmand vm0, vm1;
	v11 =	vsub.s32 v5, v0;
	v3 =	vld [tilespmem:$0xD0];
	vm2 =	vmand vm2, vm3  }
0x51: {  	vm3 =	vge.s32 v5, v0;
	vm1 =	vlt.s32 v6, v1;
	v4 =	vnsel vm2, $0x3100, v4  }
0x52: {  	vm4 =	vlt.s32 v5, v1;
	vm2 =	vge.s32 v6, v0;
	v6 =	vsub.s32 v6, v0;
	[tilespmem:$0x160] =	vst v4  }
0x53: {  	v9 =	vnsel vm0, $0x3100, v9;
	vm1 =	vmand vm2, vm1;
	v4 =	vsub.s32 v7, v0  }
.Ltmp0:
0x54: {  	vm2 =	vmand vm3, vm4;
	v6 =	vnsel vm1, $0x3100, v6;
	v5 =	vsub.s32 v10, v0;
	[tilespmem:$0x170] =	vst v9;
	(pc) =	sbr.rel @p1 .LBB2_2-.Ltmp0, $4  }
0x55: {  	vm0 =	vge.s32 v7, v0;
	vm3 =	vge.s32 v8, v0;
	[tilespmem:$0x100] =	vst v6;
	vm1 =	vge.s32 v3, v0  }
0x56: {  	vm5 =	vlt.s32 v8, v1;
	vm6 =	vge.s32 v10, v0;
	v6 =	vnsel vm2, $0x3100, v11  }
0x57: {  	vm7 =	vlt.s32 v10, v1;
	vm4 =	vlt.s32 v3, v1;
	[tilespmem:$0x110] =	vst v6;
	v6 =	vsub.s32 v8, v0  }
0x58: {  	vm5 =	vmand vm3, vm5;
	vm2 =	vlt.s32 v7, v1;
	vm3 =	vmand vm6, vm7  }
0x59: {  	v6 =	vnsel vm5, $0x3100, v6  }
0x5a: {  	vm1 =	vmand vm1, vm4;
	v3 =	vsub.s32 v3, v0;
	v5 =	vnsel vm3, $0x3100, v5;
	[tilespmem:$0x130] =	vst v6  }
0x5b: {  	vm0 =	vmand vm0, vm2;
	v3 =	vnsel vm1, $0x3100, v3;
	[tilespmem:$0x140] =	vst v5  }
0x5c: {  	[tilespmem:$0x150] =	vst v3;
	v3 =	vnsel vm0, $0x3100, v4  }
0x5d: {  	[tilespmem:$0x120] =	vst v3  }
0x5e: {  	[tilespmem:s15], [sflag:$0x1] =	stream.indirect.gather [hbm4b:s3+s14], $0x80, s2, s14, $0xb8;
	[tilespmem:$0x1C9C0] =	vst v63  }
0x5f: {  	_ =	swait.ge [sflag:s12], $0x4000  }
0x60: {  	[sflag:s12] =	ssyncset.done $0x0  }
0x61: {  	[sflag:s12] =	ssyncadd.s32 $0xFFFFC000  }
0x62: {  	[spmem:s1] =	stream.indirect.scatter.add.f32 [tilespmem:s15], [sflag:$0x1], $0x80, s16, s14, $0xb8;
	[tilespmem:$0x1C9C0] =	vst v63  }
0x63: {  	_ =	swait.ge [sflag:s12], $0x4000  }
0x64: {  	[sflag:s12] =	ssyncset.done $0x0  }
0x65: {  	[sflag:s12] =	ssyncadd.s32 $0xFFFFC000  }
0x66: {  	[bflag:$0x0] =	sbarrier.arrive $0xFFFF  }
0x67: {  	[hbm:s6], [sflag:s5] =	dma.local [spmem:s11], $0x3100  }
0x68: {  	_ =	swait.ge [sflag:s12], $0x3100  }
0x69: {  	[sflag:s12] =	ssyncset.done $0x0  }
0x6a: {  	[sflag:s12] =	ssyncadd.s32 $0xFFFFCF00  }
0x6b: {  	[bflag:$0x0] =	sbarrier.arrive $0xFFFF  }
0x6c: {  	[spmem:s11], [sflag:s5] =	dma.local [hbm:s4], $0x3100  }
0x6d: {  	_ =	swait.ge [sflag:s12], $0x3100  }
0x6e: {  	[sflag:s12] =	ssyncset.done $0x0  }
0x6f: {  	s18 =	simm.s32 @!p0 $0x1;
	[sflag:s12] =	ssyncadd.s32 $0xFFFFCF00  }
0x70: {  	[spmem:s13], [sflag:s5] =	dma.local @!p0 [hbm:s4], $0x80  }
0x71: {  	_ =	swait.ge @!p0 [sflag:s18], $0x80  }
0x72: {  	[sflag:s18] =	ssyncset.done @!p0 $0x0  }
0x73: {  	[sflag:s18] =	ssyncadd.s32 @!p0 $0xFFFFFF80  }
0x74: {  	s30 =	sadd.s32 $0x0, s10;
	[bflag:$0x0] =	sbarrier.arrive $0xFFFF  }
0x75: {  	[tilespmem:s2], [sflag:$0x1] =	stream.linear.gather [hbm4b:s30+s2], $0x80, $0x38;
	[tilespmem:$0x1C9C0] =	vst v63  }
0x76: {  	_ =	swait.ge [sflag:s12], $0x80  }
0x77: {  	[sflag:s12] =	ssyncset.done $0x0  }
0x78: {  	s31 =	sadd.s32 $0x0, s9;
	[sflag:s12] =	ssyncadd.s32 $0xFFFFFF80  }
0x79: {  	[tilespmem:s14], [sflag:$0x1] =	stream.linear.gather [hbm4b:s31+s2], $0x80, $0x38;
	[tilespmem:$0x1C9C0] =	vst v63  }
0x7a: {  	_ =	swait.ge [sflag:s12], $0x80  }
0x7b: {  	[sflag:s12] =	ssyncset.done $0x0  }
0x7c: {  	[sflag:s12] =	ssyncadd.s32 $0xFFFFFF80  }
0x7d: {  	v3 =	vld [tilespmem:$0xF0]  }
0x7e: {  	v4 =	vld [tilespmem:$0xE0]  }
0x7f: {  	v5 =	vld [tilespmem:$0x90]  }
0x80: {  	v8 =	vld [tilespmem:$0xB0]  }
0x81: {  	v10 =	vld [tilespmem:$0xC0]  }
0x82: {  	v6 =	vld [tilespmem:$0x80]  }
0x83: {  	vm0 =	vge.s32 v3, v1;
	vm1 =	vlt.s32 v3, v2;
	v9 =	vsub.s32 v3, v1  }
0x84: {  	v7 =	vld [tilespmem:$0xA0];
	vm2 =	vge.s32 v4, v1;
	vm3 =	vlt.s32 v4, v2;
	v4 =	vsub.s32 v4, v1  }
0x85: {  	v11 =	vsub.s32 v5, v1;
	vm4 =	vlt.s32 v5, v2;
	vm5 =	vlt.s32 v8, v2  }
0x86: {  	vm6 =	vge.s32 v10, v1;
	vm7 =	vlt.s32 v10, v2;
	vm2 =	vmand vm2, vm3  }
0x87: {  	vm0 =	vmand vm0, vm1;
	vm1 =	vlt.s32 v6, v2;
	vm3 =	vge.s32 v5, v1  }
0x88: {  	v3 =	vld [tilespmem:$0xD0];
	v5 =	vsub.s32 v10, v1;
	v12 =	vnsel vm2, $0x3100, v4;
	vm2 =	vge.s32 v6, v1  }
0x89: {  	v6 =	vsub.s32 v6, v1;
	v4 =	vsub.s32 v7, v1;
	v9 =	vnsel vm0, $0x3100, v9  }
0x8a: {  	vm0 =	vge.s32 v7, v1;
	vm1 =	vmand vm2, vm1;
	vm2 =	vmand vm3, vm4;
	[tilespmem:$0x160] =	vst v12  }
0x8b: {  	vm3 =	vge.s32 v8, v1;
	[tilespmem:$0x170] =	vst v9;
	v6 =	vnsel vm1, $0x3100, v6;
	v63 =	vnsel vm2, $0x3100, v11  }
0x8c: {  	vm2 =	vlt.s32 v7, v2;
	vm5 =	vmand vm3, vm5;
	vm3 =	vmand vm6, vm7;
	[tilespmem:$0x100] =	vst v6  }
0x8d: {  	s18 =	simm.s32 $0x10;
	vm1 =	vge.s32 v3, v1;
	v6 =	vsub.s32 v8, v1;
	vm4 =	vlt.s32 v3, v2;
	[tilespmem:$0x110] =	vst v63  }
.LBB2_4:
0x8e: {  	p1 =	sne.s32 s18, $0x1860;
	v6 =	vnsel vm5, $0x3100, v6;
	vm1 =	vmand vm1, vm4;
	v3 =	vsub.s32 v3, v1;
	s19 =	smov.u32 s18;
	s18 =	sadd.s32 $0x10, s18  }
0x8f: {  	[tilespmem:$0x130] =	vst v6;
	v3 =	vnsel vm1, $0x3100, v3  }
0x90: {  	vm0 =	vmand vm0, vm2;
	v5 =	vnsel vm3, $0x3100, v5;
	[tilespmem:$0x150] =	vst v3  }
0x91: {  	v3 =	vnsel vm0, $0x3100, v4;
	[tilespmem:$0x140] =	vst v5  }
0x92: {  	[tilespmem:$0x120] =	vst v3  }
0x93: {  	[tilespmem:s15], [sflag:$0x1] =	stream.indirect.gather [hbm4b:s3+s14], $0x80, s2, s14, $0xb8;
	[tilespmem:$0x1C9C0] =	vst v63  }
0x94: {  	_ =	swait.ge [sflag:s12], $0x4000  }
0x95: {  	[sflag:s12] =	ssyncset.done $0x0  }
0x96: {  	[sflag:s12] =	ssyncadd.s32 $0xFFFFC000  }
0x97: {  	[spmem:s1] =	stream.indirect.scatter.add.f32 [tilespmem:s15], [sflag:$0x1], $0x80, s16, s14, $0xb8;
	[tilespmem:$0x1C9C0] =	vst v63  }
0x98: {  	_ =	swait.ge [sflag:s12], $0x4000  }
0x99: {  	[sflag:s12] =	ssyncset.done $0x0  }
0x9a: {  	s20 =	sadd.s32 s19, s10;
	[sflag:s12] =	ssyncadd.s32 $0xFFFFC000  }
0x9b: {  	[tilespmem:s2], [sflag:$0x1] =	stream.linear.gather [hbm4b:s20+s2], $0x80, $0x38;
	[tilespmem:$0x1C9C0] =	vst v63  }
0x9c: {  	_ =	swait.ge [sflag:s12], $0x80  }
0x9d: {  	[sflag:s12] =	ssyncset.done $0x0  }
0x9e: {  	s19 =	sadd.s32 s19, s9;
	[sflag:s12] =	ssyncadd.s32 $0xFFFFFF80  }
0x9f: {  	[tilespmem:s14], [sflag:$0x1] =	stream.linear.gather [hbm4b:s19+s2], $0x80, $0x38;
	[tilespmem:$0x1C9C0] =	vst v63  }
0xa0: {  	_ =	swait.ge [sflag:s12], $0x80  }
0xa1: {  	[sflag:s12] =	ssyncset.done $0x0  }
0xa2: {  	[sflag:s12] =	ssyncadd.s32 $0xFFFFFF80  }
0xa3: {  	v3 =	vld [tilespmem:$0xF0]  }
0xa4: {  	v4 =	vld [tilespmem:$0xE0]  }
0xa5: {  	v5 =	vld [tilespmem:$0x90]  }
0xa6: {  	v6 =	vld [tilespmem:$0x80]  }
0xa7: {  	v7 =	vld [tilespmem:$0xA0]  }
0xa8: {  	v8 =	vld [tilespmem:$0xB0];
	vm0 =	vge.s32 v3, v1;
	vm1 =	vlt.s32 v3, v2;
	v9 =	vsub.s32 v3, v1  }
0xa9: {  	v10 =	vld [tilespmem:$0xC0];
	vm2 =	vge.s32 v4, v1;
	vm3 =	vlt.s32 v4, v2;
	v4 =	vsub.s32 v4, v1  }
0xaa: {  	vm0 =	vmand vm0, vm1;
	v11 =	vsub.s32 v5, v1;
	v3 =	vld [tilespmem:$0xD0];
	vm2 =	vmand vm2, vm3  }
0xab: {  	vm3 =	vge.s32 v5, v1;
	vm1 =	vlt.s32 v6, v2;
	v4 =	vnsel vm2, $0x3100, v4  }
0xac: {  	vm4 =	vlt.s32 v5, v2;
	vm2 =	vge.s32 v6, v1;
	v6 =	vsub.s32 v6, v1;
	[tilespmem:$0x160] =	vst v4  }
0xad: {  	v9 =	vnsel vm0, $0x3100, v9;
	vm1 =	vmand vm2, vm1;
	v4 =	vsub.s32 v7, v1  }
.Ltmp1:
0xae: {  	vm2 =	vmand vm3, vm4;
	v6 =	vnsel vm1, $0x3100, v6;
	v5 =	vsub.s32 v10, v1;
	[tilespmem:$0x170] =	vst v9;
	(pc) =	sbr.rel @p1 .LBB2_4-.Ltmp1, $4  }
0xaf: {  	vm0 =	vge.s32 v7, v1;
	vm3 =	vge.s32 v8, v1;
	[tilespmem:$0x100] =	vst v6;
	vm1 =	vge.s32 v3, v1  }
0xb0: {  	vm5 =	vlt.s32 v8, v2;
	vm6 =	vge.s32 v10, v1;
	v6 =	vnsel vm2, $0x3100, v11  }
0xb1: {  	vm7 =	vlt.s32 v10, v2;
	vm4 =	vlt.s32 v3, v2;
	[tilespmem:$0x110] =	vst v6;
	v6 =	vsub.s32 v8, v1  }
0xb2: {  	vm5 =	vmand vm3, vm5;
	vm2 =	vlt.s32 v7, v2;
	vm3 =	vmand vm6, vm7  }
0xb3: {  	v6 =	vnsel vm5, $0x3100, v6  }
0xb4: {  	vm1 =	vmand vm1, vm4;
	v3 =	vsub.s32 v3, v1;
	v5 =	vnsel vm3, $0x3100, v5;
	[tilespmem:$0x130] =	vst v6  }
0xb5: {  	vm0 =	vmand vm0, vm2;
	v3 =	vnsel vm1, $0x3100, v3;
	[tilespmem:$0x140] =	vst v5  }
0xb6: {  	[tilespmem:$0x150] =	vst v3;
	v3 =	vnsel vm0, $0x3100, v4  }
0xb7: {  	[tilespmem:$0x120] =	vst v3  }
0xb8: {  	[tilespmem:s15], [sflag:$0x1] =	stream.indirect.gather [hbm4b:s3+s14], $0x80, s2, s14, $0xb8;
	[tilespmem:$0x1C9C0] =	vst v63  }
0xb9: {  	_ =	swait.ge [sflag:s12], $0x4000  }
0xba: {  	[sflag:s12] =	ssyncset.done $0x0  }
0xbb: {  	[sflag:s12] =	ssyncadd.s32 $0xFFFFC000  }
0xbc: {  	[spmem:s1] =	stream.indirect.scatter.add.f32 [tilespmem:s15], [sflag:$0x1], $0x80, s16, s14, $0xb8;
	[tilespmem:$0x1C9C0] =	vst v63  }
0xbd: {  	_ =	swait.ge [sflag:s12], $0x4000  }
0xbe: {  	s17 =	sadd.s32 $0x1, s17;
	[sflag:s12] =	ssyncset.done $0x0  }
0xbf: {  	p1 =	sne.s32 s17, s8;
	[sflag:s12] =	ssyncadd.s32 $0xFFFFC000  }
.Ltmp2:
0xc0: {  	[bflag:$0x0] =	sbarrier.arrive $0xFFFF;
	(pc) =	sbr.rel @p1 .LBB2_1-.Ltmp2, $4  }
0xc1: {  	[hbm:s7], [sflag:s5] =	dma.local [spmem:s11], $0x3100  }
0xc2: {  	_ =	swait.ge [sflag:s12], $0x3100  }
0xc3: {  	[sflag:s12] =	ssyncset.done $0x0  }
0xc4: {  	[sflag:s12] =	ssyncadd.s32 $0xFFFFCF00  }
0xc5: {  	_ =	sfence.sel $0x180000  }
0xc6: {  	[bflag:$0x0] =	sbarrier.arrive $0xFFFF  }
0xc7: {  	_ =	strace $0x9000004A  }
0xc8: {  	s0 =	sadd.s32 @!p0 $0x100000, s0;
	[bflag:$0x2] =	sbarrier.arrive $0xFFFF  }
0xc9: {  	[sflag:s0] =	ssyncadd.tile.s32 @!p0 $0x1;
	_ =	shalt  }
.Lfunc_end2:
_tile_overlayer_lowered:
.L_overlay_start_2:
0xca: {  	(tag) =	ssettag $0x2  }
0xcb: {  	s0 =	rddreg [dreg:$0x0];
	s2 =	stileid.u32  }
0xcc: {  	s1 =	rddreg [dreg:$0x1];
	p0 =	sne.s32 s2, $0x0  }
0xcd: {  	s3 =	rddreg [dreg:$0x2];
	[bflag:$0x3] =	sbarrier.arrive $0xFFFF;
	s2 =	simm.s32 @!p0 $0x1C01  }
0xce: {  	[timem:s3], [sflag:s2] =	dma.local @!p0 [hbm:s0], s1  }
0xcf: {  	s0 =	simm.s32 @!p0 $0x1  }
0xd0: {  	_ =	swait.ge @!p0 [sflag:s0], s1  }
0xd1: {  	s1 =	ssub.s32 @!p0 $0x0, s1;
	[sflag:s0] =	ssyncset.done @!p0 $0x0  }
0xd2: {  	[sflag:s0] =	ssyncadd.s32 @!p0 s1  }
0xd3: {  	[bflag:$0x3] =	sbarrier.arrive $0xFFFF  }
0xd4: {  	_ =	shalt  }

// kernel: kernel.13.cloned.1.call-start
scs
__scs_entry_jumppad:
0x0: {  	(pc) =	sbr.rel $0x88, $3  }
0x1: {  	(tag) =	ssettag $0x0;
	lr =	simm.s32 $0x1  }
0x2: {  	[smem:$0x3F95] =	sst lr;
	_ =	strace $0xD0000000  }
0x3: {  	_ = 	snop  }
0x4: {  	_ = 	snop  }
0x5: {  	_ = 	snop  }
0x6: {  	_ = 	snop  }
0x7: {  	_ = 	snop  }
__scs_overlays_trampoline_lowered:
0x8: {  	[smem:$0x3FA4] =	sst s0  }
0x9: {  	[smem:$0x3FA5] =	sst s1  }
0xa: {  	[smem:$0x3FA6] =	sst s2  }
0xb: {  	[smem:$0x3FA7] =	sst s3  }
0xc: {  	[smem:$0x3FA8] =	sst s4  }
0xd: {  	[smem:$0x3FA9] =	sst s5  }
0xe: {  	[smem:$0x3FAA] =	sst s6  }
0xf: {  	[smem:$0x3FAB] =	sst s7  }
0x10: {  	[smem:$0x3FAC] =	sst s8  }
0x11: {  	[smem:$0x3FAD] =	sst s9;
	s0 =	simm.s32 @!p0 $0x0  }
0x12: {  	s1 =	sld [smem:$0x3F93];
	s0 =	simm.s32 @p0 $0x1  }
0x13: {  	[smem:$0x3FAE] =	sst s0;
	s0 =	simm.s32 @!p1 $0x0  }
0x14: {  	s2 =	sld [smem:$0x3F92];
	s0 =	simm.s32 @p1 $0x1  }
0x15: {  	[smem:$0x3FAF] =	sst s0;
	s0 =	simm.s32 @!p2 $0x0  }
0x16: {  	s3 =	sld [smem:$0x3FDB];
	s0 =	simm.s32 @p2 $0x1  }
0x17: {  	s4 =	simm.s32 $0x1BF5;
	[smem:$0x3FB1] =	sst s0  }
0x18: {  	s0 =	sld [smem:$0x3F94];
	_ =	swait.ge [sflag:s4], $0x0  }
0x19: {  	s7 =	sld [smem:$0x3F95]  }
0x1a: {  	s8 =	sadd.s32 $0xFFFFE003, lr  }
0x1b: {  	s9 =	sadd.s32 $0xFFFFFEF7, lr;
	s5 =	simm.s32 $0xFFFFFFFF;
	p2 =	slt.u32 s8, $0xFFFFF086  }
0x1c: {  	p1 =	slt.u32 s9, $0xF7A;
	s5 =	simm.s32 @!p2 $0x0  }
0x1d: {  	s5 =	simm.s32 @p1 $0x1;
	p0 =	seq.s32 s7, s2  }
0x1e: {  	s7 =	smul.u32 @!p0 $0xF7A, s2;
	p2 =	seq.s32 @!p0 s5, $0x0  }
0x1f: {  	s9 =	smul.u32 $0xF7A, s1;
	s8 =	simm.s32 @!p0 $0x1BF5;
	p2 =	por !p2, p0  }
0x20: {  	[sflag:s8] =	ssyncset.s32 @!p0 $0xFFFFF086;
	s6 =	sadd.s32 @!p0 s3, s7;
	s7 =	simm.s32 @!p0 $0x108  }
0x21: {  	s3 =	sadd.s32 s3, s9;
	s6 =	sadd.s32 @!p0 $0x88, s6;
	s7 =	simm.s32 @p2 $0x1082  }
0x22: {  	[simem:s7], [sflag:s8] =	dma.local @!p0 [hbm:s6], $0xF7A  }
0x23: {  	s9 =	sor.u32 $0xD0000000, s2;
	s6 =	simm.s32 $0x108;
	_ =	swait.ge @!p0 [sflag:s8], $0x0  }
0x24: {  	s3 =	sadd.s32 $0x88, s3;
	s6 =	simm.s32 @!p1 $0x1082;
	[sflag:s4] =	ssyncset.s32 $0xFFFFF086  }
0x25: {  	[simem:s6], [sflag:s4] =	dma.local [hbm:s3], $0xF7A  }
0x26: {  	[smem:$0x3F95] =	sst s1;
	(tag) =	ssettag s2;
	_ =	strace s9  }
0x27: {  	s1 =	sld [smem:$0x3FA5]  }
0x28: {  	s2 =	sld [smem:$0x3FA6]  }
0x29: {  	s4 =	sld [smem:$0x3FA8]  }
0x2a: {  	p0 =	seq.s32 s5, $0x0;
	s5 =	sld [smem:$0x3FA9]  }
0x2b: {  	s6 =	sld [smem:$0x3FAA]  }
0x2c: {  	s7 =	sld [smem:$0x3FAB]  }
0x2d: {  	s3 =	simm.s32 $0x108;
	s8 =	sld [smem:$0x3FAC]  }
0x2e: {  	s3 =	simm.s32 @!p0 $0x1082;
	s9 =	sld [smem:$0x3FAD]  }
0x2f: {  	lr =	sadd.s32 s0, s3;
	s0 =	sld [smem:$0x3FA4]  }
0x30: {  	s3 =	sld [smem:$0x3FA7]  }
0x31: {  	[smem:$0x3FB0] =	sst s10  }
0x32: {  	s10 =	sld [smem:$0x3FAE];
	_ =	sdelay $0x3  }
0x33: {  	p0 =	seq.s32 s10, $0x1;
	s10 =	sld [smem:$0x3FB0];
	_ =	sdelay $0x3  }
0x34: {  	[smem:$0x3FB0] =	sst s10  }
0x35: {  	s10 =	sld [smem:$0x3FAF];
	_ =	sdelay $0x3  }
0x36: {  	p1 =	seq.s32 s10, $0x1;
	s10 =	sld [smem:$0x3FB0];
	_ =	sdelay $0x3  }
0x37: {  	[smem:$0x3FB0] =	sst s10  }
0x38: {  	s10 =	sld [smem:$0x3FB1]  }
0x39: {  	_ = 	snop;
	(pc) =	sbr.ind lr, $3  }
0x3a: {  	_ = 	snop  }
0x3b: {  	_ = 	snop  }
0x3c: {  	p2 =	seq.s32 s10, $0x1;
	s10 =	sld [smem:$0x3FB0]  }
0x3d: {  	_ =	shalt  }
0x3e: {  	_ =	shalt  }
0x3f: {  	_ =	shalt  }
0x40: {  	_ =	shalt  }
0x41: {  	_ =	shalt  }
0x42: {  	_ =	shalt  }
0x43: {  	_ =	shalt  }
0x44: {  	_ =	shalt  }
0x45: {  	_ =	shalt  }
0x46: {  	_ =	shalt  }
0x47: {  	_ =	shalt  }
0x48: {  	_ =	shalt  }
0x49: {  	_ =	shalt  }
0x4a: {  	_ =	shalt  }
0x4b: {  	_ =	shalt  }
0x4c: {  	_ =	shalt  }
0x4d: {  	_ =	shalt  }
0x4e: {  	_ =	shalt  }
0x4f: {  	_ =	shalt  }
0x50: {  	_ =	shalt  }
0x51: {  	_ =	shalt  }
0x52: {  	_ =	shalt  }
0x53: {  	_ =	shalt  }
0x54: {  	_ =	shalt  }
0x55: {  	_ =	shalt  }
0x56: {  	_ =	shalt  }
0x57: {  	_ =	shalt  }
0x58: {  	_ =	shalt  }
0x59: {  	_ =	shalt  }
0x5a: {  	_ =	shalt  }
0x5b: {  	_ =	shalt  }
0x5c: {  	_ =	shalt  }
0x5d: {  	_ =	shalt  }
0x5e: {  	_ =	shalt  }
0x5f: {  	_ =	shalt  }
0x60: {  	_ =	shalt  }
0x61: {  	_ =	shalt  }
0x62: {  	_ =	shalt  }
0x63: {  	_ =	shalt  }
0x64: {  	_ =	shalt  }
0x65: {  	_ =	shalt  }
0x66: {  	_ =	shalt  }
0x67: {  	_ =	shalt  }
0x68: {  	_ =	shalt  }
0x69: {  	_ =	shalt  }
0x6a: {  	_ =	shalt  }
0x6b: {  	_ =	shalt  }
0x6c: {  	_ =	shalt  }
0x6d: {  	_ =	shalt  }
0x6e: {  	_ =	shalt  }
0x6f: {  	_ =	shalt  }
0x70: {  	_ =	shalt  }
0x71: {  	_ =	shalt  }
0x72: {  	_ =	shalt  }
0x73: {  	_ =	shalt  }
0x74: {  	_ =	shalt  }
0x75: {  	_ =	shalt  }
0x76: {  	_ =	shalt  }
0x77: {  	_ =	shalt  }
0x78: {  	_ =	shalt  }
0x79: {  	_ =	shalt  }
0x7a: {  	_ =	shalt  }
0x7b: {  	_ =	shalt  }
0x7c: {  	_ =	shalt  }
0x7d: {  	_ =	shalt  }
0x7e: {  	_ =	shalt  }
0x7f: {  	_ =	shalt  }
0x80: {  	_ =	shalt  }
0x81: {  	_ =	shalt  }
0x82: {  	_ =	shalt  }
0x83: {  	_ =	shalt  }
0x84: {  	_ =	shalt  }
0x85: {  	_ =	shalt  }
0x86: {  	_ =	shalt  }
0x87: {  	_ =	shalt  }
.Lfunc_end0:
.L_simem_size_0:
called_computation.2_lowered:
.L_overlay_start_0:
0x88: {  	s2 =	sld [smem:$0x3FD9]  }
0x89: {  	s3 =	sld [smem:$0x3FFE];
	_ =	sdelay $0x1  }
0x8a: {  	s1 =	srdreg.scid  }
0x8b: {  	s0 =	sand.u32 $0x1, s1  }
0x8c: {  	s16 =	sshll.u32 s0, $0xA;
	s2 =	sadd.s32 s3, s2  }
0x8d: {  	s2 =	sadd.s32 s2, s16  }
0x8e: {  	[smem:$0x3FBC] =	sst s2  }
0x8f: {  	_ = 	snop  }
0x90: {  	(tm) =	ssettm $0x1  }
0x91: {  	s17 =	sld [smem:$0x3FFB];
	_ =	sdelay $0x3  }
0x92: {  	_ =	strace s17  }
0x93: {  	s2 =	sld [smem:$0x3FFC];
	_ =	sdelay $0x3  }
0x94: {  	_ =	strace s2  }
0x95: {  	s2 =	sld [smem:$0x3FFD];
	_ =	sdelay $0x3  }
0x96: {  	_ =	strace s2  }
0x97: {  	_ =	strace $0x8FFFFFFF  }
0x98: {  	s18 =	sld [smem:$0x3FDB];
	_ =	sdelay $0x1  }
0x99: {  	s19 =	simm.s32 $_scs_section_size  }
0x9a: {  	s4 =	simm.s32 $_size__tile_overlayer_lowered;
	s5 =	simm.s32 $_tile_overlayer_lowered  }
0x9b: {  	s22 =	simm.s32 $0x1BFF;
	s21 =	sshll.u32 s5, $0x1;
	s2 =	sadd.s32 s19, s18  }
0x9c: {  	s6 =	simm.s32 $0x0;
	s20 =	sshll.u32 s4, $0x1;
	s4 =	sadd.s32 s21, s2  }
0x9d: {  	[timem:s6], [sflag:s22] =	dma.local [hbm:s4], s20  }
0x9e: {  	_ =	swait.ge [sflag:s22], s20  }
0x9f: {  	s3 =	ssub.s32 $0x0, s20;
	[sflag:s22] =	ssyncset.done $0x0  }
0xa0: {  	[sflag:s22] =	ssyncadd.s32 s3;
	_ =	sdelay $0x1  }
0xa1: {  	s23 =	simm.s32 $0x1B8B  }
0xa2: {  	_ =	swait.ge [sflag:s23], $0x1  }
0xa3: {  	[sflag:s23] =	ssyncset.done $0x0  }
0xa4: {  	s25 =	simm.s32 $0x1B8E;
	s24 =	sld [smem:$0x3FFE];
	[sflag:s23] =	ssyncadd.s32 $0xFFFFFFFF  }
0xa5: {  	s26 =	simm.s32 $execute0_lowered;
	[smem:$0x3FD2] =	sst s25  }
0xa6: {  	s4 =	sshll.u32 s26, $0x1;
	_ =	strace $0x8000004C;
	[dreg:$0x1] =	wrdreg $0xFFFFFFFF  }
0xa7: {  	s28 =	simm.s32 $_size_execute0_lowered;
	s2 =	sadd.s32 s2, s4;
	[dreg:$0x0] =	wrdreg $0x0  }
0xa8: {  	s4 =	sshll.u32 s28, $0x1;
	[dreg:$0x2] =	wrdreg s2  }
0xa9: {  	[dreg:$0x3] =	wrdreg s4  }
0xaa: {  	[dreg:$0x4] =	wrdreg $0xC0  }
0xab: {  	_ =	task [dreg:s6], $0x5FFFF  }
0xac: {  	[dreg:$0x1] =	wrdreg $0xFFFFFFFF  }
0xad: {  	[dreg:$0x0] =	wrdreg $0x60  }
0xae: {  	[dreg:$0x2] =	wrdreg s24  }
0xaf: {  	[dreg:$0x3] =	wrdreg $0x41800  }
0xb0: {  	[dreg:$0x4] =	wrdreg $0x9  }
0xb1: {  	_ =	task.clear_ibuf [dreg:s6], $0x5FFFF;
	_ =	strace $0x9000004C  }
0xb2: {  	s29 =	simm.s32 $0x9;
	_ =	strace $0x8000004E  }
0xb3: {  	_ =	swait.ge [sflag:s29], $0x1  }
0xb4: {  	[sflag:s29] =	ssyncadd.s32 $0xFFFFFFFF  }
0xb5: {  	_ =	strace $0x9000004E  }
0xb6: {  	_ =	sfence  }
0xb7: {  	s30 =	sld [smem:$0x0];
	_ =	sdelay $0x2  }
0xb8: {  	s31 =	sshll.u32 s1, $0xD;
	s1 =	sshrl.u32 s1, $0x2  }
0xb9: {  	s3 =	sand.u32 $0x4000, s31;
	s1 =	sadd.s32 s1, s30  }
0xba: {  	s0 =	sor.u32 s3, s0;
	s1 =	sshll.u32 s1, $0x11  }
0xbb: {  	s0 =	sor.u32 s1, s0  }
0xbc: {  	s0 =	sadd.s32 $0x8F2B, s0  }
0xbd: {  	[sflag:s0] =	ssyncadd.remote.s32 $0x1  }
0xbe: {  	_ =	sfence.sel $0xFFFF  }
0xbf: {  	[dreg:$0x0] =	wrdreg $0xFFFFFFFF;
	(pc) =	sbr.abs _section_cstart, $3  }
0xc0: {  	[dreg:$0x1] =	wrdreg $0xFFFFFFFF  }
0xc1: {  	_ =	task.clear_ibuf [dreg:s6], $0x2FFFF;
	_ =	strace $0x9FFFFFFF  }
0xc2: {  	(tm) =	ssettm $0x7FFFFFFF  }
0xc3: {  	_ =	shalt  }
tec
execute0_lowered:
.L_overlay_start_1:
0x0: {  	(tag) =	ssettag $0x1  }
0x1: {  	s5 =	rddreg [dreg:$0x0]  }
0x2: {  	s1 =	rddreg [dreg:$0x1]  }
0x3: {  	s0 =	rddreg [dreg:$0x2]  }
0x4: {  	s2 =	simm.s32 $0x0;
	s11 =	stileid.u32;
	s6 =	srdreg.scid  }
0x5: {  	[smem:$0x7FF] =	sst s2;
	s3 =	smul.u32 $0x1870, s11  }
0x6: {  	s4 =	sadd.s32 $0xF7000, s5;
	s6 =	sand.u32 $0x1, s6;
	s7 =	smul.u32 $0x62000, s11  }
0x7: {  	s8 =	sadd.s32 $0x2000, s5;
	s9 =	smul.u32 $0x310, s11;
	s29 =	sshll.u32 s11, $0x6  }
0x8: {  	s14 =	sadd.s32 $0x188000, s1;
	p0 =	sne.s32 s11, $0x0;
	_ =	strace $0x8000004D  }
0x9: {  	s26 =	ssub.s32 $0x2, s6;
	s15 =	smul.u32 $0x6200, s6;
	s10 =	sadd.s32 s3, s5  }
0xa: {  	s3 =	sadd.s32 $0x1BE200, s5;
	s28 =	sshrl.u32 s26, $0x1;
	s7 =	sshrl.u32 s7, $0x2  }
0xb: {  	s5 =	sor.u32 $0x1C01, s29;
	s12 =	ssub.s32 s26, s28;
	s13 =	sadd.s32 s7, s1  }
0xc: {  	s16 =	sadd.s32 $0x3100, s15;
	s30 =	sadd.s32 s9, s15;
	s17 =	sadd.s32 $0x6200, s15  }
0xd: {  	v0 =	vmov s15;
	s15 =	simm.s32 $0x180;
	s6 =	sshll.u32 s30, $0x4;
	s31 =	sadd.s32 s9, s16  }
0xe: {  	s9 =	sadd.s32 $0xDE800, s10;
	s10 =	sadd.s32 $0xC6000, s10;
	s11 =	sshrl.u32 s13, $0x3  }
0xf: {  	s13 =	sshrl.u32 @!p0 s14, $0x3;
	s14 =	simm.s32 $0x80;
	v1 =	vmov s16;
	s16 =	simm.s32 $0x100  }
0x10: {  	v2 =	vmov s17;
	s17 =	simm.s32 $0x0;
	s6 =	sadd.s32 s8, s6;
	s7 =	sshll.u32 s31, $0x4  }
0x11: {  	s7 =	sadd.s32 s8, s7;
	s8 =	smax.u32 s12, $0x1;
	s12 =	simm.s32 $0x1  }
.LBB2_1:
0x12: {  	[spmem:s11], [sflag:s5] =	dma.local [hbm:s4], $0x3100  }
0x13: {  	_ =	swait.ge [sflag:s12], $0x3100  }
0x14: {  	[sflag:s12] =	ssyncset.done $0x0  }
0x15: {  	s18 =	simm.s32 @!p0 $0x1;
	[sflag:s12] =	ssyncadd.s32 $0xFFFFCF00  }
0x16: {  	[spmem:s13], [sflag:s5] =	dma.local @!p0 [hbm:s4], $0x80  }
0x17: {  	_ =	swait.ge @!p0 [sflag:s18], $0x80  }
0x18: {  	[sflag:s18] =	ssyncset.done @!p0 $0x0  }
0x19: {  	[sflag:s18] =	ssyncadd.s32 @!p0 $0xFFFFFF80  }
0x1a: {  	s30 =	sadd.s32 $0x0, s10;
	[bflag:$0x0] =	sbarrier.arrive $0xFFFF  }
0x1b: {  	[tilespmem:s2], [sflag:$0x1] =	stream.linear.gather [hbm4b:s30+s2], $0x80, $0x38;
	[tilespmem:$0x1C9C0] =	vst v63  }
0x1c: {  	_ =	swait.ge [sflag:s12], $0x80  }
0x1d: {  	[sflag:s12] =	ssyncset.done $0x0  }
0x1e: {  	s31 =	sadd.s32 $0x0, s9;
	[sflag:s12] =	ssyncadd.s32 $0xFFFFFF80  }
0x1f: {  	[tilespmem:s14], [sflag:$0x1] =	stream.linear.gather [hbm4b:s31+s2], $0x80, $0x38;
	[tilespmem:$0x1C9C0] =	vst v63  }
0x20: {  	_ =	swait.ge [sflag:s12], $0x80  }
0x21: {  	[sflag:s12] =	ssyncset.done $0x0  }
0x22: {  	[sflag:s12] =	ssyncadd.s32 $0xFFFFFF80  }
0x23: {  	v3 =	vld [tilespmem:$0xF0]  }
0x24: {  	v4 =	vld [tilespmem:$0xE0]  }
0x25: {  	v5 =	vld [tilespmem:$0x90]  }
0x26: {  	v8 =	vld [tilespmem:$0xB0]  }
0x27: {  	v10 =	vld [tilespmem:$0xC0]  }
0x28: {  	v6 =	vld [tilespmem:$0x80]  }
0x29: {  	vm0 =	vge.s32 v3, v0;
	vm1 =	vlt.s32 v3, v1;
	v9 =	vsub.s32 v3, v0  }
0x2a: {  	v7 =	vld [tilespmem:$0xA0];
	vm2 =	vge.s32 v4, v0;
	vm3 =	vlt.s32 v4, v1;
	v4 =	vsub.s32 v4, v0  }
0x2b: {  	v11 =	vsub.s32 v5, v0;
	vm4 =	vlt.s32 v5, v1;
	vm5 =	vlt.s32 v8, v1  }
0x2c: {  	vm6 =	vge.s32 v10, v0;
	vm7 =	vlt.s32 v10, v1;
	vm2 =	vmand vm2, vm3  }
0x2d: {  	vm0 =	vmand vm0, vm1;
	vm1 =	vlt.s32 v6, v1;
	vm3 =	vge.s32 v5, v0  }
0x2e: {  	v3 =	vld [tilespmem:$0xD0];
	v5 =	vsub.s32 v10, v0;
	v12 =	vnsel vm2, $0x3100, v4;
	vm2 =	vge.s32 v6, v0  }
0x2f: {  	v6 =	vsub.s32 v6, v0;
	v4 =	vsub.s32 v7, v0;
	v9 =	vnsel vm0, $0x3100, v9  }
0x30: {  	vm0 =	vge.s32 v7, v0;
	vm1 =	vmand vm2, vm1;
	vm2 =	vmand vm3, vm4;
	[tilespmem:$0x160] =	vst v12  }
0x31: {  	vm3 =	vge.s32 v8, v0;
	[tilespmem:$0x170] =	vst v9;
	v6 =	vnsel vm1, $0x3100, v6;
	v63 =	vnsel vm2, $0x3100, v11  }
0x32: {  	vm2 =	vlt.s32 v7, v1;
	vm5 =	vmand vm3, vm5;
	vm3 =	vmand vm6, vm7;
	[tilespmem:$0x100] =	vst v6  }
0x33: {  	s18 =	simm.s32 $0x10;
	vm1 =	vge.s32 v3, v0;
	v6 =	vsub.s32 v8, v0;
	vm4 =	vlt.s32 v3, v1;
	[tilespmem:$0x110] =	vst v63  }
.LBB2_2:
0x34: {  	p1 =	sne.s32 s18, $0x1860;
	v6 =	vnsel vm5, $0x3100, v6;
	vm1 =	vmand vm1, vm4;
	v3 =	vsub.s32 v3, v0;
	s19 =	smov.u32 s18;
	s18 =	sadd.s32 $0x10, s18  }
0x35: {  	[tilespmem:$0x130] =	vst v6;
	v3 =	vnsel vm1, $0x3100, v3  }
0x36: {  	vm0 =	vmand vm0, vm2;
	v5 =	vnsel vm3, $0x3100, v5;
	[tilespmem:$0x150] =	vst v3  }
0x37: {  	v3 =	vnsel vm0, $0x3100, v4;
	[tilespmem:$0x140] =	vst v5  }
0x38: {  	[tilespmem:$0x120] =	vst v3  }
0x39: {  	[tilespmem:s15], [sflag:$0x1] =	stream.indirect.gather [hbm4b:s3+s14], $0x80, s2, s14, $0xb8;
	[tilespmem:$0x1C9C0] =	vst v63  }
0x3a: {  	_ =	swait.ge [sflag:s12], $0x4000  }
0x3b: {  	[sflag:s12] =	ssyncset.done $0x0  }
0x3c: {  	[sflag:s12] =	ssyncadd.s32 $0xFFFFC000  }
0x3d: {  	[spmem:s1] =	stream.indirect.scatter.add.f32 [tilespmem:s15], [sflag:$0x1], $0x80, s16, s14, $0xb8;
	[tilespmem:$0x1C9C0] =	vst v63  }
0x3e: {  	_ =	swait.ge [sflag:s12], $0x4000  }
0x3f: {  	[sflag:s12] =	ssyncset.done $0x0  }
0x40: {  	s20 =	sadd.s32 s19, s10;
	[sflag:s12] =	ssyncadd.s32 $0xFFFFC000  }
0x41: {  	[tilespmem:s2], [sflag:$0x1] =	stream.linear.gather [hbm4b:s20+s2], $0x80, $0x38;
	[tilespmem:$0x1C9C0] =	vst v63  }
0x42: {  	_ =	swait.ge [sflag:s12], $0x80  }
0x43: {  	[sflag:s12] =	ssyncset.done $0x0  }
0x44: {  	s19 =	sadd.s32 s19, s9;
	[sflag:s12] =	ssyncadd.s32 $0xFFFFFF80  }
0x45: {  	[tilespmem:s14], [sflag:$0x1] =	stream.linear.gather [hbm4b:s19+s2], $0x80, $0x38;
	[tilespmem:$0x1C9C0] =	vst v63  }
0x46: {  	_ =	swait.ge [sflag:s12], $0x80  }
0x47: {  	[sflag:s12] =	ssyncset.done $0x0  }
0x48: {  	[sflag:s12] =	ssyncadd.s32 $0xFFFFFF80  }
0x49: {  	v3 =	vld [tilespmem:$0xF0]  }
0x4a: {  	v4 =	vld [tilespmem:$0xE0]  }
0x4b: {  	v5 =	vld [tilespmem:$0x90]  }
0x4c: {  	v6 =	vld [tilespmem:$0x80]  }
0x4d: {  	v7 =	vld [tilespmem:$0xA0]  }
0x4e: {  	v8 =	vld [tilespmem:$0xB0];
	vm0 =	vge.s32 v3, v0;
	vm1 =	vlt.s32 v3, v1;
	v9 =	vsub.s32 v3, v0  }
0x4f: {  	v10 =	vld [tilespmem:$0xC0];
	vm2 =	vge.s32 v4, v0;
	vm3 =	vlt.s32 v4, v1;
	v4 =	vsub.s32 v4, v0  }
0x50: {  	vm0 =	vmand vm0, vm1;
	v11 =	vsub.s32 v5, v0;
	v3 =	vld [tilespmem:$0xD0];
	vm2 =	vmand vm2, vm3  }
0x51: {  	vm3 =	vge.s32 v5, v0;
	vm1 =	vlt.s32 v6, v1;
	v4 =	vnsel vm2, $0x3100, v4  }
0x52: {  	vm4 =	vlt.s32 v5, v1;
	vm2 =	vge.s32 v6, v0;
	v6 =	vsub.s32 v6, v0;
	[tilespmem:$0x160] =	vst v4  }
0x53: {  	v9 =	vnsel vm0, $0x3100, v9;
	vm1 =	vmand vm2, vm1;
	v4 =	vsub.s32 v7, v0  }
.Ltmp0:
0x54: {  	vm2 =	vmand vm3, vm4;
	v6 =	vnsel vm1, $0x3100, v6;
	v5 =	vsub.s32 v10, v0;
	[tilespmem:$0x170] =	vst v9;
	(pc) =	sbr.rel @p1 .LBB2_2-.Ltmp0, $4  }
0x55: {  	vm0 =	vge.s32 v7, v0;
	vm3 =	vge.s32 v8, v0;
	[tilespmem:$0x100] =	vst v6;
	vm1 =	vge.s32 v3, v0  }
0x56: {  	vm5 =	vlt.s32 v8, v1;
	vm6 =	vge.s32 v10, v0;
	v6 =	vnsel vm2, $0x3100, v11  }
0x57: {  	vm7 =	vlt.s32 v10, v1;
	vm4 =	vlt.s32 v3, v1;
	[tilespmem:$0x110] =	vst v6;
	v6 =	vsub.s32 v8, v0  }
0x58: {  	vm5 =	vmand vm3, vm5;
	vm2 =	vlt.s32 v7, v1;
	vm3 =	vmand vm6, vm7  }
0x59: {  	v6 =	vnsel vm5, $0x3100, v6  }
0x5a: {  	vm1 =	vmand vm1, vm4;
	v3 =	vsub.s32 v3, v0;
	v5 =	vnsel vm3, $0x3100, v5;
	[tilespmem:$0x130] =	vst v6  }
0x5b: {  	vm0 =	vmand vm0, vm2;
	v3 =	vnsel vm1, $0x3100, v3;
	[tilespmem:$0x140] =	vst v5  }
0x5c: {  	[tilespmem:$0x150] =	vst v3;
	v3 =	vnsel vm0, $0x3100, v4  }
0x5d: {  	[tilespmem:$0x120] =	vst v3  }
0x5e: {  	[tilespmem:s15], [sflag:$0x1] =	stream.indirect.gather [hbm4b:s3+s14], $0x80, s2, s14, $0xb8;
	[tilespmem:$0x1C9C0] =	vst v63  }
0x5f: {  	_ =	swait.ge [sflag:s12], $0x4000  }
0x60: {  	[sflag:s12] =	ssyncset.done $0x0  }
0x61: {  	[sflag:s12] =	ssyncadd.s32 $0xFFFFC000  }
0x62: {  	[spmem:s1] =	stream.indirect.scatter.add.f32 [tilespmem:s15], [sflag:$0x1], $0x80, s16, s14, $0xb8;
	[tilespmem:$0x1C9C0] =	vst v63  }
0x63: {  	_ =	swait.ge [sflag:s12], $0x4000  }
0x64: {  	[sflag:s12] =	ssyncset.done $0x0  }
0x65: {  	[sflag:s12] =	ssyncadd.s32 $0xFFFFC000  }
0x66: {  	[bflag:$0x0] =	sbarrier.arrive $0xFFFF  }
0x67: {  	[hbm:s6], [sflag:s5] =	dma.local [spmem:s11], $0x3100  }
0x68: {  	_ =	swait.ge [sflag:s12], $0x3100  }
0x69: {  	[sflag:s12] =	ssyncset.done $0x0  }
0x6a: {  	[sflag:s12] =	ssyncadd.s32 $0xFFFFCF00  }
0x6b: {  	[bflag:$0x0] =	sbarrier.arrive $0xFFFF  }
0x6c: {  	[spmem:s11], [sflag:s5] =	dma.local [hbm:s4], $0x3100  }
0x6d: {  	_ =	swait.ge [sflag:s12], $0x3100  }
0x6e: {  	[sflag:s12] =	ssyncset.done $0x0  }
0x6f: {  	s18 =	simm.s32 @!p0 $0x1;
	[sflag:s12] =	ssyncadd.s32 $0xFFFFCF00  }
0x70: {  	[spmem:s13], [sflag:s5] =	dma.local @!p0 [hbm:s4], $0x80  }
0x71: {  	_ =	swait.ge @!p0 [sflag:s18], $0x80  }
0x72: {  	[sflag:s18] =	ssyncset.done @!p0 $0x0  }
0x73: {  	[sflag:s18] =	ssyncadd.s32 @!p0 $0xFFFFFF80  }
0x74: {  	s30 =	sadd.s32 $0x0, s10;
	[bflag:$0x0] =	sbarrier.arrive $0xFFFF  }
0x75: {  	[tilespmem:s2], [sflag:$0x1] =	stream.linear.gather [hbm4b:s30+s2], $0x80, $0x38;
	[tilespmem:$0x1C9C0] =	vst v63  }
0x76: {  	_ =	swait.ge [sflag:s12], $0x80  }
0x77: {  	[sflag:s12] =	ssyncset.done $0x0  }
0x78: {  	s31 =	sadd.s32 $0x0, s9;
	[sflag:s12] =	ssyncadd.s32 $0xFFFFFF80  }
0x79: {  	[tilespmem:s14], [sflag:$0x1] =	stream.linear.gather [hbm4b:s31+s2], $0x80, $0x38;
	[tilespmem:$0x1C9C0] =	vst v63  }
0x7a: {  	_ =	swait.ge [sflag:s12], $0x80  }
0x7b: {  	[sflag:s12] =	ssyncset.done $0x0  }
0x7c: {  	[sflag:s12] =	ssyncadd.s32 $0xFFFFFF80  }
0x7d: {  	v3 =	vld [tilespmem:$0xF0]  }
0x7e: {  	v4 =	vld [tilespmem:$0xE0]  }
0x7f: {  	v5 =	vld [tilespmem:$0x90]  }
0x80: {  	v8 =	vld [tilespmem:$0xB0]  }
0x81: {  	v10 =	vld [tilespmem:$0xC0]  }
0x82: {  	v6 =	vld [tilespmem:$0x80]  }
0x83: {  	vm0 =	vge.s32 v3, v1;
	vm1 =	vlt.s32 v3, v2;
	v9 =	vsub.s32 v3, v1  }
0x84: {  	v7 =	vld [tilespmem:$0xA0];
	vm2 =	vge.s32 v4, v1;
	vm3 =	vlt.s32 v4, v2;
	v4 =	vsub.s32 v4, v1  }
0x85: {  	v11 =	vsub.s32 v5, v1;
	vm4 =	vlt.s32 v5, v2;
	vm5 =	vlt.s32 v8, v2  }
0x86: {  	vm6 =	vge.s32 v10, v1;
	vm7 =	vlt.s32 v10, v2;
	vm2 =	vmand vm2, vm3  }
0x87: {  	vm0 =	vmand vm0, vm1;
	vm1 =	vlt.s32 v6, v2;
	vm3 =	vge.s32 v5, v1  }
0x88: {  	v3 =	vld [tilespmem:$0xD0];
	v5 =	vsub.s32 v10, v1;
	v12 =	vnsel vm2, $0x3100, v4;
	vm2 =	vge.s32 v6, v1  }
0x89: {  	v6 =	vsub.s32 v6, v1;
	v4 =	vsub.s32 v7, v1;
	v9 =	vnsel vm0, $0x3100, v9  }
0x8a: {  	vm0 =	vge.s32 v7, v1;
	vm1 =	vmand vm2, vm1;
	vm2 =	vmand vm3, vm4;
	[tilespmem:$0x160] =	vst v12  }
0x8b: {  	vm3 =	vge.s32 v8, v1;
	[tilespmem:$0x170] =	vst v9;
	v6 =	vnsel vm1, $0x3100, v6;
	v63 =	vnsel vm2, $0x3100, v11  }
0x8c: {  	vm2 =	vlt.s32 v7, v2;
	vm5 =	vmand vm3, vm5;
	vm3 =	vmand vm6, vm7;
	[tilespmem:$0x100] =	vst v6  }
0x8d: {  	s18 =	simm.s32 $0x10;
	vm1 =	vge.s32 v3, v1;
	v6 =	vsub.s32 v8, v1;
	vm4 =	vlt.s32 v3, v2;
	[tilespmem:$0x110] =	vst v63  }
.LBB2_4:
0x8e: {  	p1 =	sne.s32 s18, $0x1860;
	v6 =	vnsel vm5, $0x3100, v6;
	vm1 =	vmand vm1, vm4;
	v3 =	vsub.s32 v3, v1;
	s19 =	smov.u32 s18;
	s18 =	sadd.s32 $0x10, s18  }
0x8f: {  	[tilespmem:$0x130] =	vst v6;
	v3 =	vnsel vm1, $0x3100, v3  }
0x90: {  	vm0 =	vmand vm0, vm2;
	v5 =	vnsel vm3, $0x3100, v5;
	[tilespmem:$0x150] =	vst v3  }
0x91: {  	v3 =	vnsel vm0, $0x3100, v4;
	[tilespmem:$0x140] =	vst v5  }
0x92: {  	[tilespmem:$0x120] =	vst v3  }
0x93: {  	[tilespmem:s15], [sflag:$0x1] =	stream.indirect.gather [hbm4b:s3+s14], $0x80, s2, s14, $0xb8;
	[tilespmem:$0x1C9C0] =	vst v63  }
0x94: {  	_ =	swait.ge [sflag:s12], $0x4000  }
0x95: {  	[sflag:s12] =	ssyncset.done $0x0  }
0x96: {  	[sflag:s12] =	ssyncadd.s32 $0xFFFFC000  }
0x97: {  	[spmem:s1] =	stream.indirect.scatter.add.f32 [tilespmem:s15], [sflag:$0x1], $0x80, s16, s14, $0xb8;
	[tilespmem:$0x1C9C0] =	vst v63  }
0x98: {  	_ =	swait.ge [sflag:s12], $0x4000  }
0x99: {  	[sflag:s12] =	ssyncset.done $0x0  }
0x9a: {  	s20 =	sadd.s32 s19, s10;
	[sflag:s12] =	ssyncadd.s32 $0xFFFFC000  }
0x9b: {  	[tilespmem:s2], [sflag:$0x1] =	stream.linear.gather [hbm4b:s20+s2], $0x80, $0x38;
	[tilespmem:$0x1C9C0] =	vst v63  }
0x9c: {  	_ =	swait.ge [sflag:s12], $0x80  }
0x9d: {  	[sflag:s12] =	ssyncset.done $0x0  }
0x9e: {  	s19 =	sadd.s32 s19, s9;
	[sflag:s12] =	ssyncadd.s32 $0xFFFFFF80  }
0x9f: {  	[tilespmem:s14], [sflag:$0x1] =	stream.linear.gather [hbm4b:s19+s2], $0x80, $0x38;
	[tilespmem:$0x1C9C0] =	vst v63  }
0xa0: {  	_ =	swait.ge [sflag:s12], $0x80  }
0xa1: {  	[sflag:s12] =	ssyncset.done $0x0  }
0xa2: {  	[sflag:s12] =	ssyncadd.s32 $0xFFFFFF80  }
0xa3: {  	v3 =	vld [tilespmem:$0xF0]  }
0xa4: {  	v4 =	vld [tilespmem:$0xE0]  }
0xa5: {  	v5 =	vld [tilespmem:$0x90]  }
0xa6: {  	v6 =	vld [tilespmem:$0x80]  }
0xa7: {  	v7 =	vld [tilespmem:$0xA0]  }
0xa8: {  	v8 =	vld [tilespmem:$0xB0];
	vm0 =	vge.s32 v3, v1;
	vm1 =	vlt.s32 v3, v2;
	v9 =	vsub.s32 v3, v1  }
0xa9: {  	v10 =	vld [tilespmem:$0xC0];
	vm2 =	vge.s32 v4, v1;
	vm3 =	vlt.s32 v4, v2;
	v4 =	vsub.s32 v4, v1  }
0xaa: {  	vm0 =	vmand vm0, vm1;
	v11 =	vsub.s32 v5, v1;
	v3 =	vld [tilespmem:$0xD0];
	vm2 =	vmand vm2, vm3  }
0xab: {  	vm3 =	vge.s32 v5, v1;
	vm1 =	vlt.s32 v6, v2;
	v4 =	vnsel vm2, $0x3100, v4  }
0xac: {  	vm4 =	vlt.s32 v5, v2;
	vm2 =	vge.s32 v6, v1;
	v6 =	vsub.s32 v6, v1;
	[tilespmem:$0x160] =	vst v4  }
0xad: {  	v9 =	vnsel vm0, $0x3100, v9;
	vm1 =	vmand vm2, vm1;
	v4 =	vsub.s32 v7, v1  }
.Ltmp1:
0xae: {  	vm2 =	vmand vm3, vm4;
	v6 =	vnsel vm1, $0x3100, v6;
	v5 =	vsub.s32 v10, v1;
	[tilespmem:$0x170] =	vst v9;
	(pc) =	sbr.rel @p1 .LBB2_4-.Ltmp1, $4  }
0xaf: {  	vm0 =	vge.s32 v7, v1;
	vm3 =	vge.s32 v8, v1;
	[tilespmem:$0x100] =	vst v6;
	vm1 =	vge.s32 v3, v1  }
0xb0: {  	vm5 =	vlt.s32 v8, v2;
	vm6 =	vge.s32 v10, v1;
	v6 =	vnsel vm2, $0x3100, v11  }
0xb1: {  	vm7 =	vlt.s32 v10, v2;
	vm4 =	vlt.s32 v3, v2;
	[tilespmem:$0x110] =	vst v6;
	v6 =	vsub.s32 v8, v1  }
0xb2: {  	vm5 =	vmand vm3, vm5;
	vm2 =	vlt.s32 v7, v2;
	vm3 =	vmand vm6, vm7  }
0xb3: {  	v6 =	vnsel vm5, $0x3100, v6  }
0xb4: {  	vm1 =	vmand vm1, vm4;
	v3 =	vsub.s32 v3, v1;
	v5 =	vnsel vm3, $0x3100, v5;
	[tilespmem:$0x130] =	vst v6  }
0xb5: {  	vm0 =	vmand vm0, vm2;
	v3 =	vnsel vm1, $0x3100, v3;
	[tilespmem:$0x140] =	vst v5  }
0xb6: {  	[tilespmem:$0x150] =	vst v3;
	v3 =	vnsel vm0, $0x3100, v4  }
0xb7: {  	[tilespmem:$0x120] =	vst v3  }
0xb8: {  	[tilespmem:s15], [sflag:$0x1] =	stream.indirect.gather [hbm4b:s3+s14], $0x80, s2, s14, $0xb8;
	[tilespmem:$0x1C9C0] =	vst v63  }
0xb9: {  	_ =	swait.ge [sflag:s12], $0x4000  }
0xba: {  	[sflag:s12] =	ssyncset.done $0x0  }
0xbb: {  	[sflag:s12] =	ssyncadd.s32 $0xFFFFC000  }
0xbc: {  	[spmem:s1] =	stream.indirect.scatter.add.f32 [tilespmem:s15], [sflag:$0x1], $0x80, s16, s14, $0xb8;
	[tilespmem:$0x1C9C0] =	vst v63  }
0xbd: {  	_ =	swait.ge [sflag:s12], $0x4000  }
0xbe: {  	s17 =	sadd.s32 $0x1, s17;
	[sflag:s12] =	ssyncset.done $0x0  }
0xbf: {  	p1 =	sne.s32 s17, s8;
	[sflag:s12] =	ssyncadd.s32 $0xFFFFC000  }
.Ltmp2:
0xc0: {  	[bflag:$0x0] =	sbarrier.arrive $0xFFFF;
	(pc) =	sbr.rel @p1 .LBB2_1-.Ltmp2, $4  }
0xc1: {  	[hbm:s7], [sflag:s5] =	dma.local [spmem:s11], $0x3100  }
0xc2: {  	_ =	swait.ge [sflag:s12], $0x3100  }
0xc3: {  	[sflag:s12] =	ssyncset.done $0x0  }
0xc4: {  	[sflag:s12] =	ssyncadd.s32 $0xFFFFCF00  }
0xc5: {  	_ =	sfence.sel $0x180000  }
0xc6: {  	[bflag:$0x0] =	sbarrier.arrive $0xFFFF  }
0xc7: {  	_ =	strace $0x9000004D  }
0xc8: {  	s0 =	sadd.s32 @!p0 $0x100000, s0;
	[bflag:$0x2] =	sbarrier.arrive $0xFFFF  }
0xc9: {  	[sflag:s0] =	ssyncadd.tile.s32 @!p0 $0x1;
	_ =	shalt  }
.Lfunc_end2:
_tile_overlayer_lowered:
.L_overlay_start_2:
0xca: {  	(tag) =	ssettag $0x2  }
0xcb: {  	s0 =	rddreg [dreg:$0x0];
	s2 =	stileid.u32  }
0xcc: {  	s1 =	rddreg [dreg:$0x1];
	p0 =	sne.s32 s2, $0x0  }
0xcd: {  	s3 =	rddreg [dreg:$0x2];
	[bflag:$0x3] =	sbarrier.arrive $0xFFFF;
	s2 =	simm.s32 @!p0 $0x1C01  }
0xce: {  	[timem:s3], [sflag:s2] =	dma.local @!p0 [hbm:s0], s1  }
0xcf: {  	s0 =	simm.s32 @!p0 $0x1  }
0xd0: {  	_ =	swait.ge @!p0 [sflag:s0], s1  }
0xd1: {  	s1 =	ssub.s32 @!p0 $0x0, s1;
	[sflag:s0] =	ssyncset.done @!p0 $0x0  }
0xd2: {  	[sflag:s0] =	ssyncadd.s32 @!p0 s1  }
0xd3: {  	[bflag:$0x3] =	sbarrier.arrive $0xFFFF  }
0xd4: {  	_ =	shalt  }

// kernel: kernel.7.cloned.1.call-start
scs
__scs_entry_jumppad:
0x0: {  	(pc) =	sbr.rel $0x88, $3  }
0x1: {  	(tag) =	ssettag $0x0;
	lr =	simm.s32 $0x1  }
0x2: {  	[smem:$0x3F95] =	sst lr;
	_ =	strace $0xD0000000  }
0x3: {  	_ = 	snop  }
0x4: {  	_ = 	snop  }
0x5: {  	_ = 	snop  }
0x6: {  	_ = 	snop  }
0x7: {  	_ = 	snop  }
__scs_overlays_trampoline_lowered:
0x8: {  	[smem:$0x3FA4] =	sst s0  }
0x9: {  	[smem:$0x3FA5] =	sst s1  }
0xa: {  	[smem:$0x3FA6] =	sst s2  }
0xb: {  	[smem:$0x3FA7] =	sst s3  }
0xc: {  	[smem:$0x3FA8] =	sst s4  }
0xd: {  	[smem:$0x3FA9] =	sst s5  }
0xe: {  	[smem:$0x3FAA] =	sst s6  }
0xf: {  	[smem:$0x3FAB] =	sst s7  }
0x10: {  	[smem:$0x3FAC] =	sst s8  }
0x11: {  	[smem:$0x3FAD] =	sst s9;
	s0 =	simm.s32 @!p0 $0x0  }
0x12: {  	s1 =	sld [smem:$0x3F93];
	s0 =	simm.s32 @p0 $0x1  }
0x13: {  	[smem:$0x3FAE] =	sst s0;
	s0 =	simm.s32 @!p1 $0x0  }
0x14: {  	s2 =	sld [smem:$0x3F92];
	s0 =	simm.s32 @p1 $0x1  }
0x15: {  	[smem:$0x3FAF] =	sst s0;
	s0 =	simm.s32 @!p2 $0x0  }
0x16: {  	s3 =	sld [smem:$0x3FDB];
	s0 =	simm.s32 @p2 $0x1  }
0x17: {  	s4 =	simm.s32 $0x1BF5;
	[smem:$0x3FB1] =	sst s0  }
0x18: {  	s0 =	sld [smem:$0x3F94];
	_ =	swait.ge [sflag:s4], $0x0  }
0x19: {  	s7 =	sld [smem:$0x3F95]  }
0x1a: {  	s8 =	sadd.s32 $0xFFFFE003, lr  }
0x1b: {  	s9 =	sadd.s32 $0xFFFFFEF7, lr;
	s5 =	simm.s32 $0xFFFFFFFF;
	p2 =	slt.u32 s8, $0xFFFFF086  }
0x1c: {  	p1 =	slt.u32 s9, $0xF7A;
	s5 =	simm.s32 @!p2 $0x0  }
0x1d: {  	s5 =	simm.s32 @p1 $0x1;
	p0 =	seq.s32 s7, s2  }
0x1e: {  	s7 =	smul.u32 @!p0 $0xF7A, s2;
	p2 =	seq.s32 @!p0 s5, $0x0  }
0x1f: {  	s9 =	smul.u32 $0xF7A, s1;
	s8 =	simm.s32 @!p0 $0x1BF5;
	p2 =	por !p2, p0  }
0x20: {  	[sflag:s8] =	ssyncset.s32 @!p0 $0xFFFFF086;
	s6 =	sadd.s32 @!p0 s3, s7;
	s7 =	simm.s32 @!p0 $0x108  }
0x21: {  	s3 =	sadd.s32 s3, s9;
	s6 =	sadd.s32 @!p0 $0x88, s6;
	s7 =	simm.s32 @p2 $0x1082  }
0x22: {  	[simem:s7], [sflag:s8] =	dma.local @!p0 [hbm:s6], $0xF7A  }
0x23: {  	s9 =	sor.u32 $0xD0000000, s2;
	s6 =	simm.s32 $0x108;
	_ =	swait.ge @!p0 [sflag:s8], $0x0  }
0x24: {  	s3 =	sadd.s32 $0x88, s3;
	s6 =	simm.s32 @!p1 $0x1082;
	[sflag:s4] =	ssyncset.s32 $0xFFFFF086  }
0x25: {  	[simem:s6], [sflag:s4] =	dma.local [hbm:s3], $0xF7A  }
0x26: {  	[smem:$0x3F95] =	sst s1;
	(tag) =	ssettag s2;
	_ =	strace s9  }
0x27: {  	s1 =	sld [smem:$0x3FA5]  }
0x28: {  	s2 =	sld [smem:$0x3FA6]  }
0x29: {  	s4 =	sld [smem:$0x3FA8]  }
0x2a: {  	p0 =	seq.s32 s5, $0x0;
	s5 =	sld [smem:$0x3FA9]  }
0x2b: {  	s6 =	sld [smem:$0x3FAA]  }
0x2c: {  	s7 =	sld [smem:$0x3FAB]  }
0x2d: {  	s3 =	simm.s32 $0x108;
	s8 =	sld [smem:$0x3FAC]  }
0x2e: {  	s3 =	simm.s32 @!p0 $0x1082;
	s9 =	sld [smem:$0x3FAD]  }
0x2f: {  	lr =	sadd.s32 s0, s3;
	s0 =	sld [smem:$0x3FA4]  }
0x30: {  	s3 =	sld [smem:$0x3FA7]  }
0x31: {  	[smem:$0x3FB0] =	sst s10  }
0x32: {  	s10 =	sld [smem:$0x3FAE];
	_ =	sdelay $0x3  }
0x33: {  	p0 =	seq.s32 s10, $0x1;
	s10 =	sld [smem:$0x3FB0];
	_ =	sdelay $0x3  }
0x34: {  	[smem:$0x3FB0] =	sst s10  }
0x35: {  	s10 =	sld [smem:$0x3FAF];
	_ =	sdelay $0x3  }
0x36: {  	p1 =	seq.s32 s10, $0x1;
	s10 =	sld [smem:$0x3FB0];
	_ =	sdelay $0x3  }
0x37: {  	[smem:$0x3FB0] =	sst s10  }
0x38: {  	s10 =	sld [smem:$0x3FB1]  }
0x39: {  	_ = 	snop;
	(pc) =	sbr.ind lr, $3  }
0x3a: {  	_ = 	snop  }
0x3b: {  	_ = 	snop  }
0x3c: {  	p2 =	seq.s32 s10, $0x1;
	s10 =	sld [smem:$0x3FB0]  }
0x3d: {  	_ =	shalt  }
0x3e: {  	_ =	shalt  }
0x3f: {  	_ =	shalt  }
0x40: {  	_ =	shalt  }
0x41: {  	_ =	shalt  }
0x42: {  	_ =	shalt  }
0x43: {  	_ =	shalt  }
0x44: {  	_ =	shalt  }
0x45: {  	_ =	shalt  }
0x46: {  	_ =	shalt  }
0x47: {  	_ =	shalt  }
0x48: {  	_ =	shalt  }
0x49: {  	_ =	shalt  }
0x4a: {  	_ =	shalt  }
0x4b: {  	_ =	shalt  }
0x4c: {  	_ =	shalt  }
0x4d: {  	_ =	shalt  }
0x4e: {  	_ =	shalt  }
0x4f: {  	_ =	shalt  }
0x50: {  	_ =	shalt  }
0x51: {  	_ =	shalt  }
0x52: {  	_ =	shalt  }
0x53: {  	_ =	shalt  }
0x54: {  	_ =	shalt  }
0x55: {  	_ =	shalt  }
0x56: {  	_ =	shalt  }
0x57: {  	_ =	shalt  }
0x58: {  	_ =	shalt  }
0x59: {  	_ =	shalt  }
0x5a: {  	_ =	shalt  }
0x5b: {  	_ =	shalt  }
0x5c: {  	_ =	shalt  }
0x5d: {  	_ =	shalt  }
0x5e: {  	_ =	shalt  }
0x5f: {  	_ =	shalt  }
0x60: {  	_ =	shalt  }
0x61: {  	_ =	shalt  }
0x62: {  	_ =	shalt  }
0x63: {  	_ =	shalt  }
0x64: {  	_ =	shalt  }
0x65: {  	_ =	shalt  }
0x66: {  	_ =	shalt  }
0x67: {  	_ =	shalt  }
0x68: {  	_ =	shalt  }
0x69: {  	_ =	shalt  }
0x6a: {  	_ =	shalt  }
0x6b: {  	_ =	shalt  }
0x6c: {  	_ =	shalt  }
0x6d: {  	_ =	shalt  }
0x6e: {  	_ =	shalt  }
0x6f: {  	_ =	shalt  }
0x70: {  	_ =	shalt  }
0x71: {  	_ =	shalt  }
0x72: {  	_ =	shalt  }
0x73: {  	_ =	shalt  }
0x74: {  	_ =	shalt  }
0x75: {  	_ =	shalt  }
0x76: {  	_ =	shalt  }
0x77: {  	_ =	shalt  }
0x78: {  	_ =	shalt  }
0x79: {  	_ =	shalt  }
0x7a: {  	_ =	shalt  }
0x7b: {  	_ =	shalt  }
0x7c: {  	_ =	shalt  }
0x7d: {  	_ =	shalt  }
0x7e: {  	_ =	shalt  }
0x7f: {  	_ =	shalt  }
0x80: {  	_ =	shalt  }
0x81: {  	_ =	shalt  }
0x82: {  	_ =	shalt  }
0x83: {  	_ =	shalt  }
0x84: {  	_ =	shalt  }
0x85: {  	_ =	shalt  }
0x86: {  	_ =	shalt  }
0x87: {  	_ =	shalt  }
.Lfunc_end0:
.L_simem_size_0:
called_computation_lowered:
.L_overlay_start_0:
0x88: {  	s2 =	sld [smem:$0x3FD9]  }
0x89: {  	s3 =	sld [smem:$0x3FFE];
	_ =	sdelay $0x1  }
0x8a: {  	s1 =	srdreg.scid  }
0x8b: {  	s0 =	sand.u32 $0x1, s1  }
0x8c: {  	s16 =	sshll.u32 s0, $0xA;
	s2 =	sadd.s32 s3, s2  }
0x8d: {  	s2 =	sadd.s32 s2, s16  }
0x8e: {  	[smem:$0x3FBC] =	sst s2  }
0x8f: {  	_ = 	snop  }
0x90: {  	(tm) =	ssettm $0x1  }
0x91: {  	s17 =	sld [smem:$0x3FFB];
	_ =	sdelay $0x3  }
0x92: {  	_ =	strace s17  }
0x93: {  	s2 =	sld [smem:$0x3FFC];
	_ =	sdelay $0x3  }
0x94: {  	_ =	strace s2  }
0x95: {  	s2 =	sld [smem:$0x3FFD];
	_ =	sdelay $0x3  }
0x96: {  	_ =	strace s2  }
0x97: {  	_ =	strace $0x8FFFFFFF  }
0x98: {  	s18 =	sld [smem:$0x3FDB];
	_ =	sdelay $0x1  }
0x99: {  	s19 =	simm.s32 $_scs_section_size  }
0x9a: {  	s4 =	simm.s32 $_size__tile_overlayer_lowered;
	s5 =	simm.s32 $_tile_overlayer_lowered  }
0x9b: {  	s22 =	simm.s32 $0x1BFF;
	s21 =	sshll.u32 s5, $0x1;
	s2 =	sadd.s32 s19, s18  }
0x9c: {  	s6 =	simm.s32 $0x0;
	s20 =	sshll.u32 s4, $0x1;
	s4 =	sadd.s32 s21, s2  }
0x9d: {  	[timem:s6], [sflag:s22] =	dma.local [hbm:s4], s20  }
0x9e: {  	_ =	swait.ge [sflag:s22], s20  }
0x9f: {  	s3 =	ssub.s32 $0x0, s20;
	[sflag:s22] =	ssyncset.done $0x0  }
0xa0: {  	[sflag:s22] =	ssyncadd.s32 s3;
	_ =	sdelay $0x1  }
0xa1: {  	s23 =	simm.s32 $0x1B8B  }
0xa2: {  	_ =	swait.ge [sflag:s23], $0x1  }
0xa3: {  	[sflag:s23] =	ssyncset.done $0x0  }
0xa4: {  	s25 =	simm.s32 $0x1B8E;
	s24 =	sld [smem:$0x3FFE];
	[sflag:s23] =	ssyncadd.s32 $0xFFFFFFFF  }
0xa5: {  	s26 =	simm.s32 $execute0_lowered;
	[smem:$0x3FD2] =	sst s25  }
0xa6: {  	s4 =	sshll.u32 s26, $0x1;
	_ =	strace $0x80000046;
	[dreg:$0x1] =	wrdreg $0xFFFFFFFF  }
0xa7: {  	s28 =	simm.s32 $_size_execute0_lowered;
	s2 =	sadd.s32 s2, s4;
	[dreg:$0x0] =	wrdreg $0x0  }
0xa8: {  	s4 =	sshll.u32 s28, $0x1;
	[dreg:$0x2] =	wrdreg s2  }
0xa9: {  	[dreg:$0x3] =	wrdreg s4  }
0xaa: {  	[dreg:$0x4] =	wrdreg $0xC0  }
0xab: {  	_ =	task [dreg:s6], $0x5FFFF  }
0xac: {  	[dreg:$0x1] =	wrdreg $0xFFFFFFFF  }
0xad: {  	[dreg:$0x0] =	wrdreg $0x60  }
0xae: {  	[dreg:$0x2] =	wrdreg s24  }
0xaf: {  	[dreg:$0x3] =	wrdreg $0x9  }
0xb0: {  	_ =	task.clear_ibuf [dreg:s6], $0x4FFFF;
	_ =	strace $0x90000046  }
0xb1: {  	s29 =	simm.s32 $0x9;
	_ =	strace $0x80000048  }
0xb2: {  	_ =	swait.ge [sflag:s29], $0x1  }
0xb3: {  	[sflag:s29] =	ssyncadd.s32 $0xFFFFFFFF  }
0xb4: {  	_ =	strace $0x90000048  }
0xb5: {  	_ =	sfence  }
0xb6: {  	s30 =	sld [smem:$0x0];
	_ =	sdelay $0x2  }
0xb7: {  	s31 =	sshll.u32 s1, $0xD;
	s1 =	sshrl.u32 s1, $0x2  }
0xb8: {  	s3 =	sand.u32 $0x4000, s31;
	s1 =	sadd.s32 s1, s30  }
0xb9: {  	s0 =	sor.u32 s3, s0;
	s1 =	sshll.u32 s1, $0x11  }
0xba: {  	s0 =	sor.u32 s1, s0  }
0xbb: {  	s0 =	sadd.s32 $0x8F2B, s0  }
0xbc: {  	[sflag:s0] =	ssyncadd.remote.s32 $0x1  }
0xbd: {  	_ =	sfence.sel $0xFFFF  }
0xbe: {  	[dreg:$0x0] =	wrdreg $0xFFFFFFFF;
	(pc) =	sbr.abs _section_cstart, $3  }
0xbf: {  	[dreg:$0x1] =	wrdreg $0xFFFFFFFF  }
0xc0: {  	_ =	task.clear_ibuf [dreg:s6], $0x2FFFF;
	_ =	strace $0x9FFFFFFF  }
0xc1: {  	(tm) =	ssettm $0x7FFFFFFF  }
tec
execute0_lowered:
.L_overlay_start_1:
0x0: {  	(tag) =	ssettag $0x1  }
0x1: {  	s1 =	srdreg.scid;
	s0 =	stileid.u32  }
0x2: {  	s1 =	sand.u32 $0x1, s1;
	s2 =	sshll.u32 s0, $0x1  }
0x3: {  	s3 =	sor.u32 s1, s2  }
0x4: {  	s5 =	smul.u32 $0xC4, s3  }
0x5: {  	s6 =	smul.u32 $0x31000, s3  }
0x6: {  	s4 =	rddreg [dreg:$0x0];
	s2 =	simm.s32 $0x0;
	s3 =	smul.u32 $0x6200, s3  }
0x7: {  	s7 =	sadd.s32 $0x2000, s4;
	[smem:$0x7FF] =	sst s2  }
0x8: {  	_ =	strace $0x80000047;
	s5 =	sadd.s32 s5, s4;
	s3 =	sadd.s32 s7, s3  }
0x9: {  	s22 =	sshrl.u32 s6, $0x3;
	s5 =	sadd.s32 $0x188A00, s5;
	[dreg:$0x3] =	wrdreg s3  }
0xa: {  	s31 =	sadd.s32 s7, s22;
	[dreg:$0x2] =	wrdreg s5  }
0xb: {  	s24 =	sadd.s32 $0x700, s31;
	s23 =	rddreg [dreg:$0x2]  }
0xc: {  	s3 =	simm.s32 $0x1;
	[dreg:$0x4] =	wrdreg s24  }
0xd: {  	[tilespmem:s2], [sflag:$0x1] =	stream.linear.gather [hbm4b:s23+s2], $0x620, $0x38;
	[tilespmem:$0x3E80] =	vst v63  }
0xe: {  	_ =	swait.ge [sflag:s3], $0x620  }
0xf: {  	s4 =	sadd.s32 $0x18A400, s4;
	[sflag:s3] =	ssyncset.done $0x0  }
0x10: {  	s6 =	simm.s32 $0x680;
	s5 =	simm.s32 $0x70;
	[sflag:s3] =	ssyncadd.s32 $0xFFFFF9E0  }
0x11: {  	[tilespmem:s6], [sflag:$0x1] =	stream.indirect.gather [hbm4b:s4+s5], $0x80, s2, s5, $0xb8;
	[tilespmem:$0x3E80] =	vst v63  }
0x12: {  	_ =	swait.ge [sflag:s3], $0x3800  }
0x13: {  	[sflag:s3] =	ssyncset.done $0x0  }
0x14: {  	s25 =	rddreg [dreg:$0x3];
	[sflag:s3] =	ssyncadd.s32 $0xFFFFC800  }
0x15: {  	[hbm4b:s25+s2] =	stream.linear.scatter [tilespmem:s6], [sflag:$0x1], $0x3800, $0x38;
	[tilespmem:$0x3E80] =	vst v63  }
0x16: {  	_ =	swait.ge [sflag:s3], $0x3800  }
0x17: {  	[sflag:s3] =	ssyncset.done $0x0  }
0x18: {  	[sflag:s3] =	ssyncadd.s32 $0xFFFFC800  }
0x19: {  	[tilespmem:s6], [sflag:$0x1] =	stream.indirect.gather [hbm4b:s4+s5], $0x80, s5, s5, $0xb8;
	[tilespmem:$0x3E80] =	vst v63  }
0x1a: {  	_ =	swait.ge [sflag:s3], $0x3800  }
0x1b: {  	[sflag:s3] =	ssyncset.done $0x0  }
0x1c: {  	s26 =	rddreg [dreg:$0x4];
	[sflag:s3] =	ssyncadd.s32 $0xFFFFC800  }
0x1d: {  	[hbm4b:s26+s2] =	stream.linear.scatter [tilespmem:s6], [sflag:$0x1], $0x3800, $0x38;
	[tilespmem:$0x3E80] =	vst v63  }
0x1e: {  	_ =	swait.ge [sflag:s3], $0x3800  }
0x1f: {  	[sflag:s3] =	ssyncset.done $0x0  }
0x20: {  	s7 =	simm.s32 $0xE0;
	[sflag:s3] =	ssyncadd.s32 $0xFFFFC800  }
0x21: {  	[tilespmem:s6], [sflag:$0x1] =	stream.indirect.gather [hbm4b:s4+s5], $0x80, s7, s5, $0xb8;
	[tilespmem:$0x3E80] =	vst v63  }
0x22: {  	_ =	swait.ge [sflag:s3], $0x3800  }
0x23: {  	[sflag:s3] =	ssyncset.done $0x0  }
0x24: {  	s8 =	sadd.s32 $0xE00, s31;
	[sflag:s3] =	ssyncadd.s32 $0xFFFFC800  }
0x25: {  	[hbm4b:s8+s2] =	stream.linear.scatter [tilespmem:s6], [sflag:$0x1], $0x3800, $0x38;
	[tilespmem:$0x3E80] =	vst v63  }
0x26: {  	_ =	swait.ge [sflag:s3], $0x3800  }
0x27: {  	[sflag:s3] =	ssyncset.done $0x0  }
0x28: {  	s9 =	simm.s32 $0x150;
	[sflag:s3] =	ssyncadd.s32 $0xFFFFC800  }
0x29: {  	[tilespmem:s6], [sflag:$0x1] =	stream.indirect.gather [hbm4b:s4+s5], $0x80, s9, s5, $0xb8;
	[tilespmem:$0x3E80] =	vst v63  }
0x2a: {  	_ =	swait.ge [sflag:s3], $0x3800  }
0x2b: {  	[sflag:s3] =	ssyncset.done $0x0  }
0x2c: {  	s10 =	sadd.s32 $0x1500, s31;
	[sflag:s3] =	ssyncadd.s32 $0xFFFFC800  }
0x2d: {  	[hbm4b:s10+s2] =	stream.linear.scatter [tilespmem:s6], [sflag:$0x1], $0x3800, $0x38;
	[tilespmem:$0x3E80] =	vst v63  }
0x2e: {  	_ =	swait.ge [sflag:s3], $0x3800  }
0x2f: {  	[sflag:s3] =	ssyncset.done $0x0  }
0x30: {  	s11 =	simm.s32 $0x1C0;
	[sflag:s3] =	ssyncadd.s32 $0xFFFFC800  }
0x31: {  	[tilespmem:s6], [sflag:$0x1] =	stream.indirect.gather [hbm4b:s4+s5], $0x80, s11, s5, $0xb8;
	[tilespmem:$0x3E80] =	vst v63  }
0x32: {  	_ =	swait.ge [sflag:s3], $0x3800  }
0x33: {  	[sflag:s3] =	ssyncset.done $0x0  }
0x34: {  	s12 =	sadd.s32 $0x1C00, s31;
	[sflag:s3] =	ssyncadd.s32 $0xFFFFC800  }
0x35: {  	[hbm4b:s12+s2] =	stream.linear.scatter [tilespmem:s6], [sflag:$0x1], $0x3800, $0x38;
	[tilespmem:$0x3E80] =	vst v63  }
0x36: {  	_ =	swait.ge [sflag:s3], $0x3800  }
0x37: {  	[sflag:s3] =	ssyncset.done $0x0  }
0x38: {  	s13 =	simm.s32 $0x230;
	[sflag:s3] =	ssyncadd.s32 $0xFFFFC800  }
0x39: {  	[tilespmem:s6], [sflag:$0x1] =	stream.indirect.gather [hbm4b:s4+s5], $0x80, s13, s5, $0xb8;
	[tilespmem:$0x3E80] =	vst v63  }
0x3a: {  	_ =	swait.ge [sflag:s3], $0x3800  }
0x3b: {  	[sflag:s3] =	ssyncset.done $0x0  }
0x3c: {  	s14 =	sadd.s32 $0x2300, s31;
	[sflag:s3] =	ssyncadd.s32 $0xFFFFC800  }
0x3d: {  	[hbm4b:s14+s2] =	stream.linear.scatter [tilespmem:s6], [sflag:$0x1], $0x3800, $0x38;
	[tilespmem:$0x3E80] =	vst v63  }
0x3e: {  	_ =	swait.ge [sflag:s3], $0x3800  }
0x3f: {  	[sflag:s3] =	ssyncset.done $0x0  }
0x40: {  	s15 =	simm.s32 $0x2A0;
	[sflag:s3] =	ssyncadd.s32 $0xFFFFC800  }
0x41: {  	[tilespmem:s6], [sflag:$0x1] =	stream.indirect.gather [hbm4b:s4+s5], $0x80, s15, s5, $0xb8;
	[tilespmem:$0x3E80] =	vst v63  }
0x42: {  	_ =	swait.ge [sflag:s3], $0x3800  }
0x43: {  	[sflag:s3] =	ssyncset.done $0x0  }
0x44: {  	s16 =	sadd.s32 $0x2A00, s31;
	[sflag:s3] =	ssyncadd.s32 $0xFFFFC800  }
0x45: {  	[hbm4b:s16+s2] =	stream.linear.scatter [tilespmem:s6], [sflag:$0x1], $0x3800, $0x38;
	[tilespmem:$0x3E80] =	vst v63  }
0x46: {  	_ =	swait.ge [sflag:s3], $0x3800  }
0x47: {  	[sflag:s3] =	ssyncset.done $0x0  }
0x48: {  	s17 =	simm.s32 $0x310;
	[sflag:s3] =	ssyncadd.s32 $0xFFFFC800  }
0x49: {  	[tilespmem:s6], [sflag:$0x1] =	stream.indirect.gather [hbm4b:s4+s5], $0x80, s17, s5, $0xb8;
	[tilespmem:$0x3E80] =	vst v63  }
0x4a: {  	_ =	swait.ge [sflag:s3], $0x3800  }
0x4b: {  	[sflag:s3] =	ssyncset.done $0x0  }
0x4c: {  	s18 =	sadd.s32 $0x3100, s31;
	[sflag:s3] =	ssyncadd.s32 $0xFFFFC800  }
0x4d: {  	[hbm4b:s18+s2] =	stream.linear.scatter [tilespmem:s6], [sflag:$0x1], $0x3800, $0x38;
	[tilespmem:$0x3E80] =	vst v63  }
0x4e: {  	_ =	swait.ge [sflag:s3], $0x3800  }
0x4f: {  	[sflag:s3] =	ssyncset.done $0x0  }
0x50: {  	s19 =	simm.s32 $0x380;
	[sflag:s3] =	ssyncadd.s32 $0xFFFFC800  }
0x51: {  	[tilespmem:s6], [sflag:$0x1] =	stream.indirect.gather [hbm4b:s4+s5], $0x80, s19, s5, $0xb8;
	[tilespmem:$0x3E80] =	vst v63  }
0x52: {  	_ =	swait.ge [sflag:s3], $0x3800  }
0x53: {  	[sflag:s3] =	ssyncset.done $0x0  }
0x54: {  	s20 =	sadd.s32 $0x3800, s31;
	[sflag:s3] =	ssyncadd.s32 $0xFFFFC800  }
0x55: {  	[hbm4b:s20+s2] =	stream.linear.scatter [tilespmem:s6], [sflag:$0x1], $0x3800, $0x38;
	[tilespmem:$0x3E80] =	vst v63  }
0x56: {  	_ =	swait.ge [sflag:s3], $0x3800  }
0x57: {  	[sflag:s3] =	ssyncset.done $0x0  }
0x58: {  	s21 =	simm.s32 $0x3F0;
	[sflag:s3] =	ssyncadd.s32 $0xFFFFC800  }
0x59: {  	[tilespmem:s6], [sflag:$0x1] =	stream.indirect.gather [hbm4b:s4+s5], $0x80, s21, s5, $0xb8;
	[tilespmem:$0x3E80] =	vst v63  }
0x5a: {  	_ =	swait.ge [sflag:s3], $0x3800  }
0x5b: {  	[sflag:s3] =	ssyncset.done $0x0  }
0x5c: {  	s22 =	sadd.s32 $0x3F00, s31;
	[sflag:s3] =	ssyncadd.s32 $0xFFFFC800  }
0x5d: {  	[hbm4b:s22+s2] =	stream.linear.scatter [tilespmem:s6], [sflag:$0x1], $0x3800, $0x38;
	[tilespmem:$0x3E80] =	vst v63  }
0x5e: {  	_ =	swait.ge [sflag:s3], $0x3800  }
0x5f: {  	[sflag:s3] =	ssyncset.done $0x0  }
0x60: {  	s23 =	simm.s32 $0x460;
	[sflag:s3] =	ssyncadd.s32 $0xFFFFC800  }
0x61: {  	[tilespmem:s6], [sflag:$0x1] =	stream.indirect.gather [hbm4b:s4+s5], $0x80, s23, s5, $0xb8;
	[tilespmem:$0x3E80] =	vst v63  }
0x62: {  	_ =	swait.ge [sflag:s3], $0x3800  }
0x63: {  	[sflag:s3] =	ssyncset.done $0x0  }
0x64: {  	s24 =	sadd.s32 $0x4600, s31;
	[sflag:s3] =	ssyncadd.s32 $0xFFFFC800  }
0x65: {  	[hbm4b:s24+s2] =	stream.linear.scatter [tilespmem:s6], [sflag:$0x1], $0x3800, $0x38;
	[tilespmem:$0x3E80] =	vst v63  }
0x66: {  	_ =	swait.ge [sflag:s3], $0x3800  }
0x67: {  	[sflag:s3] =	ssyncset.done $0x0  }
0x68: {  	s25 =	simm.s32 $0x4D0;
	[sflag:s3] =	ssyncadd.s32 $0xFFFFC800  }
0x69: {  	[tilespmem:s6], [sflag:$0x1] =	stream.indirect.gather [hbm4b:s4+s5], $0x80, s25, s5, $0xb8;
	[tilespmem:$0x3E80] =	vst v63  }
0x6a: {  	_ =	swait.ge [sflag:s3], $0x3800  }
0x6b: {  	[sflag:s3] =	ssyncset.done $0x0  }
0x6c: {  	s26 =	sadd.s32 $0x4D00, s31;
	[sflag:s3] =	ssyncadd.s32 $0xFFFFC800  }
0x6d: {  	[hbm4b:s26+s2] =	stream.linear.scatter [tilespmem:s6], [sflag:$0x1], $0x3800, $0x38;
	[tilespmem:$0x3E80] =	vst v63  }
0x6e: {  	_ =	swait.ge [sflag:s3], $0x3800  }
0x6f: {  	[sflag:s3] =	ssyncset.done $0x0  }
0x70: {  	s28 =	simm.s32 $0x540;
	[sflag:s3] =	ssyncadd.s32 $0xFFFFC800  }
0x71: {  	[tilespmem:s6], [sflag:$0x1] =	stream.indirect.gather [hbm4b:s4+s5], $0x80, s28, s5, $0xb8;
	[tilespmem:$0x3E80] =	vst v63  }
0x72: {  	_ =	swait.ge [sflag:s3], $0x3800  }
0x73: {  	s1 =	ssub.s32 $0x2, s1;
	[sflag:s3] =	ssyncset.done $0x0  }
0x74: {  	s0 =	sshrl.u32 s1, $0x1;
	s29 =	sadd.s32 $0x5400, s31;
	[sflag:s3] =	ssyncadd.s32 $0xFFFFC800  }
0x75: {  	[hbm4b:s29+s2] =	stream.linear.scatter [tilespmem:s6], [sflag:$0x1], $0x3800, $0x38;
	[tilespmem:$0x3E80] =	vst v63  }
0x76: {  	s0 =	ssub.s32 s1, s0;
	_ =	swait.ge [sflag:s3], $0x3800  }
0x77: {  	s0 =	smax.u32 s0, $0x1;
	[sflag:s3] =	ssyncset.done $0x0  }
0x78: {  	s30 =	simm.s32 $0x5B0;
	p0 =	sne.s32 s0, $0x1;
	[sflag:s3] =	ssyncadd.s32 $0xFFFFC800  }
0x79: {  	[tilespmem:s6], [sflag:$0x1] =	stream.indirect.gather [hbm4b:s4+s5], $0x80, s30, s5, $0xb8;
	[tilespmem:$0x3E80] =	vst v63  }
.Ltmp0:
0x7a: {  	_ =	swait.ge [sflag:s3], $0x3800;
	(pc) =	sbr.rel @!p0 .LBB2_2-.Ltmp0, $4  }
0x7b: {  	[sflag:s3] =	ssyncset.done $0x0  }
0x7c: {  	s31 =	sadd.s32 $0x5B00, s31;
	[sflag:s3] =	ssyncadd.s32 $0xFFFFC800  }
0x7d: {  	[hbm4b:s31+s2] =	stream.linear.scatter [tilespmem:s6], [sflag:$0x1], $0x3800, $0x38;
	[tilespmem:$0x3E80] =	vst v63  }
0x7e: {  	s1 =	sadd.s32 $0xFFFFFFFF, s0;
	_ =	swait.ge [sflag:s3], $0x3800  }
.LBB2_1:
0x7f: {  	[sflag:s3] =	ssyncset.done $0x0  }
0x80: {  	s0 =	rddreg [dreg:$0x2];
	[sflag:s3] =	ssyncadd.s32 $0xFFFFC800  }
0x81: {  	[tilespmem:s2], [sflag:$0x1] =	stream.linear.gather [hbm4b:s0+s2], $0x620, $0x38;
	[tilespmem:$0x3E80] =	vst v63  }
0x82: {  	_ =	swait.ge [sflag:s3], $0x620  }
0x83: {  	[sflag:s3] =	ssyncset.done $0x0  }
0x84: {  	[sflag:s3] =	ssyncadd.s32 $0xFFFFF9E0  }
0x85: {  	[tilespmem:s6], [sflag:$0x1] =	stream.indirect.gather [hbm4b:s4+s5], $0x80, s2, s5, $0xb8;
	[tilespmem:$0x3E80] =	vst v63  }
0x86: {  	_ =	swait.ge [sflag:s3], $0x3800  }
0x87: {  	[sflag:s3] =	ssyncset.done $0x0  }
0x88: {  	s0 =	rddreg [dreg:$0x3];
	[sflag:s3] =	ssyncadd.s32 $0xFFFFC800  }
0x89: {  	[hbm4b:s0+s2] =	stream.linear.scatter [tilespmem:s6], [sflag:$0x1], $0x3800, $0x38;
	[tilespmem:$0x3E80] =	vst v63  }
0x8a: {  	_ =	swait.ge [sflag:s3], $0x3800  }
0x8b: {  	[sflag:s3] =	ssyncset.done $0x0  }
0x8c: {  	[sflag:s3] =	ssyncadd.s32 $0xFFFFC800  }
0x8d: {  	[tilespmem:s6], [sflag:$0x1] =	stream.indirect.gather [hbm4b:s4+s5], $0x80, s5, s5, $0xb8;
	[tilespmem:$0x3E80] =	vst v63  }
0x8e: {  	_ =	swait.ge [sflag:s3], $0x3800  }
0x8f: {  	[sflag:s3] =	ssyncset.done $0x0  }
0x90: {  	s0 =	rddreg [dreg:$0x4];
	[sflag:s3] =	ssyncadd.s32 $0xFFFFC800  }
0x91: {  	[hbm4b:s0+s2] =	stream.linear.scatter [tilespmem:s6], [sflag:$0x1], $0x3800, $0x38;
	[tilespmem:$0x3E80] =	vst v63  }
0x92: {  	_ =	swait.ge [sflag:s3], $0x3800  }
0x93: {  	[sflag:s3] =	ssyncset.done $0x0  }
0x94: {  	[sflag:s3] =	ssyncadd.s32 $0xFFFFC800  }
0x95: {  	[tilespmem:s6], [sflag:$0x1] =	stream.indirect.gather [hbm4b:s4+s5], $0x80, s7, s5, $0xb8;
	[tilespmem:$0x3E80] =	vst v63  }
0x96: {  	_ =	swait.ge [sflag:s3], $0x3800  }
0x97: {  	[sflag:s3] =	ssyncset.done $0x0  }
0x98: {  	[sflag:s3] =	ssyncadd.s32 $0xFFFFC800  }
0x99: {  	[hbm4b:s8+s2] =	stream.linear.scatter [tilespmem:s6], [sflag:$0x1], $0x3800, $0x38;
	[tilespmem:$0x3E80] =	vst v63  }
0x9a: {  	_ =	swait.ge [sflag:s3], $0x3800  }
0x9b: {  	[sflag:s3] =	ssyncset.done $0x0  }
0x9c: {  	[sflag:s3] =	ssyncadd.s32 $0xFFFFC800  }
0x9d: {  	[tilespmem:s6], [sflag:$0x1] =	stream.indirect.gather [hbm4b:s4+s5], $0x80, s9, s5, $0xb8;
	[tilespmem:$0x3E80] =	vst v63  }
0x9e: {  	_ =	swait.ge [sflag:s3], $0x3800  }
0x9f: {  	[sflag:s3] =	ssyncset.done $0x0  }
0xa0: {  	[sflag:s3] =	ssyncadd.s32 $0xFFFFC800  }
0xa1: {  	[hbm4b:s10+s2] =	stream.linear.scatter [tilespmem:s6], [sflag:$0x1], $0x3800, $0x38;
	[tilespmem:$0x3E80] =	vst v63  }
0xa2: {  	_ =	swait.ge [sflag:s3], $0x3800  }
0xa3: {  	[sflag:s3] =	ssyncset.done $0x0  }
0xa4: {  	[sflag:s3] =	ssyncadd.s32 $0xFFFFC800  }
0xa5: {  	[tilespmem:s6], [sflag:$0x1] =	stream.indirect.gather [hbm4b:s4+s5], $0x80, s11, s5, $0xb8;
	[tilespmem:$0x3E80] =	vst v63  }
0xa6: {  	_ =	swait.ge [sflag:s3], $0x3800  }
0xa7: {  	[sflag:s3] =	ssyncset.done $0x0  }
0xa8: {  	[sflag:s3] =	ssyncadd.s32 $0xFFFFC800  }
0xa9: {  	[hbm4b:s12+s2] =	stream.linear.scatter [tilespmem:s6], [sflag:$0x1], $0x3800, $0x38;
	[tilespmem:$0x3E80] =	vst v63  }
0xaa: {  	_ =	swait.ge [sflag:s3], $0x3800  }
0xab: {  	[sflag:s3] =	ssyncset.done $0x0  }
0xac: {  	[sflag:s3] =	ssyncadd.s32 $0xFFFFC800  }
0xad: {  	[tilespmem:s6], [sflag:$0x1] =	stream.indirect.gather [hbm4b:s4+s5], $0x80, s13, s5, $0xb8;
	[tilespmem:$0x3E80] =	vst v63  }
0xae: {  	_ =	swait.ge [sflag:s3], $0x3800  }
0xaf: {  	[sflag:s3] =	ssyncset.done $0x0  }
0xb0: {  	[sflag:s3] =	ssyncadd.s32 $0xFFFFC800  }
0xb1: {  	[hbm4b:s14+s2] =	stream.linear.scatter [tilespmem:s6], [sflag:$0x1], $0x3800, $0x38;
	[tilespmem:$0x3E80] =	vst v63  }
0xb2: {  	_ =	swait.ge [sflag:s3], $0x3800  }
0xb3: {  	[sflag:s3] =	ssyncset.done $0x0  }
0xb4: {  	[sflag:s3] =	ssyncadd.s32 $0xFFFFC800  }
0xb5: {  	[tilespmem:s6], [sflag:$0x1] =	stream.indirect.gather [hbm4b:s4+s5], $0x80, s15, s5, $0xb8;
	[tilespmem:$0x3E80] =	vst v63  }
0xb6: {  	_ =	swait.ge [sflag:s3], $0x3800  }
0xb7: {  	[sflag:s3] =	ssyncset.done $0x0  }
0xb8: {  	[sflag:s3] =	ssyncadd.s32 $0xFFFFC800  }
0xb9: {  	[hbm4b:s16+s2] =	stream.linear.scatter [tilespmem:s6], [sflag:$0x1], $0x3800, $0x38;
	[tilespmem:$0x3E80] =	vst v63  }
0xba: {  	_ =	swait.ge [sflag:s3], $0x3800  }
0xbb: {  	[sflag:s3] =	ssyncset.done $0x0  }
0xbc: {  	[sflag:s3] =	ssyncadd.s32 $0xFFFFC800  }
0xbd: {  	[tilespmem:s6], [sflag:$0x1] =	stream.indirect.gather [hbm4b:s4+s5], $0x80, s17, s5, $0xb8;
	[tilespmem:$0x3E80] =	vst v63  }
0xbe: {  	_ =	swait.ge [sflag:s3], $0x3800  }
0xbf: {  	[sflag:s3] =	ssyncset.done $0x0  }
0xc0: {  	[sflag:s3] =	ssyncadd.s32 $0xFFFFC800  }
0xc1: {  	[hbm4b:s18+s2] =	stream.linear.scatter [tilespmem:s6], [sflag:$0x1], $0x3800, $0x38;
	[tilespmem:$0x3E80] =	vst v63  }
0xc2: {  	_ =	swait.ge [sflag:s3], $0x3800  }
0xc3: {  	[sflag:s3] =	ssyncset.done $0x0  }
0xc4: {  	[sflag:s3] =	ssyncadd.s32 $0xFFFFC800  }
0xc5: {  	[tilespmem:s6], [sflag:$0x1] =	stream.indirect.gather [hbm4b:s4+s5], $0x80, s19, s5, $0xb8;
	[tilespmem:$0x3E80] =	vst v63  }
0xc6: {  	_ =	swait.ge [sflag:s3], $0x3800  }
0xc7: {  	[sflag:s3] =	ssyncset.done $0x0  }
0xc8: {  	[sflag:s3] =	ssyncadd.s32 $0xFFFFC800  }
0xc9: {  	[hbm4b:s20+s2] =	stream.linear.scatter [tilespmem:s6], [sflag:$0x1], $0x3800, $0x38;
	[tilespmem:$0x3E80] =	vst v63  }
0xca: {  	_ =	swait.ge [sflag:s3], $0x3800  }
0xcb: {  	[sflag:s3] =	ssyncset.done $0x0  }
0xcc: {  	[sflag:s3] =	ssyncadd.s32 $0xFFFFC800  }
0xcd: {  	[tilespmem:s6], [sflag:$0x1] =	stream.indirect.gather [hbm4b:s4+s5], $0x80, s21, s5, $0xb8;
	[tilespmem:$0x3E80] =	vst v63  }
0xce: {  	_ =	swait.ge [sflag:s3], $0x3800  }
0xcf: {  	[sflag:s3] =	ssyncset.done $0x0  }
0xd0: {  	[sflag:s3] =	ssyncadd.s32 $0xFFFFC800  }
0xd1: {  	[hbm4b:s22+s2] =	stream.linear.scatter [tilespmem:s6], [sflag:$0x1], $0x3800, $0x38;
	[tilespmem:$0x3E80] =	vst v63  }
0xd2: {  	_ =	swait.ge [sflag:s3], $0x3800  }
0xd3: {  	[sflag:s3] =	ssyncset.done $0x0  }
0xd4: {  	[sflag:s3] =	ssyncadd.s32 $0xFFFFC800  }
0xd5: {  	[tilespmem:s6], [sflag:$0x1] =	stream.indirect.gather [hbm4b:s4+s5], $0x80, s23, s5, $0xb8;
	[tilespmem:$0x3E80] =	vst v63  }
0xd6: {  	_ =	swait.ge [sflag:s3], $0x3800  }
0xd7: {  	[sflag:s3] =	ssyncset.done $0x0  }
0xd8: {  	[sflag:s3] =	ssyncadd.s32 $0xFFFFC800  }
0xd9: {  	[hbm4b:s24+s2] =	stream.linear.scatter [tilespmem:s6], [sflag:$0x1], $0x3800, $0x38;
	[tilespmem:$0x3E80] =	vst v63  }
0xda: {  	_ =	swait.ge [sflag:s3], $0x3800  }
0xdb: {  	[sflag:s3] =	ssyncset.done $0x0  }
0xdc: {  	[sflag:s3] =	ssyncadd.s32 $0xFFFFC800  }
0xdd: {  	[tilespmem:s6], [sflag:$0x1] =	stream.indirect.gather [hbm4b:s4+s5], $0x80, s25, s5, $0xb8;
	[tilespmem:$0x3E80] =	vst v63  }
0xde: {  	_ =	swait.ge [sflag:s3], $0x3800  }
0xdf: {  	[sflag:s3] =	ssyncset.done $0x0  }
0xe0: {  	[sflag:s3] =	ssyncadd.s32 $0xFFFFC800  }
0xe1: {  	[hbm4b:s26+s2] =	stream.linear.scatter [tilespmem:s6], [sflag:$0x1], $0x3800, $0x38;
	[tilespmem:$0x3E80] =	vst v63  }
0xe2: {  	_ =	swait.ge [sflag:s3], $0x3800  }
0xe3: {  	[sflag:s3] =	ssyncset.done $0x0  }
0xe4: {  	[sflag:s3] =	ssyncadd.s32 $0xFFFFC800  }
0xe5: {  	[tilespmem:s6], [sflag:$0x1] =	stream.indirect.gather [hbm4b:s4+s5], $0x80, s28, s5, $0xb8;
	[tilespmem:$0x3E80] =	vst v63  }
0xe6: {  	_ =	swait.ge [sflag:s3], $0x3800  }
0xe7: {  	[sflag:s3] =	ssyncset.done $0x0  }
0xe8: {  	[sflag:s3] =	ssyncadd.s32 $0xFFFFC800  }
0xe9: {  	[hbm4b:s29+s2] =	stream.linear.scatter [tilespmem:s6], [sflag:$0x1], $0x3800, $0x38;
	[tilespmem:$0x3E80] =	vst v63  }
0xea: {  	_ =	swait.ge [sflag:s3], $0x3800  }
0xeb: {  	[sflag:s3] =	ssyncset.done $0x0  }
0xec: {  	p0 =	sne.s32 s1, $0x1;
	[sflag:s3] =	ssyncadd.s32 $0xFFFFC800  }
0xed: {  	[tilespmem:s6], [sflag:$0x1] =	stream.indirect.gather [hbm4b:s4+s5], $0x80, s30, s5, $0xb8;
	[tilespmem:$0x3E80] =	vst v63  }
.Ltmp1:
0xee: {  	_ =	swait.ge [sflag:s3], $0x3800;
	(pc) =	sbr.rel @p0 .LBB2_1-.Ltmp1, $4  }
0xef: {  	[sflag:s3] =	ssyncset.done $0x0  }
0xf0: {  	[sflag:s3] =	ssyncadd.s32 $0xFFFFC800  }
0xf1: {  	[hbm4b:s31+s2] =	stream.linear.scatter [tilespmem:s6], [sflag:$0x1], $0x3800, $0x38;
	[tilespmem:$0x3E80] =	vst v63  }
0xf2: {  	s1 =	sadd.s32 $0xFFFFFFFF, s1;
	_ =	swait.ge [sflag:s3], $0x3800  }
.LBB2_2:
0xf3: {  	[sflag:s3] =	ssyncset.done $0x0  }
0xf4: {  	[sflag:s3] =	ssyncadd.s32 $0xFFFFC800  }
0xf5: {  	_ =	sfence.sel $0x180000  }
0xf6: {  	[bflag:$0x0] =	sbarrier.arrive $0xFFFF  }
0xf7: {  	_ =	strace $0x90000047  }
0xf8: {  	s0 =	stileid.u32;
	[bflag:$0x2] =	sbarrier.arrive $0xFFFF  }
0xf9: {  	p0 =	sne.s32 s0, $0x0;
	s0 =	rddreg [dreg:$0x1]  }
0xfa: {  	s0 =	sadd.s32 @!p0 $0x100000, s0  }
0xfb: {  	[sflag:s0] =	ssyncadd.tile.s32 @!p0 $0x1;
	_ =	shalt  }
.Lfunc_end2:
_tile_overlayer_lowered:
.L_overlay_start_2:
0xfc: {  	(tag) =	ssettag $0x2  }
0xfd: {  	s0 =	rddreg [dreg:$0x0];
	s2 =	stileid.u32  }
0xfe: {  	s1 =	rddreg [dreg:$0x1];
	p0 =	sne.s32 s2, $0x0  }
0xff: {  	s3 =	rddreg [dreg:$0x2];
	[bflag:$0x3] =	sbarrier.arrive $0xFFFF;
	s2 =	simm.s32 @!p0 $0x1C01  }
0x100: {  	[timem:s3], [sflag:s2] =	dma.local @!p0 [hbm:s0], s1  }
0x101: {  	s0 =	simm.s32 @!p0 $0x1  }
0x102: {  	_ =	swait.ge @!p0 [sflag:s0], s1  }
0x103: {  	s1 =	ssub.s32 @!p0 $0x0, s1;
	[sflag:s0] =	ssyncset.done @!p0 $0x0  }
0x104: {  	[sflag:s0] =	ssyncadd.s32 @!p0 s1  }
0x105: {  	[bflag:$0x3] =	sbarrier.arrive $0xFFFF  }
0x106: {  	_ =	shalt  }

</sc_bundles>
